<compile_context>
chip_gen: v7x
topology: tpu7x:2x2x1
jax: 0.10.2.dev20260603
libtpu: 0.0.44.dev20260713+nightly
codegen_flags: <defaults>
</compile_context>

<pallas_src>
import functools

import jax
import jax.numpy as jnp
from jax import lax
from jax.experimental import pallas as pl
from jax.experimental.pallas import tpu as pltpu
from jax.experimental.pallas import tpu_sc as plsc

B = 16384
D = 64
NC = 2
NS = 16
NW = NC * NS
B_PER_W = B // NW
L = 16
N_GROUPS = B_PER_W // L


def _start_pair(uet_hbm, iet_hbm, ue_bufs, ie_bufs, sems, ucol, icol, p):
    cu = pltpu.make_async_copy(uet_hbm.at[:, pl.ds(ucol, 128)],
                               ue_bufs[p], sems[2 * p])
    ci = pltpu.make_async_copy(iet_hbm.at[:, pl.ds(icol, 128)],
                               ie_bufs[p], sems[2 * p + 1])
    cu.start()
    ci.start()


def _wait_pair(uet_hbm, iet_hbm, ue_bufs, ie_bufs, sems, p):
    pltpu.make_async_copy(uet_hbm.at[:, pl.ds(0, 128)],
                          ue_bufs[p], sems[2 * p]).wait()
    pltpu.make_async_copy(iet_hbm.at[:, pl.ds(0, 128)],
                          ie_bufs[p], sems[2 * p + 1]).wait()


def _body(u_hbm, i_hbm, uet_hbm, iet_hbm, out_hbm,
          u_idx, i_idx, ue_t0, ue_t1, ue_t2, ue_t3,
          ie_t0, ie_t1, ie_t2, ie_t3, out_v,
          s0, s1, s2, s3, s4, s5, s6, s7):
    wid = lax.axis_index("s") * NC + lax.axis_index("c")
    base = wid * B_PER_W

    pltpu.sync_copy(u_hbm.at[pl.ds(base, B_PER_W)],
                    u_idx.at[pl.ds(0, B_PER_W)])
    pltpu.sync_copy(i_hbm.at[pl.ds(base, B_PER_W)],
                    i_idx.at[pl.ds(0, B_PER_W)])

    ue_bufs = (ue_t0, ue_t1, ue_t2, ue_t3)
    ie_bufs = (ie_t0, ie_t1, ie_t2, ie_t3)
    sems = (s0, s1, s2, s3, s4, s5, s6, s7)
    lane = lax.iota(jnp.int32, L)

    def col_of(vec16, bb):
        return pl.multiple_of((vec16[bb] >> 7) * 128, 128)

    u16_0 = u_idx[pl.ds(0, L)]
    i16_0 = i_idx[pl.ds(0, L)]
    for p0 in range(4):
        _start_pair(uet_hbm, iet_hbm, ue_bufs, ie_bufs, sems,
                    col_of(u16_0, p0), col_of(i16_0, p0), p0)

    def group(g, carry):
        gbase = g * L
        u16 = u_idx[pl.ds(gbase, L)]
        i16 = i_idx[pl.ds(gbase, L)]
        u16n = u_idx[pl.ds(gbase + L, L)]
        i16n = i_idx[pl.ds(gbase + L, L)]
        ui16 = u16 & 127
        ii16 = i16 & 127
        acc = jnp.zeros((L,), jnp.float32)
        for bb in range(L):
            p = bb & 3
            _wait_pair(uet_hbm, iet_hbm, ue_bufs, ie_bufs, sems, p)

            ui = ui16[bb]
            ii = ii16[bb]
            uiv = jnp.full((L,), ui, jnp.int32)
            iiv = jnp.full((L,), ii, jnp.int32)
            ueb = ue_bufs[p]
            ieb = ie_bufs[p]
            prod = jnp.zeros((L,), jnp.float32)
            for c in range(D // L):
                rows = c * L + lane
                uv = plsc.load_gather(ueb, [rows, uiv])
                iv = plsc.load_gather(ieb, [rows, iiv])
                prod = prod + uv * iv
            acc = jnp.where(lane == bb, jnp.sum(prod), acc)

            nxt = gbase + bb + 4
            if bb < L - 4:
                ucol_n = col_of(u16, bb + 4)
                icol_n = col_of(i16, bb + 4)
            else:
                ucol_n = col_of(u16n, bb - (L - 4))
                icol_n = col_of(i16n, bb - (L - 4))

            @pl.when(nxt < B_PER_W)
            def _():
                _start_pair(uet_hbm, iet_hbm, ue_bufs, ie_bufs, sems,
                            ucol_n, icol_n, p)

        out_v[pl.ds(gbase, L)] = acc
        return carry

    lax.fori_loop(0, N_GROUPS, group, 0)

    pltpu.sync_copy(out_v, out_hbm.at[pl.ds(base, B_PER_W)])


@jax.jit
def _score(u, i, uet, iet):
    mesh = plsc.VectorSubcoreMesh(core_axis_name="c", subcore_axis_name="s")
    f = functools.partial(
        pl.kernel,
        out_type=jax.ShapeDtypeStruct((B,), jnp.float32),
        mesh=mesh,
        compiler_params=pltpu.CompilerParams(needs_layout_passes=False),
        scratch_types=[
            pltpu.VMEM((B_PER_W + L,), jnp.int32),
            pltpu.VMEM((B_PER_W + L,), jnp.int32),
        ] + [pltpu.VMEM((D, 128), jnp.float32)] * 8
        + [pltpu.VMEM((B_PER_W,), jnp.float32)]
        + [pltpu.SemaphoreType.DMA] * 8,
    )(_body)
    return f(u, i, uet, iet)


def kernel(u, i, user_emb, item_emb):
    return _score(u, i, user_emb.T, item_emb.T)

# --- scband reference (transcript-rebuilt; emitter-appended) ---
"""Pipeline reference for scband-bprmf-38371237822658 (READ-ONLY COPY).

The authoritative reference and input builder live on the scoring server;
editing this copy changes nothing except your own understanding.
"""

import jax, jax.numpy as jnp
import numpy as np

N_USERS = 1000000
N_ITEMS = 1000000
EMB_DIM = 64
BATCH = 16384

def setup_inputs(seed: int = 0) -> dict:
    key = jax.random.key(seed)
    k_u, k_i, k_ue, k_ie = jax.random.split(key, 4)
    u = jax.random.randint(k_u, (BATCH,), 0, N_USERS, dtype=jnp.int64 if jax.config.jax_enable_x64 else jnp.int32)
    i = jax.random.randint(k_i, (BATCH,), 0, N_ITEMS, dtype=jnp.int64 if jax.config.jax_enable_x64 else jnp.int32)
    user_emb = jax.random.normal(k_ue, (N_USERS, EMB_DIM), dtype=jnp.float32) * 0.01
    item_emb = jax.random.normal(k_ie, (N_ITEMS, EMB_DIM), dtype=jnp.float32) * 0.01
    return {"u": u, "i": i, "user_emb": user_emb, "item_emb": item_emb}

def reference(u, i, user_emb, item_emb):
    # Faithful translation of BPRMF.forward: dot product of user/item embeddings
    ue = jnp.take(user_emb, u, axis=0)   # gather [B, D]
    ie = jnp.take(item_emb, i, axis=0)   # gather [B, D]
    return (ue * ie).sum(-1)             # [B]

if __name__ == "__main__":
    import jax
    _d = setup_inputs()
    print(jax.jit(kernel)(*tuple(_d.values())))

</pallas_src>

<mosaic_0001>
#map = affine_map<(d0, d1) -> (0)>
#map1 = affine_map<(d0, d1) -> (0, 0)>
module attributes {stable_mosaic.version = 14 : i64} {
  func.func @_body(%arg0: i32, %arg1: i32, %arg2: memref<16384xi32, #tpu.memory_space<hbm>>, %arg3: memref<16384xi32, #tpu.memory_space<hbm>>, %arg4: memref<64x1000000xf32, #tpu.memory_space<hbm>>, %arg5: memref<64x1000000xf32, #tpu.memory_space<hbm>>, %arg6: memref<16384xf32, #tpu.memory_space<hbm>>, %arg7: memref<528xi32, #tpu.memory_space<vmem>>, %arg8: memref<528xi32, #tpu.memory_space<vmem>>, %arg9: memref<64x128xf32, #tpu.memory_space<vmem>>, %arg10: memref<64x128xf32, #tpu.memory_space<vmem>>, %arg11: memref<64x128xf32, #tpu.memory_space<vmem>>, %arg12: memref<64x128xf32, #tpu.memory_space<vmem>>, %arg13: memref<64x128xf32, #tpu.memory_space<vmem>>, %arg14: memref<64x128xf32, #tpu.memory_space<vmem>>, %arg15: memref<64x128xf32, #tpu.memory_space<vmem>>, %arg16: memref<64x128xf32, #tpu.memory_space<vmem>>, %arg17: memref<512xf32, #tpu.memory_space<vmem>>, %arg18: memref<!tpu.dma_semaphore, #tpu.memory_space<semaphore_mem>>, %arg19: memref<!tpu.dma_semaphore, #tpu.memory_space<semaphore_mem>>, %arg20: memref<!tpu.dma_semaphore, #tpu.memory_space<semaphore_mem>>, %arg21: memref<!tpu.dma_semaphore, #tpu.memory_space<semaphore_mem>>, %arg22: memref<!tpu.dma_semaphore, #tpu.memory_space<semaphore_mem>>, %arg23: memref<!tpu.dma_semaphore, #tpu.memory_space<semaphore_mem>>, %arg24: memref<!tpu.dma_semaphore, #tpu.memory_space<semaphore_mem>>, %arg25: memref<!tpu.dma_semaphore, #tpu.memory_space<semaphore_mem>>) attributes {dimension_semantics = [#tpu.dimension_semantics<core_parallel>, #tpu.dimension_semantics<subcore_parallel>], iteration_bounds = array<i64: 2, 16>, scalar_prefetch = 0 : i64, scratch_operands = 19 : i64, tpu.core_type = #tpu.core_type<sc_vector_subcore>, window_params = [{transform_indices = #map}, {transform_indices = #map}, {transform_indices = #map1}, {transform_indices = #map1}, {transform_indices = #map}]} {
    %mul3A = arith.constant 2 : i32
    %mul3A_0 = arith.muli %arg1, %mul3A : i32
    %add3A = arith.addi %mul3A_0, %arg0 : i32
    %mul3A_1 = arith.constant 512 : i32
    %mul3A_2 = arith.muli %add3A, %mul3A_1 : i32
    "tpu.region"() ({
      %run_scoped3A = tpu.sem_alloc : memref<!tpu.dma_semaphore, #tpu.memory_space<semaphore_mem>>
      %dma_start3A_94 = arith.constant 0 : i32
      %dma_start3A_95 = tpu.memref_slice %arg7[%dma_start3A_94] : memref<528xi32, #tpu.memory_space<vmem>> -> memref<512xi32, #tpu.memory_space<vmem>>
      %dma_start3A_96 = tpu.memref_slice %arg2[%mul3A_2] : memref<16384xi32, #tpu.memory_space<hbm>> -> memref<512xi32, #tpu.memory_space<hbm>>
      %dma_start3A_97 = arith.constant 0 : i32
      %dma_start3A_98 = tpu.memref_slice %arg7[%dma_start3A_97] : memref<528xi32, #tpu.memory_space<vmem>> -> memref<512xi32, #tpu.memory_space<vmem>>
      %dma_start3A_99 = tpu.memref_slice %arg2[%mul3A_2] : memref<16384xi32, #tpu.memory_space<hbm>> -> memref<512xi32, #tpu.memory_space<hbm>>
      tpu.enqueue_dma source(%dma_start3A_99 : memref<512xi32, #tpu.memory_space<hbm>>) target(%dma_start3A_98 : memref<512xi32, #tpu.memory_space<vmem>>) target_semaphore(%run_scoped3A : memref<!tpu.dma_semaphore, #tpu.memory_space<semaphore_mem>>)
      %dma_wait3A = arith.constant 0 : i32
      %dma_wait3A_100 = tpu.memref_slice %arg7[%dma_wait3A] : memref<528xi32, #tpu.memory_space<vmem>> -> memref<512xi32, #tpu.memory_space<vmem>>
      %dma_wait3A_101 = tpu.memref_slice %arg2[%mul3A_2] : memref<16384xi32, #tpu.memory_space<hbm>> -> memref<512xi32, #tpu.memory_space<hbm>>
      %dma_wait3A_102 = arith.constant 0 : i32
      %dma_wait3A_103 = tpu.memref_slice %arg7[%dma_wait3A_102] : memref<528xi32, #tpu.memory_space<vmem>> -> memref<512xi32, #tpu.memory_space<vmem>>
      %dma_wait3A_104 = tpu.memref_slice %arg2[%mul3A_2] : memref<16384xi32, #tpu.memory_space<hbm>> -> memref<512xi32, #tpu.memory_space<hbm>>
      tpu.wait_dma2 semaphore(%run_scoped3A : memref<!tpu.dma_semaphore, #tpu.memory_space<semaphore_mem>>) src(%dma_wait3A_104 : memref<512xi32, #tpu.memory_space<hbm>>) dst(%dma_wait3A_103 : memref<512xi32, #tpu.memory_space<vmem>>)
      tpu.yield
    }) : () -> ()
    "tpu.region"() ({
      %run_scoped3A = tpu.sem_alloc : memref<!tpu.dma_semaphore, #tpu.memory_space<semaphore_mem>>
      %dma_start3A_94 = arith.constant 0 : i32
      %dma_start3A_95 = tpu.memref_slice %arg8[%dma_start3A_94] : memref<528xi32, #tpu.memory_space<vmem>> -> memref<512xi32, #tpu.memory_space<vmem>>
      %dma_start3A_96 = tpu.memref_slice %arg3[%mul3A_2] : memref<16384xi32, #tpu.memory_space<hbm>> -> memref<512xi32, #tpu.memory_space<hbm>>
      %dma_start3A_97 = arith.constant 0 : i32
      %dma_start3A_98 = tpu.memref_slice %arg8[%dma_start3A_97] : memref<528xi32, #tpu.memory_space<vmem>> -> memref<512xi32, #tpu.memory_space<vmem>>
      %dma_start3A_99 = tpu.memref_slice %arg3[%mul3A_2] : memref<16384xi32, #tpu.memory_space<hbm>> -> memref<512xi32, #tpu.memory_space<hbm>>
      tpu.enqueue_dma source(%dma_start3A_99 : memref<512xi32, #tpu.memory_space<hbm>>) target(%dma_start3A_98 : memref<512xi32, #tpu.memory_space<vmem>>) target_semaphore(%run_scoped3A : memref<!tpu.dma_semaphore, #tpu.memory_space<semaphore_mem>>)
      %dma_wait3A = arith.constant 0 : i32
      %dma_wait3A_100 = tpu.memref_slice %arg8[%dma_wait3A] : memref<528xi32, #tpu.memory_space<vmem>> -> memref<512xi32, #tpu.memory_space<vmem>>
      %dma_wait3A_101 = tpu.memref_slice %arg3[%mul3A_2] : memref<16384xi32, #tpu.memory_space<hbm>> -> memref<512xi32, #tpu.memory_space<hbm>>
      %dma_wait3A_102 = arith.constant 0 : i32
      %dma_wait3A_103 = tpu.memref_slice %arg8[%dma_wait3A_102] : memref<528xi32, #tpu.memory_space<vmem>> -> memref<512xi32, #tpu.memory_space<vmem>>
      %dma_wait3A_104 = tpu.memref_slice %arg3[%mul3A_2] : memref<16384xi32, #tpu.memory_space<hbm>> -> memref<512xi32, #tpu.memory_space<hbm>>
      tpu.wait_dma2 semaphore(%run_scoped3A : memref<!tpu.dma_semaphore, #tpu.memory_space<semaphore_mem>>) src(%dma_wait3A_104 : memref<512xi32, #tpu.memory_space<hbm>>) dst(%dma_wait3A_103 : memref<512xi32, #tpu.memory_space<vmem>>)
      tpu.yield
    }) : () -> ()
    %iota3A = tpu.iota {dimensions = array<i32: 0>} : vector<16xi32>
    %get3A = arith.constant 0 : index
    %get3A_3 = tpu.vector_load %arg7[%get3A] {strides = array<i32>} : memref<528xi32, #tpu.memory_space<vmem>>, vector<16xi32>,
    %get3A_4 = arith.constant 0 : index
    %get3A_5 = tpu.vector_load %arg8[%get3A_4] {strides = array<i32>} : memref<528xi32, #tpu.memory_space<vmem>>, vector<16xi32>,
    %slice3A = vector.extract_strided_slice %get3A_3 {offsets = [0], sizes = [1], strides = [1]} : vector<16xi32> to vector<1xi32>
    %squeeze3A = vector.extract %slice3A[0] : i32 from vector<1xi32>
    %shift_right_arithmetic3A = arith.constant 7 : i32
    %shift_right_arithmetic3A_6 = arith.shrsi %squeeze3A, %shift_right_arithmetic3A : i32
    %mul3A_7 = arith.constant 128 : i32
    %mul3A_8 = arith.muli %shift_right_arithmetic3A_6, %mul3A_7 : i32
    %multiple_of3A = tpu.assume_multiple %mul3A_8, 128 : i32
    %slice3A_9 = vector.extract_strided_slice %get3A_5 {offsets = [0], sizes = [1], strides = [1]} : vector<16xi32> to vector<1xi32>
    %squeeze3A_10 = vector.extract %slice3A_9[0] : i32 from vector<1xi32>
    %shift_right_arithmetic3A_11 = arith.constant 7 : i32
    %shift_right_arithmetic3A_12 = arith.shrsi %squeeze3A_10, %shift_right_arithmetic3A_11 : i32
    %mul3A_13 = arith.constant 128 : i32
    %mul3A_14 = arith.muli %shift_right_arithmetic3A_12, %mul3A_13 : i32
    %multiple_of3A_15 = tpu.assume_multiple %mul3A_14, 128 : i32
    %dma_start3A = arith.constant 0 : i32
    %dma_start3A_16 = tpu.memref_slice %arg4[%dma_start3A, %multiple_of3A] : memref<64x1000000xf32, #tpu.memory_space<hbm>> -> memref<64x128xf32, #tpu.memory_space<hbm>>
    %dma_start3A_17 = arith.constant 0 : i32
    %dma_start3A_18 = tpu.memref_slice %arg4[%dma_start3A_17, %multiple_of3A] : memref<64x1000000xf32, #tpu.memory_space<hbm>> -> memref<64x128xf32, #tpu.memory_space<hbm>>
    tpu.enqueue_dma source(%dma_start3A_18 : memref<64x128xf32, #tpu.memory_space<hbm>>) target(%arg9 : memref<64x128xf32, #tpu.memory_space<vmem>>) target_semaphore(%arg18 : memref<!tpu.dma_semaphore, #tpu.memory_space<semaphore_mem>>)
    %dma_start3A_19 = arith.constant 0 : i32
    %dma_start3A_20 = tpu.memref_slice %arg5[%dma_start3A_19, %multiple_of3A_15] : memref<64x1000000xf32, #tpu.memory_space<hbm>> -> memref<64x128xf32, #tpu.memory_space<hbm>>
    %dma_start3A_21 = arith.constant 0 : i32
    %dma_start3A_22 = tpu.memref_slice %arg5[%dma_start3A_21, %multiple_of3A_15] : memref<64x1000000xf32, #tpu.memory_space<hbm>> -> memref<64x128xf32, #tpu.memory_space<hbm>>
    tpu.enqueue_dma source(%dma_start3A_22 : memref<64x128xf32, #tpu.memory_space<hbm>>) target(%arg13 : memref<64x128xf32, #tpu.memory_space<vmem>>) target_semaphore(%arg19 : memref<!tpu.dma_semaphore, #tpu.memory_space<semaphore_mem>>)
    %slice3A_23 = vector.extract_strided_slice %get3A_3 {offsets = [1], sizes = [1], strides = [1]} : vector<16xi32> to vector<1xi32>
    %squeeze3A_24 = vector.extract %slice3A_23[0] : i32 from vector<1xi32>
    %shift_right_arithmetic3A_25 = arith.constant 7 : i32
    %shift_right_arithmetic3A_26 = arith.shrsi %squeeze3A_24, %shift_right_arithmetic3A_25 : i32
    %mul3A_27 = arith.constant 128 : i32
    %mul3A_28 = arith.muli %shift_right_arithmetic3A_26, %mul3A_27 : i32
    %multiple_of3A_29 = tpu.assume_multiple %mul3A_28, 128 : i32
    %slice3A_30 = vector.extract_strided_slice %get3A_5 {offsets = [1], sizes = [1], strides = [1]} : vector<16xi32> to vector<1xi32>
    %squeeze3A_31 = vector.extract %slice3A_30[0] : i32 from vector<1xi32>
    %shift_right_arithmetic3A_32 = arith.constant 7 : i32
    %shift_right_arithmetic3A_33 = arith.shrsi %squeeze3A_31, %shift_right_arithmetic3A_32 : i32
    %mul3A_34 = arith.constant 128 : i32
    %mul3A_35 = arith.muli %shift_right_arithmetic3A_33, %mul3A_34 : i32
    %multiple_of3A_36 = tpu.assume_multiple %mul3A_35, 128 : i32
    %dma_start3A_37 = arith.constant 0 : i32
    %dma_start3A_38 = tpu.memref_slice %arg4[%dma_start3A_37, %multiple_of3A_29] : memref<64x1000000xf32, #tpu.memory_space<hbm>> -> memref<64x128xf32, #tpu.memory_space<hbm>>
    %dma_start3A_39 = arith.constant 0 : i32
    %dma_start3A_40 = tpu.memref_slice %arg4[%dma_start3A_39, %multiple_of3A_29] : memref<64x1000000xf32, #tpu.memory_space<hbm>> -> memref<64x128xf32, #tpu.memory_space<hbm>>
    tpu.enqueue_dma source(%dma_start3A_40 : memref<64x128xf32, #tpu.memory_space<hbm>>) target(%arg10 : memref<64x128xf32, #tpu.memory_space<vmem>>) target_semaphore(%arg20 : memref<!tpu.dma_semaphore, #tpu.memory_space<semaphore_mem>>)
    %dma_start3A_41 = arith.constant 0 : i32
    %dma_start3A_42 = tpu.memref_slice %arg5[%dma_start3A_41, %multiple_of3A_36] : memref<64x1000000xf32, #tpu.memory_space<hbm>> -> memref<64x128xf32, #tpu.memory_space<hbm>>
    %dma_start3A_43 = arith.constant 0 : i32
    %dma_start3A_44 = tpu.memref_slice %arg5[%dma_start3A_43, %multiple_of3A_36] : memref<64x1000000xf32, #tpu.memory_space<hbm>> -> memref<64x128xf32, #tpu.memory_space<hbm>>
    tpu.enqueue_dma source(%dma_start3A_44 : memref<64x128xf32, #tpu.memory_space<hbm>>) target(%arg14 : memref<64x128xf32, #tpu.memory_space<vmem>>) target_semaphore(%arg21 : memref<!tpu.dma_semaphore, #tpu.memory_space<semaphore_mem>>)
    %slice3A_45 = vector.extract_strided_slice %get3A_3 {offsets = [2], sizes = [1], strides = [1]} : vector<16xi32> to vector<1xi32>
    %squeeze3A_46 = vector.extract %slice3A_45[0] : i32 from vector<1xi32>
    %shift_right_arithmetic3A_47 = arith.constant 7 : i32
    %shift_right_arithmetic3A_48 = arith.shrsi %squeeze3A_46, %shift_right_arithmetic3A_47 : i32
    %mul3A_49 = arith.constant 128 : i32
    %mul3A_50 = arith.muli %shift_right_arithmetic3A_48, %mul3A_49 : i32
    %multiple_of3A_51 = tpu.assume_multiple %mul3A_50, 128 : i32
    %slice3A_52 = vector.extract_strided_slice %get3A_5 {offsets = [2], sizes = [1], strides = [1]} : vector<16xi32> to vector<1xi32>
    %squeeze3A_53 = vector.extract %slice3A_52[0] : i32 from vector<1xi32>
    %shift_right_arithmetic3A_54 = arith.constant 7 : i32
    %shift_right_arithmetic3A_55 = arith.shrsi %squeeze3A_53, %shift_right_arithmetic3A_54 : i32
    %mul3A_56 = arith.constant 128 : i32
    %mul3A_57 = arith.muli %shift_right_arithmetic3A_55, %mul3A_56 : i32
    %multiple_of3A_58 = tpu.assume_multiple %mul3A_57, 128 : i32
    %dma_start3A_59 = arith.constant 0 : i32
    %dma_start3A_60 = tpu.memref_slice %arg4[%dma_start3A_59, %multiple_of3A_51] : memref<64x1000000xf32, #tpu.memory_space<hbm>> -> memref<64x128xf32, #tpu.memory_space<hbm>>
    %dma_start3A_61 = arith.constant 0 : i32
    %dma_start3A_62 = tpu.memref_slice %arg4[%dma_start3A_61, %multiple_of3A_51] : memref<64x1000000xf32, #tpu.memory_space<hbm>> -> memref<64x128xf32, #tpu.memory_space<hbm>>
    tpu.enqueue_dma source(%dma_start3A_62 : memref<64x128xf32, #tpu.memory_space<hbm>>) target(%arg11 : memref<64x128xf32, #tpu.memory_space<vmem>>) target_semaphore(%arg22 : memref<!tpu.dma_semaphore, #tpu.memory_space<semaphore_mem>>)
    %dma_start3A_63 = arith.constant 0 : i32
    %dma_start3A_64 = tpu.memref_slice %arg5[%dma_start3A_63, %multiple_of3A_58] : memref<64x1000000xf32, #tpu.memory_space<hbm>> -> memref<64x128xf32, #tpu.memory_space<hbm>>
    %dma_start3A_65 = arith.constant 0 : i32
    %dma_start3A_66 = tpu.memref_slice %arg5[%dma_start3A_65, %multiple_of3A_58] : memref<64x1000000xf32, #tpu.memory_space<hbm>> -> memref<64x128xf32, #tpu.memory_space<hbm>>
    tpu.enqueue_dma source(%dma_start3A_66 : memref<64x128xf32, #tpu.memory_space<hbm>>) target(%arg15 : memref<64x128xf32, #tpu.memory_space<vmem>>) target_semaphore(%arg23 : memref<!tpu.dma_semaphore, #tpu.memory_space<semaphore_mem>>)
    %slice3A_67 = vector.extract_strided_slice %get3A_3 {offsets = [3], sizes = [1], strides = [1]} : vector<16xi32> to vector<1xi32>
    %squeeze3A_68 = vector.extract %slice3A_67[0] : i32 from vector<1xi32>
    %shift_right_arithmetic3A_69 = arith.constant 7 : i32
    %shift_right_arithmetic3A_70 = arith.shrsi %squeeze3A_68, %shift_right_arithmetic3A_69 : i32
    %mul3A_71 = arith.constant 128 : i32
    %mul3A_72 = arith.muli %shift_right_arithmetic3A_70, %mul3A_71 : i32
    %multiple_of3A_73 = tpu.assume_multiple %mul3A_72, 128 : i32
    %slice3A_74 = vector.extract_strided_slice %get3A_5 {offsets = [3], sizes = [1], strides = [1]} : vector<16xi32> to vector<1xi32>
    %squeeze3A_75 = vector.extract %slice3A_74[0] : i32 from vector<1xi32>
    %shift_right_arithmetic3A_76 = arith.constant 7 : i32
    %shift_right_arithmetic3A_77 = arith.shrsi %squeeze3A_75, %shift_right_arithmetic3A_76 : i32
    %mul3A_78 = arith.constant 128 : i32
    %mul3A_79 = arith.muli %shift_right_arithmetic3A_77, %mul3A_78 : i32
    %multiple_of3A_80 = tpu.assume_multiple %mul3A_79, 128 : i32
    %dma_start3A_81 = arith.constant 0 : i32
    %dma_start3A_82 = tpu.memref_slice %arg4[%dma_start3A_81, %multiple_of3A_73] : memref<64x1000000xf32, #tpu.memory_space<hbm>> -> memref<64x128xf32, #tpu.memory_space<hbm>>
    %dma_start3A_83 = arith.constant 0 : i32
    %dma_start3A_84 = tpu.memref_slice %arg4[%dma_start3A_83, %multiple_of3A_73] : memref<64x1000000xf32, #tpu.memory_space<hbm>> -> memref<64x128xf32, #tpu.memory_space<hbm>>
    tpu.enqueue_dma source(%dma_start3A_84 : memref<64x128xf32, #tpu.memory_space<hbm>>) target(%arg12 : memref<64x128xf32, #tpu.memory_space<vmem>>) target_semaphore(%arg24 : memref<!tpu.dma_semaphore, #tpu.memory_space<semaphore_mem>>)
    %dma_start3A_85 = arith.constant 0 : i32
    %dma_start3A_86 = tpu.memref_slice %arg5[%dma_start3A_85, %multiple_of3A_80] : memref<64x1000000xf32, #tpu.memory_space<hbm>> -> memref<64x128xf32, #tpu.memory_space<hbm>>
    %dma_start3A_87 = arith.constant 0 : i32
    %dma_start3A_88 = tpu.memref_slice %arg5[%dma_start3A_87, %multiple_of3A_80] : memref<64x1000000xf32, #tpu.memory_space<hbm>> -> memref<64x128xf32, #tpu.memory_space<hbm>>
    tpu.enqueue_dma source(%dma_start3A_88 : memref<64x128xf32, #tpu.memory_space<hbm>>) target(%arg16 : memref<64x128xf32, #tpu.memory_space<vmem>>) target_semaphore(%arg25 : memref<!tpu.dma_semaphore, #tpu.memory_space<semaphore_mem>>)
    %scan3A = arith.constant 0 : i32
    %scan3A_89 = arith.constant 0 : i32
    %scan3A_90 = arith.constant 32 : i32
    %scan3A_91 = arith.addi %scan3A_89, %scan3A_90 : i32
    %scan3A_92 = arith.constant 1 : i32
    scf.for %scan3A_94 = %scan3A_89 to %scan3A_91 step %scan3A_92  : i32 {
      %mul3A_95 = arith.constant 16 : i32
      %mul3A_96 = arith.muli %scan3A_94, %mul3A_95 : i32
      %get3A_97 = arith.index_cast %mul3A_96 : i32 to index
      %get3A_98 = tpu.vector_load %arg7[%get3A_97] {strides = array<i32>} : memref<528xi32, #tpu.memory_space<vmem>>, vector<16xi32>,
      %get3A_99 = arith.index_cast %mul3A_96 : i32 to index
      %get3A_100 = tpu.vector_load %arg8[%get3A_99] {strides = array<i32>} : memref<528xi32, #tpu.memory_space<vmem>>, vector<16xi32>,
      %add3A_101 = arith.constant 16 : i32
      %add3A_102 = arith.addi %mul3A_96, %add3A_101 : i32
      %get3A_103 = arith.index_cast %add3A_102 : i32 to index
      %get3A_104 = tpu.vector_load %arg7[%get3A_103] {strides = array<i32>} : memref<528xi32, #tpu.memory_space<vmem>>, vector<16xi32>,
      %add3A_105 = arith.constant 16 : i32
      %add3A_106 = arith.addi %mul3A_96, %add3A_105 : i32
      %get3A_107 = arith.index_cast %add3A_106 : i32 to index
      %get3A_108 = tpu.vector_load %arg8[%get3A_107] {strides = array<i32>} : memref<528xi32, #tpu.memory_space<vmem>>, vector<16xi32>,
      %and3A = arith.constant 127 : i32
      %and3A_109 = vector.broadcast %and3A : i32 to vector<16xi32>
      %and3A_110 = arith.andi %get3A_98, %and3A_109 : vector<16xi32>
      %and3A_111 = arith.constant 127 : i32
      %and3A_112 = vector.broadcast %and3A_111 : i32 to vector<16xi32>
      %and3A_113 = arith.andi %get3A_100, %and3A_112 : vector<16xi32>
      %broadcast_in_dim3A = arith.constant 0.000000e+00 : f32
      %broadcast_in_dim3A_114 = vector.broadcast %broadcast_in_dim3A : f32 to vector<16xf32>
      %dma_wait3A = arith.constant 0 : i32
      %dma_wait3A_115 = arith.constant 0 : i32
      %dma_wait3A_116 = tpu.memref_slice %arg4[%dma_wait3A, %dma_wait3A_115] : memref<64x1000000xf32, #tpu.memory_space<hbm>> -> memref<64x128xf32, #tpu.memory_space<hbm>>
      %dma_wait3A_117 = arith.constant 0 : i32
      %dma_wait3A_118 = arith.constant 0 : i32
      %dma_wait3A_119 = tpu.memref_slice %arg4[%dma_wait3A_117, %dma_wait3A_118] : memref<64x1000000xf32, #tpu.memory_space<hbm>> -> memref<64x128xf32, #tpu.memory_space<hbm>>
      tpu.wait_dma2 semaphore(%arg18 : memref<!tpu.dma_semaphore, #tpu.memory_space<semaphore_mem>>) src(%dma_wait3A_119 : memref<64x128xf32, #tpu.memory_space<hbm>>) dst(%arg9 : memref<64x128xf32, #tpu.memory_space<vmem>>)
      %dma_wait3A_120 = arith.constant 0 : i32
      %dma_wait3A_121 = arith.constant 0 : i32
      %dma_wait3A_122 = tpu.memref_slice %arg5[%dma_wait3A_120, %dma_wait3A_121] : memref<64x1000000xf32, #tpu.memory_space<hbm>> -> memref<64x128xf32, #tpu.memory_space<hbm>>
      %dma_wait3A_123 = arith.constant 0 : i32
      %dma_wait3A_124 = arith.constant 0 : i32
      %dma_wait3A_125 = tpu.memref_slice %arg5[%dma_wait3A_123, %dma_wait3A_124] : memref<64x1000000xf32, #tpu.memory_space<hbm>> -> memref<64x128xf32, #tpu.memory_space<hbm>>
      tpu.wait_dma2 semaphore(%arg19 : memref<!tpu.dma_semaphore, #tpu.memory_space<semaphore_mem>>) src(%dma_wait3A_125 : memref<64x128xf32, #tpu.memory_space<hbm>>) dst(%arg13 : memref<64x128xf32, #tpu.memory_space<vmem>>)
      %slice3A_126 = vector.extract_strided_slice %and3A_110 {offsets = [0], sizes = [1], strides = [1]} : vector<16xi32> to vector<1xi32>
      %squeeze3A_127 = vector.extract %slice3A_126[0] : i32 from vector<1xi32>
      %slice3A_128 = vector.extract_strided_slice %and3A_113 {offsets = [0], sizes = [1], strides = [1]} : vector<16xi32> to vector<1xi32>
      %squeeze3A_129 = vector.extract %slice3A_128[0] : i32 from vector<1xi32>
      %broadcast_in_dim3A_130 = vector.broadcast %squeeze3A_127 : i32 to vector<16xi32>
      %broadcast_in_dim3A_131 = vector.broadcast %squeeze3A_129 : i32 to vector<16xi32>
      %broadcast_in_dim3A_132 = arith.constant 0.000000e+00 : f32
      %broadcast_in_dim3A_133 = vector.broadcast %broadcast_in_dim3A_132 : f32 to vector<16xf32>
      %add3A_134 = arith.constant 0 : i32
      %add3A_135 = vector.broadcast %add3A_134 : i32 to vector<16xi32>
      %add3A_136 = arith.addi %add3A_135, %iota3A : vector<16xi32>
      %gather3A = tpu.vector_load_idx %arg9[%add3A_136, %broadcast_in_dim3A_130] : memref<64x128xf32, #tpu.memory_space<vmem>>[vector<16xi32>, vector<16xi32>], vector<16xf32>,
      %gather3A_137 = tpu.vector_load_idx %arg13[%add3A_136, %broadcast_in_dim3A_131] : memref<64x128xf32, #tpu.memory_space<vmem>>[vector<16xi32>, vector<16xi32>], vector<16xf32>,
      %mul3A_138 = arith.mulf %gather3A, %gather3A_137 : vector<16xf32>
      %add3A_139 = arith.addf %broadcast_in_dim3A_133, %mul3A_138 : vector<16xf32>
      %add3A_140 = arith.constant 16 : i32
      %add3A_141 = vector.broadcast %add3A_140 : i32 to vector<16xi32>
      %add3A_142 = arith.addi %add3A_141, %iota3A : vector<16xi32>
      %gather3A_143 = tpu.vector_load_idx %arg9[%add3A_142, %broadcast_in_dim3A_130] : memref<64x128xf32, #tpu.memory_space<vmem>>[vector<16xi32>, vector<16xi32>], vector<16xf32>,
      %gather3A_144 = tpu.vector_load_idx %arg13[%add3A_142, %broadcast_in_dim3A_131] : memref<64x128xf32, #tpu.memory_space<vmem>>[vector<16xi32>, vector<16xi32>], vector<16xf32>,
      %mul3A_145 = arith.mulf %gather3A_143, %gather3A_144 : vector<16xf32>
      %add3A_146 = arith.addf %add3A_139, %mul3A_145 : vector<16xf32>
      %add3A_147 = arith.constant 32 : i32
      %add3A_148 = vector.broadcast %add3A_147 : i32 to vector<16xi32>
      %add3A_149 = arith.addi %add3A_148, %iota3A : vector<16xi32>
      %gather3A_150 = tpu.vector_load_idx %arg9[%add3A_149, %broadcast_in_dim3A_130] : memref<64x128xf32, #tpu.memory_space<vmem>>[vector<16xi32>, vector<16xi32>], vector<16xf32>,
      %gather3A_151 = tpu.vector_load_idx %arg13[%add3A_149, %broadcast_in_dim3A_131] : memref<64x128xf32, #tpu.memory_space<vmem>>[vector<16xi32>, vector<16xi32>], vector<16xf32>,
      %mul3A_152 = arith.mulf %gather3A_150, %gather3A_151 : vector<16xf32>
      %add3A_153 = arith.addf %add3A_146, %mul3A_152 : vector<16xf32>
      %add3A_154 = arith.constant 48 : i32
      %add3A_155 = vector.broadcast %add3A_154 : i32 to vector<16xi32>
      %add3A_156 = arith.addi %add3A_155, %iota3A : vector<16xi32>
      %gather3A_157 = tpu.vector_load_idx %arg9[%add3A_156, %broadcast_in_dim3A_130] : memref<64x128xf32, #tpu.memory_space<vmem>>[vector<16xi32>, vector<16xi32>], vector<16xf32>,
      %gather3A_158 = tpu.vector_load_idx %arg13[%add3A_156, %broadcast_in_dim3A_131] : memref<64x128xf32, #tpu.memory_space<vmem>>[vector<16xi32>, vector<16xi32>], vector<16xf32>,
      %mul3A_159 = arith.mulf %gather3A_157, %gather3A_158 : vector<16xf32>
      %add3A_160 = arith.addf %add3A_153, %mul3A_159 : vector<16xf32>
      %eq3A = arith.constant 0 : i32
      %eq3A_161 = vector.broadcast %eq3A : i32 to vector<16xi32>
      %eq3A_162 = arith.cmpi eq, %iota3A, %eq3A_161 : vector<16xi32>
      %reduce_sum3A = arith.constant true
      %reduce_sum3A_163 = vector.broadcast %reduce_sum3A : i1 to vector<16xi1>
      %reduce_sum3A_164 = tpu.scan <sum>, %add3A_160 masked %reduce_sum3A_163 : vector<16xf32>, vector<16xi1> -> vector<16xf32>
      %reduce_sum3A_165 = vector.extract %reduce_sum3A_164[15] : f32 from vector<16xf32>
      %broadcast_in_dim3A_166 = vector.broadcast %reduce_sum3A_165 : f32 to vector<16xf32>
      %select_n3A = arith.select %eq3A_162, %broadcast_in_dim3A_166, %broadcast_in_dim3A_114 : vector<16xi1>, vector<16xf32>
      %add3A_167 = arith.constant 0 : i32
      %add3A_168 = arith.addi %mul3A_96, %add3A_167 : i32
      %add3A_169 = arith.constant 4 : i32
      %add3A_170 = arith.addi %add3A_168, %add3A_169 : i32
      %slice3A_171 = vector.extract_strided_slice %get3A_98 {offsets = [4], sizes = [1], strides = [1]} : vector<16xi32> to vector<1xi32>
      %squeeze3A_172 = vector.extract %slice3A_171[0] : i32 from vector<1xi32>
      %shift_right_arithmetic3A_173 = arith.constant 7 : i32
      %shift_right_arithmetic3A_174 = arith.shrsi %squeeze3A_172, %shift_right_arithmetic3A_173 : i32
      %mul3A_175 = arith.constant 128 : i32
      %mul3A_176 = arith.muli %shift_right_arithmetic3A_174, %mul3A_175 : i32
      %multiple_of3A_177 = tpu.assume_multiple %mul3A_176, 128 : i32
      %slice3A_178 = vector.extract_strided_slice %get3A_100 {offsets = [4], sizes = [1], strides = [1]} : vector<16xi32> to vector<1xi32>
      %squeeze3A_179 = vector.extract %slice3A_178[0] : i32 from vector<1xi32>
      %shift_right_arithmetic3A_180 = arith.constant 7 : i32
      %shift_right_arithmetic3A_181 = arith.shrsi %squeeze3A_179, %shift_right_arithmetic3A_180 : i32
      %mul3A_182 = arith.constant 128 : i32
      %mul3A_183 = arith.muli %shift_right_arithmetic3A_181, %mul3A_182 : i32
      %multiple_of3A_184 = tpu.assume_multiple %mul3A_183, 128 : i32
      %lt3A = arith.constant 512 : i32
      %lt3A_185 = arith.cmpi slt, %add3A_170, %lt3A : i32
      %convert_element_type3A = arith.extui %lt3A_185 : i1 to i32
      %cond3A = arith.constant 0 : i32
      %cond3A_186 = arith.cmpi ne, %convert_element_type3A, %cond3A : i32
      scf.if %cond3A_186 {
        %dma_start3A_1388 = arith.constant 0 : i32
        %dma_start3A_1389 = tpu.memref_slice %arg4[%dma_start3A_1388, %multiple_of3A_177] : memref<64x1000000xf32, #tpu.memory_space<hbm>> -> memref<64x128xf32, #tpu.memory_space<hbm>>
        %dma_start3A_1390 = arith.constant 0 : i32
        %dma_start3A_1391 = tpu.memref_slice %arg4[%dma_start3A_1390, %multiple_of3A_177] : memref<64x1000000xf32, #tpu.memory_space<hbm>> -> memref<64x128xf32, #tpu.memory_space<hbm>>
        tpu.enqueue_dma source(%dma_start3A_1391 : memref<64x128xf32, #tpu.memory_space<hbm>>) target(%arg9 : memref<64x128xf32, #tpu.memory_space<vmem>>) target_semaphore(%arg18 : memref<!tpu.dma_semaphore, #tpu.memory_space<semaphore_mem>>)
        %dma_start3A_1392 = arith.constant 0 : i32
        %dma_start3A_1393 = tpu.memref_slice %arg5[%dma_start3A_1392, %multiple_of3A_184] : memref<64x1000000xf32, #tpu.memory_space<hbm>> -> memref<64x128xf32, #tpu.memory_space<hbm>>
        %dma_start3A_1394 = arith.constant 0 : i32
        %dma_start3A_1395 = tpu.memref_slice %arg5[%dma_start3A_1394, %multiple_of3A_184] : memref<64x1000000xf32, #tpu.memory_space<hbm>> -> memref<64x128xf32, #tpu.memory_space<hbm>>
        tpu.enqueue_dma source(%dma_start3A_1395 : memref<64x128xf32, #tpu.memory_space<hbm>>) target(%arg13 : memref<64x128xf32, #tpu.memory_space<vmem>>) target_semaphore(%arg19 : memref<!tpu.dma_semaphore, #tpu.memory_space<semaphore_mem>>)
      } else {
      }
      %dma_wait3A_187 = arith.constant 0 : i32
      %dma_wait3A_188 = arith.constant 0 : i32
      %dma_wait3A_189 = tpu.memref_slice %arg4[%dma_wait3A_187, %dma_wait3A_188] : memref<64x1000000xf32, #tpu.memory_space<hbm>> -> memref<64x128xf32, #tpu.memory_space<hbm>>
      %dma_wait3A_190 = arith.constant 0 : i32
      %dma_wait3A_191 = arith.constant 0 : i32
      %dma_wait3A_192 = tpu.memref_slice %arg4[%dma_wait3A_190, %dma_wait3A_191] : memref<64x1000000xf32, #tpu.memory_space<hbm>> -> memref<64x128xf32, #tpu.memory_space<hbm>>
      tpu.wait_dma2 semaphore(%arg20 : memref<!tpu.dma_semaphore, #tpu.memory_space<semaphore_mem>>) src(%dma_wait3A_192 : memref<64x128xf32, #tpu.memory_space<hbm>>) dst(%arg10 : memref<64x128xf32, #tpu.memory_space<vmem>>)
      %dma_wait3A_193 = arith.constant 0 : i32
      %dma_wait3A_194 = arith.constant 0 : i32
      %dma_wait3A_195 = tpu.memref_slice %arg5[%dma_wait3A_193, %dma_wait3A_194] : memref<64x1000000xf32, #tpu.memory_space<hbm>> -> memref<64x128xf32, #tpu.memory_space<hbm>>
      %dma_wait3A_196 = arith.constant 0 : i32
      %dma_wait3A_197 = arith.constant 0 : i32
      %dma_wait3A_198 = tpu.memref_slice %arg5[%dma_wait3A_196, %dma_wait3A_197] : memref<64x1000000xf32, #tpu.memory_space<hbm>> -> memref<64x128xf32, #tpu.memory_space<hbm>>
      tpu.wait_dma2 semaphore(%arg21 : memref<!tpu.dma_semaphore, #tpu.memory_space<semaphore_mem>>) src(%dma_wait3A_198 : memref<64x128xf32, #tpu.memory_space<hbm>>) dst(%arg14 : memref<64x128xf32, #tpu.memory_space<vmem>>)
      %slice3A_199 = vector.extract_strided_slice %and3A_110 {offsets = [1], sizes = [1], strides = [1]} : vector<16xi32> to vector<1xi32>
      %squeeze3A_200 = vector.extract %slice3A_199[0] : i32 from vector<1xi32>
      %slice3A_201 = vector.extract_strided_slice %and3A_113 {offsets = [1], sizes = [1], strides = [1]} : vector<16xi32> to vector<1xi32>
      %squeeze3A_202 = vector.extract %slice3A_201[0] : i32 from vector<1xi32>
      %broadcast_in_dim3A_203 = vector.broadcast %squeeze3A_200 : i32 to vector<16xi32>
      %broadcast_in_dim3A_204 = vector.broadcast %squeeze3A_202 : i32 to vector<16xi32>
      %broadcast_in_dim3A_205 = arith.constant 0.000000e+00 : f32
      %broadcast_in_dim3A_206 = vector.broadcast %broadcast_in_dim3A_205 : f32 to vector<16xf32>
      %add3A_207 = arith.constant 0 : i32
      %add3A_208 = vector.broadcast %add3A_207 : i32 to vector<16xi32>
      %add3A_209 = arith.addi %add3A_208, %iota3A : vector<16xi32>
      %gather3A_210 = tpu.vector_load_idx %arg10[%add3A_209, %broadcast_in_dim3A_203] : memref<64x128xf32, #tpu.memory_space<vmem>>[vector<16xi32>, vector<16xi32>], vector<16xf32>,
      %gather3A_211 = tpu.vector_load_idx %arg14[%add3A_209, %broadcast_in_dim3A_204] : memref<64x128xf32, #tpu.memory_space<vmem>>[vector<16xi32>, vector<16xi32>], vector<16xf32>,
      %mul3A_212 = arith.mulf %gather3A_210, %gather3A_211 : vector<16xf32>
      %add3A_213 = arith.addf %broadcast_in_dim3A_206, %mul3A_212 : vector<16xf32>
      %add3A_214 = arith.constant 16 : i32
      %add3A_215 = vector.broadcast %add3A_214 : i32 to vector<16xi32>
      %add3A_216 = arith.addi %add3A_215, %iota3A : vector<16xi32>
      %gather3A_217 = tpu.vector_load_idx %arg10[%add3A_216, %broadcast_in_dim3A_203] : memref<64x128xf32, #tpu.memory_space<vmem>>[vector<16xi32>, vector<16xi32>], vector<16xf32>,
      %gather3A_218 = tpu.vector_load_idx %arg14[%add3A_216, %broadcast_in_dim3A_204] : memref<64x128xf32, #tpu.memory_space<vmem>>[vector<16xi32>, vector<16xi32>], vector<16xf32>,
      %mul3A_219 = arith.mulf %gather3A_217, %gather3A_218 : vector<16xf32>
      %add3A_220 = arith.addf %add3A_213, %mul3A_219 : vector<16xf32>
      %add3A_221 = arith.constant 32 : i32
      %add3A_222 = vector.broadcast %add3A_221 : i32 to vector<16xi32>
      %add3A_223 = arith.addi %add3A_222, %iota3A : vector<16xi32>
      %gather3A_224 = tpu.vector_load_idx %arg10[%add3A_223, %broadcast_in_dim3A_203] : memref<64x128xf32, #tpu.memory_space<vmem>>[vector<16xi32>, vector<16xi32>], vector<16xf32>,
      %gather3A_225 = tpu.vector_load_idx %arg14[%add3A_223, %broadcast_in_dim3A_204] : memref<64x128xf32, #tpu.memory_space<vmem>>[vector<16xi32>, vector<16xi32>], vector<16xf32>,
      %mul3A_226 = arith.mulf %gather3A_224, %gather3A_225 : vector<16xf32>
      %add3A_227 = arith.addf %add3A_220, %mul3A_226 : vector<16xf32>
      %add3A_228 = arith.constant 48 : i32
      %add3A_229 = vector.broadcast %add3A_228 : i32 to vector<16xi32>
      %add3A_230 = arith.addi %add3A_229, %iota3A : vector<16xi32>
      %gather3A_231 = tpu.vector_load_idx %arg10[%add3A_230, %broadcast_in_dim3A_203] : memref<64x128xf32, #tpu.memory_space<vmem>>[vector<16xi32>, vector<16xi32>], vector<16xf32>,
      %gather3A_232 = tpu.vector_load_idx %arg14[%add3A_230, %broadcast_in_dim3A_204] : memref<64x128xf32, #tpu.memory_space<vmem>>[vector<16xi32>, vector<16xi32>], vector<16xf32>,
      %mul3A_233 = arith.mulf %gather3A_231, %gather3A_232 : vector<16xf32>
      %add3A_234 = arith.addf %add3A_227, %mul3A_233 : vector<16xf32>
      %eq3A_235 = arith.constant 1 : i32
      %eq3A_236 = vector.broadcast %eq3A_235 : i32 to vector<16xi32>
      %eq3A_237 = arith.cmpi eq, %iota3A, %eq3A_236 : vector<16xi32>
      %reduce_sum3A_238 = arith.constant true
      %reduce_sum3A_239 = vector.broadcast %reduce_sum3A_238 : i1 to vector<16xi1>
      %reduce_sum3A_240 = tpu.scan <sum>, %add3A_234 masked %reduce_sum3A_239 : vector<16xf32>, vector<16xi1> -> vector<16xf32>
      %reduce_sum3A_241 = vector.extract %reduce_sum3A_240[15] : f32 from vector<16xf32>
      %broadcast_in_dim3A_242 = vector.broadcast %reduce_sum3A_241 : f32 to vector<16xf32>
      %select_n3A_243 = arith.select %eq3A_237, %broadcast_in_dim3A_242, %select_n3A : vector<16xi1>, vector<16xf32>
      %add3A_244 = arith.constant 1 : i32
      %add3A_245 = arith.addi %mul3A_96, %add3A_244 : i32
      %add3A_246 = arith.constant 4 : i32
      %add3A_247 = arith.addi %add3A_245, %add3A_246 : i32
      %slice3A_248 = vector.extract_strided_slice %get3A_98 {offsets = [5], sizes = [1], strides = [1]} : vector<16xi32> to vector<1xi32>
      %squeeze3A_249 = vector.extract %slice3A_248[0] : i32 from vector<1xi32>
      %shift_right_arithmetic3A_250 = arith.constant 7 : i32
      %shift_right_arithmetic3A_251 = arith.shrsi %squeeze3A_249, %shift_right_arithmetic3A_250 : i32
      %mul3A_252 = arith.constant 128 : i32
      %mul3A_253 = arith.muli %shift_right_arithmetic3A_251, %mul3A_252 : i32
      %multiple_of3A_254 = tpu.assume_multiple %mul3A_253, 128 : i32
      %slice3A_255 = vector.extract_strided_slice %get3A_100 {offsets = [5], sizes = [1], strides = [1]} : vector<16xi32> to vector<1xi32>
      %squeeze3A_256 = vector.extract %slice3A_255[0] : i32 from vector<1xi32>
      %shift_right_arithmetic3A_257 = arith.constant 7 : i32
      %shift_right_arithmetic3A_258 = arith.shrsi %squeeze3A_256, %shift_right_arithmetic3A_257 : i32
      %mul3A_259 = arith.constant 128 : i32
      %mul3A_260 = arith.muli %shift_right_arithmetic3A_258, %mul3A_259 : i32
      %multiple_of3A_261 = tpu.assume_multiple %mul3A_260, 128 : i32
      %lt3A_262 = arith.constant 512 : i32
      %lt3A_263 = arith.cmpi slt, %add3A_247, %lt3A_262 : i32
      %convert_element_type3A_264 = arith.extui %lt3A_263 : i1 to i32
      %cond3A_265 = arith.constant 0 : i32
      %cond3A_266 = arith.cmpi ne, %convert_element_type3A_264, %cond3A_265 : i32
      scf.if %cond3A_266 {
        %dma_start3A_1388 = arith.constant 0 : i32
        %dma_start3A_1389 = tpu.memref_slice %arg4[%dma_start3A_1388, %multiple_of3A_254] : memref<64x1000000xf32, #tpu.memory_space<hbm>> -> memref<64x128xf32, #tpu.memory_space<hbm>>
        %dma_start3A_1390 = arith.constant 0 : i32
        %dma_start3A_1391 = tpu.memref_slice %arg4[%dma_start3A_1390, %multiple_of3A_254] : memref<64x1000000xf32, #tpu.memory_space<hbm>> -> memref<64x128xf32, #tpu.memory_space<hbm>>
        tpu.enqueue_dma source(%dma_start3A_1391 : memref<64x128xf32, #tpu.memory_space<hbm>>) target(%arg10 : memref<64x128xf32, #tpu.memory_space<vmem>>) target_semaphore(%arg20 : memref<!tpu.dma_semaphore, #tpu.memory_space<semaphore_mem>>)
        %dma_start3A_1392 = arith.constant 0 : i32
        %dma_start3A_1393 = tpu.memref_slice %arg5[%dma_start3A_1392, %multiple_of3A_261] : memref<64x1000000xf32, #tpu.memory_space<hbm>> -> memref<64x128xf32, #tpu.memory_space<hbm>>
        %dma_start3A_1394 = arith.constant 0 : i32
        %dma_start3A_1395 = tpu.memref_slice %arg5[%dma_start3A_1394, %multiple_of3A_261] : memref<64x1000000xf32, #tpu.memory_space<hbm>> -> memref<64x128xf32, #tpu.memory_space<hbm>>
        tpu.enqueue_dma source(%dma_start3A_1395 : memref<64x128xf32, #tpu.memory_space<hbm>>) target(%arg14 : memref<64x128xf32, #tpu.memory_space<vmem>>) target_semaphore(%arg21 : memref<!tpu.dma_semaphore, #tpu.memory_space<semaphore_mem>>)
      } else {
      }
      %dma_wait3A_267 = arith.constant 0 : i32
      %dma_wait3A_268 = arith.constant 0 : i32
      %dma_wait3A_269 = tpu.memref_slice %arg4[%dma_wait3A_267, %dma_wait3A_268] : memref<64x1000000xf32, #tpu.memory_space<hbm>> -> memref<64x128xf32, #tpu.memory_space<hbm>>
      %dma_wait3A_270 = arith.constant 0 : i32
      %dma_wait3A_271 = arith.constant 0 : i32
      %dma_wait3A_272 = tpu.memref_slice %arg4[%dma_wait3A_270, %dma_wait3A_271] : memref<64x1000000xf32, #tpu.memory_space<hbm>> -> memref<64x128xf32, #tpu.memory_space<hbm>>
      tpu.wait_dma2 semaphore(%arg22 : memref<!tpu.dma_semaphore, #tpu.memory_space<semaphore_mem>>) src(%dma_wait3A_272 : memref<64x128xf32, #tpu.memory_space<hbm>>) dst(%arg11 : memref<64x128xf32, #tpu.memory_space<vmem>>)
      %dma_wait3A_273 = arith.constant 0 : i32
      %dma_wait3A_274 = arith.constant 0 : i32
      %dma_wait3A_275 = tpu.memref_slice %arg5[%dma_wait3A_273, %dma_wait3A_274] : memref<64x1000000xf32, #tpu.memory_space<hbm>> -> memref<64x128xf32, #tpu.memory_space<hbm>>
      %dma_wait3A_276 = arith.constant 0 : i32
      %dma_wait3A_277 = arith.constant 0 : i32
      %dma_wait3A_278 = tpu.memref_slice %arg5[%dma_wait3A_276, %dma_wait3A_277] : memref<64x1000000xf32, #tpu.memory_space<hbm>> -> memref<64x128xf32, #tpu.memory_space<hbm>>
      tpu.wait_dma2 semaphore(%arg23 : memref<!tpu.dma_semaphore, #tpu.memory_space<semaphore_mem>>) src(%dma_wait3A_278 : memref<64x128xf32, #tpu.memory_space<hbm>>) dst(%arg15 : memref<64x128xf32, #tpu.memory_space<vmem>>)
      %slice3A_279 = vector.extract_strided_slice %and3A_110 {offsets = [2], sizes = [1], strides = [1]} : vector<16xi32> to vector<1xi32>
      %squeeze3A_280 = vector.extract %slice3A_279[0] : i32 from vector<1xi32>
      %slice3A_281 = vector.extract_strided_slice %and3A_113 {offsets = [2], sizes = [1], strides = [1]} : vector<16xi32> to vector<1xi32>
      %squeeze3A_282 = vector.extract %slice3A_281[0] : i32 from vector<1xi32>
      %broadcast_in_dim3A_283 = vector.broadcast %squeeze3A_280 : i32 to vector<16xi32>
      %broadcast_in_dim3A_284 = vector.broadcast %squeeze3A_282 : i32 to vector<16xi32>
      %broadcast_in_dim3A_285 = arith.constant 0.000000e+00 : f32
      %broadcast_in_dim3A_286 = vector.broadcast %broadcast_in_dim3A_285 : f32 to vector<16xf32>
      %add3A_287 = arith.constant 0 : i32
      %add3A_288 = vector.broadcast %add3A_287 : i32 to vector<16xi32>
      %add3A_289 = arith.addi %add3A_288, %iota3A : vector<16xi32>
      %gather3A_290 = tpu.vector_load_idx %arg11[%add3A_289, %broadcast_in_dim3A_283] : memref<64x128xf32, #tpu.memory_space<vmem>>[vector<16xi32>, vector<16xi32>], vector<16xf32>,
      %gather3A_291 = tpu.vector_load_idx %arg15[%add3A_289, %broadcast_in_dim3A_284] : memref<64x128xf32, #tpu.memory_space<vmem>>[vector<16xi32>, vector<16xi32>], vector<16xf32>,
      %mul3A_292 = arith.mulf %gather3A_290, %gather3A_291 : vector<16xf32>
      %add3A_293 = arith.addf %broadcast_in_dim3A_286, %mul3A_292 : vector<16xf32>
      %add3A_294 = arith.constant 16 : i32
      %add3A_295 = vector.broadcast %add3A_294 : i32 to vector<16xi32>
      %add3A_296 = arith.addi %add3A_295, %iota3A : vector<16xi32>
      %gather3A_297 = tpu.vector_load_idx %arg11[%add3A_296, %broadcast_in_dim3A_283] : memref<64x128xf32, #tpu.memory_space<vmem>>[vector<16xi32>, vector<16xi32>], vector<16xf32>,
      %gather3A_298 = tpu.vector_load_idx %arg15[%add3A_296, %broadcast_in_dim3A_284] : memref<64x128xf32, #tpu.memory_space<vmem>>[vector<16xi32>, vector<16xi32>], vector<16xf32>,
      %mul3A_299 = arith.mulf %gather3A_297, %gather3A_298 : vector<16xf32>
      %add3A_300 = arith.addf %add3A_293, %mul3A_299 : vector<16xf32>
      %add3A_301 = arith.constant 32 : i32
      %add3A_302 = vector.broadcast %add3A_301 : i32 to vector<16xi32>
      %add3A_303 = arith.addi %add3A_302, %iota3A : vector<16xi32>
      %gather3A_304 = tpu.vector_load_idx %arg11[%add3A_303, %broadcast_in_dim3A_283] : memref<64x128xf32, #tpu.memory_space<vmem>>[vector<16xi32>, vector<16xi32>], vector<16xf32>,
      %gather3A_305 = tpu.vector_load_idx %arg15[%add3A_303, %broadcast_in_dim3A_284] : memref<64x128xf32, #tpu.memory_space<vmem>>[vector<16xi32>, vector<16xi32>], vector<16xf32>,
      %mul3A_306 = arith.mulf %gather3A_304, %gather3A_305 : vector<16xf32>
      %add3A_307 = arith.addf %add3A_300, %mul3A_306 : vector<16xf32>
      %add3A_308 = arith.constant 48 : i32
      %add3A_309 = vector.broadcast %add3A_308 : i32 to vector<16xi32>
      %add3A_310 = arith.addi %add3A_309, %iota3A : vector<16xi32>
      %gather3A_311 = tpu.vector_load_idx %arg11[%add3A_310, %broadcast_in_dim3A_283] : memref<64x128xf32, #tpu.memory_space<vmem>>[vector<16xi32>, vector<16xi32>], vector<16xf32>,
      %gather3A_312 = tpu.vector_load_idx %arg15[%add3A_310, %broadcast_in_dim3A_284] : memref<64x128xf32, #tpu.memory_space<vmem>>[vector<16xi32>, vector<16xi32>], vector<16xf32>,
      %mul3A_313 = arith.mulf %gather3A_311, %gather3A_312 : vector<16xf32>
      %add3A_314 = arith.addf %add3A_307, %mul3A_313 : vector<16xf32>
      %eq3A_315 = arith.constant 2 : i32
      %eq3A_316 = vector.broadcast %eq3A_315 : i32 to vector<16xi32>
      %eq3A_317 = arith.cmpi eq, %iota3A, %eq3A_316 : vector<16xi32>
      %reduce_sum3A_318 = arith.constant true
      %reduce_sum3A_319 = vector.broadcast %reduce_sum3A_318 : i1 to vector<16xi1>
      %reduce_sum3A_320 = tpu.scan <sum>, %add3A_314 masked %reduce_sum3A_319 : vector<16xf32>, vector<16xi1> -> vector<16xf32>
      %reduce_sum3A_321 = vector.extract %reduce_sum3A_320[15] : f32 from vector<16xf32>
      %broadcast_in_dim3A_322 = vector.broadcast %reduce_sum3A_321 : f32 to vector<16xf32>
      %select_n3A_323 = arith.select %eq3A_317, %broadcast_in_dim3A_322, %select_n3A_243 : vector<16xi1>, vector<16xf32>
      %add3A_324 = arith.constant 2 : i32
      %add3A_325 = arith.addi %mul3A_96, %add3A_324 : i32
      %add3A_326 = arith.constant 4 : i32
      %add3A_327 = arith.addi %add3A_325, %add3A_326 : i32
      %slice3A_328 = vector.extract_strided_slice %get3A_98 {offsets = [6], sizes = [1], strides = [1]} : vector<16xi32> to vector<1xi32>
      %squeeze3A_329 = vector.extract %slice3A_328[0] : i32 from vector<1xi32>
      %shift_right_arithmetic3A_330 = arith.constant 7 : i32
      %shift_right_arithmetic3A_331 = arith.shrsi %squeeze3A_329, %shift_right_arithmetic3A_330 : i32
      %mul3A_332 = arith.constant 128 : i32
      %mul3A_333 = arith.muli %shift_right_arithmetic3A_331, %mul3A_332 : i32
      %multiple_of3A_334 = tpu.assume_multiple %mul3A_333, 128 : i32
      %slice3A_335 = vector.extract_strided_slice %get3A_100 {offsets = [6], sizes = [1], strides = [1]} : vector<16xi32> to vector<1xi32>
      %squeeze3A_336 = vector.extract %slice3A_335[0] : i32 from vector<1xi32>
      %shift_right_arithmetic3A_337 = arith.constant 7 : i32
      %shift_right_arithmetic3A_338 = arith.shrsi %squeeze3A_336, %shift_right_arithmetic3A_337 : i32
      %mul3A_339 = arith.constant 128 : i32
      %mul3A_340 = arith.muli %shift_right_arithmetic3A_338, %mul3A_339 : i32
      %multiple_of3A_341 = tpu.assume_multiple %mul3A_340, 128 : i32
      %lt3A_342 = arith.constant 512 : i32
      %lt3A_343 = arith.cmpi slt, %add3A_327, %lt3A_342 : i32
      %convert_element_type3A_344 = arith.extui %lt3A_343 : i1 to i32
      %cond3A_345 = arith.constant 0 : i32
      %cond3A_346 = arith.cmpi ne, %convert_element_type3A_344, %cond3A_345 : i32
      scf.if %cond3A_346 {
        %dma_start3A_1388 = arith.constant 0 : i32
        %dma_start3A_1389 = tpu.memref_slice %arg4[%dma_start3A_1388, %multiple_of3A_334] : memref<64x1000000xf32, #tpu.memory_space<hbm>> -> memref<64x128xf32, #tpu.memory_space<hbm>>
        %dma_start3A_1390 = arith.constant 0 : i32
        %dma_start3A_1391 = tpu.memref_slice %arg4[%dma_start3A_1390, %multiple_of3A_334] : memref<64x1000000xf32, #tpu.memory_space<hbm>> -> memref<64x128xf32, #tpu.memory_space<hbm>>
        tpu.enqueue_dma source(%dma_start3A_1391 : memref<64x128xf32, #tpu.memory_space<hbm>>) target(%arg11 : memref<64x128xf32, #tpu.memory_space<vmem>>) target_semaphore(%arg22 : memref<!tpu.dma_semaphore, #tpu.memory_space<semaphore_mem>>)
        %dma_start3A_1392 = arith.constant 0 : i32
        %dma_start3A_1393 = tpu.memref_slice %arg5[%dma_start3A_1392, %multiple_of3A_341] : memref<64x1000000xf32, #tpu.memory_space<hbm>> -> memref<64x128xf32, #tpu.memory_space<hbm>>
        %dma_start3A_1394 = arith.constant 0 : i32
        %dma_start3A_1395 = tpu.memref_slice %arg5[%dma_start3A_1394, %multiple_of3A_341] : memref<64x1000000xf32, #tpu.memory_space<hbm>> -> memref<64x128xf32, #tpu.memory_space<hbm>>
        tpu.enqueue_dma source(%dma_start3A_1395 : memref<64x128xf32, #tpu.memory_space<hbm>>) target(%arg15 : memref<64x128xf32, #tpu.memory_space<vmem>>) target_semaphore(%arg23 : memref<!tpu.dma_semaphore, #tpu.memory_space<semaphore_mem>>)
      } else {
      }
      %dma_wait3A_347 = arith.constant 0 : i32
      %dma_wait3A_348 = arith.constant 0 : i32
      %dma_wait3A_349 = tpu.memref_slice %arg4[%dma_wait3A_347, %dma_wait3A_348] : memref<64x1000000xf32, #tpu.memory_space<hbm>> -> memref<64x128xf32, #tpu.memory_space<hbm>>
      %dma_wait3A_350 = arith.constant 0 : i32
      %dma_wait3A_351 = arith.constant 0 : i32
      %dma_wait3A_352 = tpu.memref_slice %arg4[%dma_wait3A_350, %dma_wait3A_351] : memref<64x1000000xf32, #tpu.memory_space<hbm>> -> memref<64x128xf32, #tpu.memory_space<hbm>>
      tpu.wait_dma2 semaphore(%arg24 : memref<!tpu.dma_semaphore, #tpu.memory_space<semaphore_mem>>) src(%dma_wait3A_352 : memref<64x128xf32, #tpu.memory_space<hbm>>) dst(%arg12 : memref<64x128xf32, #tpu.memory_space<vmem>>)
      %dma_wait3A_353 = arith.constant 0 : i32
      %dma_wait3A_354 = arith.constant 0 : i32
      %dma_wait3A_355 = tpu.memref_slice %arg5[%dma_wait3A_353, %dma_wait3A_354] : memref<64x1000000xf32, #tpu.memory_space<hbm>> -> memref<64x128xf32, #tpu.memory_space<hbm>>
      %dma_wait3A_356 = arith.constant 0 : i32
      %dma_wait3A_357 = arith.constant 0 : i32
      %dma_wait3A_358 = tpu.memref_slice %arg5[%dma_wait3A_356, %dma_wait3A_357] : memref<64x1000000xf32, #tpu.memory_space<hbm>> -> memref<64x128xf32, #tpu.memory_space<hbm>>
      tpu.wait_dma2 semaphore(%arg25 : memref<!tpu.dma_semaphore, #tpu.memory_space<semaphore_mem>>) src(%dma_wait3A_358 : memref<64x128xf32, #tpu.memory_space<hbm>>) dst(%arg16 : memref<64x128xf32, #tpu.memory_space<vmem>>)
      %slice3A_359 = vector.extract_strided_slice %and3A_110 {offsets = [3], sizes = [1], strides = [1]} : vector<16xi32> to vector<1xi32>
      %squeeze3A_360 = vector.extract %slice3A_359[0] : i32 from vector<1xi32>
      %slice3A_361 = vector.extract_strided_slice %and3A_113 {offsets = [3], sizes = [1], strides = [1]} : vector<16xi32> to vector<1xi32>
      %squeeze3A_362 = vector.extract %slice3A_361[0] : i32 from vector<1xi32>
      %broadcast_in_dim3A_363 = vector.broadcast %squeeze3A_360 : i32 to vector<16xi32>
      %broadcast_in_dim3A_364 = vector.broadcast %squeeze3A_362 : i32 to vector<16xi32>
      %broadcast_in_dim3A_365 = arith.constant 0.000000e+00 : f32
      %broadcast_in_dim3A_366 = vector.broadcast %broadcast_in_dim3A_365 : f32 to vector<16xf32>
      %add3A_367 = arith.constant 0 : i32
      %add3A_368 = vector.broadcast %add3A_367 : i32 to vector<16xi32>
      %add3A_369 = arith.addi %add3A_368, %iota3A : vector<16xi32>
      %gather3A_370 = tpu.vector_load_idx %arg12[%add3A_369, %broadcast_in_dim3A_363] : memref<64x128xf32, #tpu.memory_space<vmem>>[vector<16xi32>, vector<16xi32>], vector<16xf32>,
      %gather3A_371 = tpu.vector_load_idx %arg16[%add3A_369, %broadcast_in_dim3A_364] : memref<64x128xf32, #tpu.memory_space<vmem>>[vector<16xi32>, vector<16xi32>], vector<16xf32>,
      %mul3A_372 = arith.mulf %gather3A_370, %gather3A_371 : vector<16xf32>
      %add3A_373 = arith.addf %broadcast_in_dim3A_366, %mul3A_372 : vector<16xf32>
      %add3A_374 = arith.constant 16 : i32
      %add3A_375 = vector.broadcast %add3A_374 : i32 to vector<16xi32>
      %add3A_376 = arith.addi %add3A_375, %iota3A : vector<16xi32>
      %gather3A_377 = tpu.vector_load_idx %arg12[%add3A_376, %broadcast_in_dim3A_363] : memref<64x128xf32, #tpu.memory_space<vmem>>[vector<16xi32>, vector<16xi32>], vector<16xf32>,
      %gather3A_378 = tpu.vector_load_idx %arg16[%add3A_376, %broadcast_in_dim3A_364] : memref<64x128xf32, #tpu.memory_space<vmem>>[vector<16xi32>, vector<16xi32>], vector<16xf32>,
      %mul3A_379 = arith.mulf %gather3A_377, %gather3A_378 : vector<16xf32>
      %add3A_380 = arith.addf %add3A_373, %mul3A_379 : vector<16xf32>
      %add3A_381 = arith.constant 32 : i32
      %add3A_382 = vector.broadcast %add3A_381 : i32 to vector<16xi32>
      %add3A_383 = arith.addi %add3A_382, %iota3A : vector<16xi32>
      %gather3A_384 = tpu.vector_load_idx %arg12[%add3A_383, %broadcast_in_dim3A_363] : memref<64x128xf32, #tpu.memory_space<vmem>>[vector<16xi32>, vector<16xi32>], vector<16xf32>,
      %gather3A_385 = tpu.vector_load_idx %arg16[%add3A_383, %broadcast_in_dim3A_364] : memref<64x128xf32, #tpu.memory_space<vmem>>[vector<16xi32>, vector<16xi32>], vector<16xf32>,
      %mul3A_386 = arith.mulf %gather3A_384, %gather3A_385 : vector<16xf32>
      %add3A_387 = arith.addf %add3A_380, %mul3A_386 : vector<16xf32>
      %add3A_388 = arith.constant 48 : i32
      %add3A_389 = vector.broadcast %add3A_388 : i32 to vector<16xi32>
      %add3A_390 = arith.addi %add3A_389, %iota3A : vector<16xi32>
      %gather3A_391 = tpu.vector_load_idx %arg12[%add3A_390, %broadcast_in_dim3A_363] : memref<64x128xf32, #tpu.memory_space<vmem>>[vector<16xi32>, vector<16xi32>], vector<16xf32>,
      %gather3A_392 = tpu.vector_load_idx %arg16[%add3A_390, %broadcast_in_dim3A_364] : memref<64x128xf32, #tpu.memory_space<vmem>>[vector<16xi32>, vector<16xi32>], vector<16xf32>,
      %mul3A_393 = arith.mulf %gather3A_391, %gather3A_392 : vector<16xf32>
      %add3A_394 = arith.addf %add3A_387, %mul3A_393 : vector<16xf32>
      %eq3A_395 = arith.constant 3 : i32
      %eq3A_396 = vector.broadcast %eq3A_395 : i32 to vector<16xi32>
      %eq3A_397 = arith.cmpi eq, %iota3A, %eq3A_396 : vector<16xi32>
      %reduce_sum3A_398 = arith.constant true
      %reduce_sum3A_399 = vector.broadcast %reduce_sum3A_398 : i1 to vector<16xi1>
      %reduce_sum3A_400 = tpu.scan <sum>, %add3A_394 masked %reduce_sum3A_399 : vector<16xf32>, vector<16xi1> -> vector<16xf32>
      %reduce_sum3A_401 = vector.extract %reduce_sum3A_400[15] : f32 from vector<16xf32>
      %broadcast_in_dim3A_402 = vector.broadcast %reduce_sum3A_401 : f32 to vector<16xf32>
      %select_n3A_403 = arith.select %eq3A_397, %broadcast_in_dim3A_402, %select_n3A_323 : vector<16xi1>, vector<16xf32>
      %add3A_404 = arith.constant 3 : i32
      %add3A_405 = arith.addi %mul3A_96, %add3A_404 : i32
      %add3A_406 = arith.constant 4 : i32
      %add3A_407 = arith.addi %add3A_405, %add3A_406 : i32
      %slice3A_408 = vector.extract_strided_slice %get3A_98 {offsets = [7], sizes = [1], strides = [1]} : vector<16xi32> to vector<1xi32>
      %squeeze3A_409 = vector.extract %slice3A_408[0] : i32 from vector<1xi32>
      %shift_right_arithmetic3A_410 = arith.constant 7 : i32
      %shift_right_arithmetic3A_411 = arith.shrsi %squeeze3A_409, %shift_right_arithmetic3A_410 : i32
      %mul3A_412 = arith.constant 128 : i32
      %mul3A_413 = arith.muli %shift_right_arithmetic3A_411, %mul3A_412 : i32
      %multiple_of3A_414 = tpu.assume_multiple %mul3A_413, 128 : i32
      %slice3A_415 = vector.extract_strided_slice %get3A_100 {offsets = [7], sizes = [1], strides = [1]} : vector<16xi32> to vector<1xi32>
      %squeeze3A_416 = vector.extract %slice3A_415[0] : i32 from vector<1xi32>
      %shift_right_arithmetic3A_417 = arith.constant 7 : i32
      %shift_right_arithmetic3A_418 = arith.shrsi %squeeze3A_416, %shift_right_arithmetic3A_417 : i32
      %mul3A_419 = arith.constant 128 : i32
      %mul3A_420 = arith.muli %shift_right_arithmetic3A_418, %mul3A_419 : i32
      %multiple_of3A_421 = tpu.assume_multiple %mul3A_420, 128 : i32
      %lt3A_422 = arith.constant 512 : i32
      %lt3A_423 = arith.cmpi slt, %add3A_407, %lt3A_422 : i32
      %convert_element_type3A_424 = arith.extui %lt3A_423 : i1 to i32
      %cond3A_425 = arith.constant 0 : i32
      %cond3A_426 = arith.cmpi ne, %convert_element_type3A_424, %cond3A_425 : i32
      scf.if %cond3A_426 {
        %dma_start3A_1388 = arith.constant 0 : i32
        %dma_start3A_1389 = tpu.memref_slice %arg4[%dma_start3A_1388, %multiple_of3A_414] : memref<64x1000000xf32, #tpu.memory_space<hbm>> -> memref<64x128xf32, #tpu.memory_space<hbm>>
        %dma_start3A_1390 = arith.constant 0 : i32
        %dma_start3A_1391 = tpu.memref_slice %arg4[%dma_start3A_1390, %multiple_of3A_414] : memref<64x1000000xf32, #tpu.memory_space<hbm>> -> memref<64x128xf32, #tpu.memory_space<hbm>>
        tpu.enqueue_dma source(%dma_start3A_1391 : memref<64x128xf32, #tpu.memory_space<hbm>>) target(%arg12 : memref<64x128xf32, #tpu.memory_space<vmem>>) target_semaphore(%arg24 : memref<!tpu.dma_semaphore, #tpu.memory_space<semaphore_mem>>)
        %dma_start3A_1392 = arith.constant 0 : i32
        %dma_start3A_1393 = tpu.memref_slice %arg5[%dma_start3A_1392, %multiple_of3A_421] : memref<64x1000000xf32, #tpu.memory_space<hbm>> -> memref<64x128xf32, #tpu.memory_space<hbm>>
        %dma_start3A_1394 = arith.constant 0 : i32
        %dma_start3A_1395 = tpu.memref_slice %arg5[%dma_start3A_1394, %multiple_of3A_421] : memref<64x1000000xf32, #tpu.memory_space<hbm>> -> memref<64x128xf32, #tpu.memory_space<hbm>>
        tpu.enqueue_dma source(%dma_start3A_1395 : memref<64x128xf32, #tpu.memory_space<hbm>>) target(%arg16 : memref<64x128xf32, #tpu.memory_space<vmem>>) target_semaphore(%arg25 : memref<!tpu.dma_semaphore, #tpu.memory_space<semaphore_mem>>)
      } else {
      }
      %dma_wait3A_427 = arith.constant 0 : i32
      %dma_wait3A_428 = arith.constant 0 : i32
      %dma_wait3A_429 = tpu.memref_slice %arg4[%dma_wait3A_427, %dma_wait3A_428] : memref<64x1000000xf32, #tpu.memory_space<hbm>> -> memref<64x128xf32, #tpu.memory_space<hbm>>
      %dma_wait3A_430 = arith.constant 0 : i32
      %dma_wait3A_431 = arith.constant 0 : i32
      %dma_wait3A_432 = tpu.memref_slice %arg4[%dma_wait3A_430, %dma_wait3A_431] : memref<64x1000000xf32, #tpu.memory_space<hbm>> -> memref<64x128xf32, #tpu.memory_space<hbm>>
      tpu.wait_dma2 semaphore(%arg18 : memref<!tpu.dma_semaphore, #tpu.memory_space<semaphore_mem>>) src(%dma_wait3A_432 : memref<64x128xf32, #tpu.memory_space<hbm>>) dst(%arg9 : memref<64x128xf32, #tpu.memory_space<vmem>>)
      %dma_wait3A_433 = arith.constant 0 : i32
      %dma_wait3A_434 = arith.constant 0 : i32
      %dma_wait3A_435 = tpu.memref_slice %arg5[%dma_wait3A_433, %dma_wait3A_434] : memref<64x1000000xf32, #tpu.memory_space<hbm>> -> memref<64x128xf32, #tpu.memory_space<hbm>>
      %dma_wait3A_436 = arith.constant 0 : i32
      %dma_wait3A_437 = arith.constant 0 : i32
      %dma_wait3A_438 = tpu.memref_slice %arg5[%dma_wait3A_436, %dma_wait3A_437] : memref<64x1000000xf32, #tpu.memory_space<hbm>> -> memref<64x128xf32, #tpu.memory_space<hbm>>
      tpu.wait_dma2 semaphore(%arg19 : memref<!tpu.dma_semaphore, #tpu.memory_space<semaphore_mem>>) src(%dma_wait3A_438 : memref<64x128xf32, #tpu.memory_space<hbm>>) dst(%arg13 : memref<64x128xf32, #tpu.memory_space<vmem>>)
      %slice3A_439 = vector.extract_strided_slice %and3A_110 {offsets = [4], sizes = [1], strides = [1]} : vector<16xi32> to vector<1xi32>
      %squeeze3A_440 = vector.extract %slice3A_439[0] : i32 from vector<1xi32>
      %slice3A_441 = vector.extract_strided_slice %and3A_113 {offsets = [4], sizes = [1], strides = [1]} : vector<16xi32> to vector<1xi32>
      %squeeze3A_442 = vector.extract %slice3A_441[0] : i32 from vector<1xi32>
      %broadcast_in_dim3A_443 = vector.broadcast %squeeze3A_440 : i32 to vector<16xi32>
      %broadcast_in_dim3A_444 = vector.broadcast %squeeze3A_442 : i32 to vector<16xi32>
      %broadcast_in_dim3A_445 = arith.constant 0.000000e+00 : f32
      %broadcast_in_dim3A_446 = vector.broadcast %broadcast_in_dim3A_445 : f32 to vector<16xf32>
      %add3A_447 = arith.constant 0 : i32
      %add3A_448 = vector.broadcast %add3A_447 : i32 to vector<16xi32>
      %add3A_449 = arith.addi %add3A_448, %iota3A : vector<16xi32>
      %gather3A_450 = tpu.vector_load_idx %arg9[%add3A_449, %broadcast_in_dim3A_443] : memref<64x128xf32, #tpu.memory_space<vmem>>[vector<16xi32>, vector<16xi32>], vector<16xf32>,
      %gather3A_451 = tpu.vector_load_idx %arg13[%add3A_449, %broadcast_in_dim3A_444] : memref<64x128xf32, #tpu.memory_space<vmem>>[vector<16xi32>, vector<16xi32>], vector<16xf32>,
      %mul3A_452 = arith.mulf %gather3A_450, %gather3A_451 : vector<16xf32>
      %add3A_453 = arith.addf %broadcast_in_dim3A_446, %mul3A_452 : vector<16xf32>
      %add3A_454 = arith.constant 16 : i32
      %add3A_455 = vector.broadcast %add3A_454 : i32 to vector<16xi32>
      %add3A_456 = arith.addi %add3A_455, %iota3A : vector<16xi32>
      %gather3A_457 = tpu.vector_load_idx %arg9[%add3A_456, %broadcast_in_dim3A_443] : memref<64x128xf32, #tpu.memory_space<vmem>>[vector<16xi32>, vector<16xi32>], vector<16xf32>,
      %gather3A_458 = tpu.vector_load_idx %arg13[%add3A_456, %broadcast_in_dim3A_444] : memref<64x128xf32, #tpu.memory_space<vmem>>[vector<16xi32>, vector<16xi32>], vector<16xf32>,
      %mul3A_459 = arith.mulf %gather3A_457, %gather3A_458 : vector<16xf32>
      %add3A_460 = arith.addf %add3A_453, %mul3A_459 : vector<16xf32>
      %add3A_461 = arith.constant 32 : i32
      %add3A_462 = vector.broadcast %add3A_461 : i32 to vector<16xi32>
      %add3A_463 = arith.addi %add3A_462, %iota3A : vector<16xi32>
      %gather3A_464 = tpu.vector_load_idx %arg9[%add3A_463, %broadcast_in_dim3A_443] : memref<64x128xf32, #tpu.memory_space<vmem>>[vector<16xi32>, vector<16xi32>], vector<16xf32>,
      %gather3A_465 = tpu.vector_load_idx %arg13[%add3A_463, %broadcast_in_dim3A_444] : memref<64x128xf32, #tpu.memory_space<vmem>>[vector<16xi32>, vector<16xi32>], vector<16xf32>,
      %mul3A_466 = arith.mulf %gather3A_464, %gather3A_465 : vector<16xf32>
      %add3A_467 = arith.addf %add3A_460, %mul3A_466 : vector<16xf32>
      %add3A_468 = arith.constant 48 : i32
      %add3A_469 = vector.broadcast %add3A_468 : i32 to vector<16xi32>
      %add3A_470 = arith.addi %add3A_469, %iota3A : vector<16xi32>
      %gather3A_471 = tpu.vector_load_idx %arg9[%add3A_470, %broadcast_in_dim3A_443] : memref<64x128xf32, #tpu.memory_space<vmem>>[vector<16xi32>, vector<16xi32>], vector<16xf32>,
      %gather3A_472 = tpu.vector_load_idx %arg13[%add3A_470, %broadcast_in_dim3A_444] : memref<64x128xf32, #tpu.memory_space<vmem>>[vector<16xi32>, vector<16xi32>], vector<16xf32>,
      %mul3A_473 = arith.mulf %gather3A_471, %gather3A_472 : vector<16xf32>
      %add3A_474 = arith.addf %add3A_467, %mul3A_473 : vector<16xf32>
      %eq3A_475 = arith.constant 4 : i32
      %eq3A_476 = vector.broadcast %eq3A_475 : i32 to vector<16xi32>
      %eq3A_477 = arith.cmpi eq, %iota3A, %eq3A_476 : vector<16xi32>
      %reduce_sum3A_478 = arith.constant true
      %reduce_sum3A_479 = vector.broadcast %reduce_sum3A_478 : i1 to vector<16xi1>
      %reduce_sum3A_480 = tpu.scan <sum>, %add3A_474 masked %reduce_sum3A_479 : vector<16xf32>, vector<16xi1> -> vector<16xf32>
      %reduce_sum3A_481 = vector.extract %reduce_sum3A_480[15] : f32 from vector<16xf32>
      %broadcast_in_dim3A_482 = vector.broadcast %reduce_sum3A_481 : f32 to vector<16xf32>
      %select_n3A_483 = arith.select %eq3A_477, %broadcast_in_dim3A_482, %select_n3A_403 : vector<16xi1>, vector<16xf32>
      %add3A_484 = arith.constant 4 : i32
      %add3A_485 = arith.addi %mul3A_96, %add3A_484 : i32
      %add3A_486 = arith.constant 4 : i32
      %add3A_487 = arith.addi %add3A_485, %add3A_486 : i32
      %slice3A_488 = vector.extract_strided_slice %get3A_98 {offsets = [8], sizes = [1], strides = [1]} : vector<16xi32> to vector<1xi32>
      %squeeze3A_489 = vector.extract %slice3A_488[0] : i32 from vector<1xi32>
      %shift_right_arithmetic3A_490 = arith.constant 7 : i32
      %shift_right_arithmetic3A_491 = arith.shrsi %squeeze3A_489, %shift_right_arithmetic3A_490 : i32
      %mul3A_492 = arith.constant 128 : i32
      %mul3A_493 = arith.muli %shift_right_arithmetic3A_491, %mul3A_492 : i32
      %multiple_of3A_494 = tpu.assume_multiple %mul3A_493, 128 : i32
      %slice3A_495 = vector.extract_strided_slice %get3A_100 {offsets = [8], sizes = [1], strides = [1]} : vector<16xi32> to vector<1xi32>
      %squeeze3A_496 = vector.extract %slice3A_495[0] : i32 from vector<1xi32>
      %shift_right_arithmetic3A_497 = arith.constant 7 : i32
      %shift_right_arithmetic3A_498 = arith.shrsi %squeeze3A_496, %shift_right_arithmetic3A_497 : i32
      %mul3A_499 = arith.constant 128 : i32
      %mul3A_500 = arith.muli %shift_right_arithmetic3A_498, %mul3A_499 : i32
      %multiple_of3A_501 = tpu.assume_multiple %mul3A_500, 128 : i32
      %lt3A_502 = arith.constant 512 : i32
      %lt3A_503 = arith.cmpi slt, %add3A_487, %lt3A_502 : i32
      %convert_element_type3A_504 = arith.extui %lt3A_503 : i1 to i32
      %cond3A_505 = arith.constant 0 : i32
      %cond3A_506 = arith.cmpi ne, %convert_element_type3A_504, %cond3A_505 : i32
      scf.if %cond3A_506 {
        %dma_start3A_1388 = arith.constant 0 : i32
        %dma_start3A_1389 = tpu.memref_slice %arg4[%dma_start3A_1388, %multiple_of3A_494] : memref<64x1000000xf32, #tpu.memory_space<hbm>> -> memref<64x128xf32, #tpu.memory_space<hbm>>
        %dma_start3A_1390 = arith.constant 0 : i32
        %dma_start3A_1391 = tpu.memref_slice %arg4[%dma_start3A_1390, %multiple_of3A_494] : memref<64x1000000xf32, #tpu.memory_space<hbm>> -> memref<64x128xf32, #tpu.memory_space<hbm>>
        tpu.enqueue_dma source(%dma_start3A_1391 : memref<64x128xf32, #tpu.memory_space<hbm>>) target(%arg9 : memref<64x128xf32, #tpu.memory_space<vmem>>) target_semaphore(%arg18 : memref<!tpu.dma_semaphore, #tpu.memory_space<semaphore_mem>>)
        %dma_start3A_1392 = arith.constant 0 : i32
        %dma_start3A_1393 = tpu.memref_slice %arg5[%dma_start3A_1392, %multiple_of3A_501] : memref<64x1000000xf32, #tpu.memory_space<hbm>> -> memref<64x128xf32, #tpu.memory_space<hbm>>
        %dma_start3A_1394 = arith.constant 0 : i32
        %dma_start3A_1395 = tpu.memref_slice %arg5[%dma_start3A_1394, %multiple_of3A_501] : memref<64x1000000xf32, #tpu.memory_space<hbm>> -> memref<64x128xf32, #tpu.memory_space<hbm>>
        tpu.enqueue_dma source(%dma_start3A_1395 : memref<64x128xf32, #tpu.memory_space<hbm>>) target(%arg13 : memref<64x128xf32, #tpu.memory_space<vmem>>) target_semaphore(%arg19 : memref<!tpu.dma_semaphore, #tpu.memory_space<semaphore_mem>>)
      } else {
      }
      %dma_wait3A_507 = arith.constant 0 : i32
      %dma_wait3A_508 = arith.constant 0 : i32
      %dma_wait3A_509 = tpu.memref_slice %arg4[%dma_wait3A_507, %dma_wait3A_508] : memref<64x1000000xf32, #tpu.memory_space<hbm>> -> memref<64x128xf32, #tpu.memory_space<hbm>>
      %dma_wait3A_510 = arith.constant 0 : i32
      %dma_wait3A_511 = arith.constant 0 : i32
      %dma_wait3A_512 = tpu.memref_slice %arg4[%dma_wait3A_510, %dma_wait3A_511] : memref<64x1000000xf32, #tpu.memory_space<hbm>> -> memref<64x128xf32, #tpu.memory_space<hbm>>
      tpu.wait_dma2 semaphore(%arg20 : memref<!tpu.dma_semaphore, #tpu.memory_space<semaphore_mem>>) src(%dma_wait3A_512 : memref<64x128xf32, #tpu.memory_space<hbm>>) dst(%arg10 : memref<64x128xf32, #tpu.memory_space<vmem>>)
      %dma_wait3A_513 = arith.constant 0 : i32
      %dma_wait3A_514 = arith.constant 0 : i32
      %dma_wait3A_515 = tpu.memref_slice %arg5[%dma_wait3A_513, %dma_wait3A_514] : memref<64x1000000xf32, #tpu.memory_space<hbm>> -> memref<64x128xf32, #tpu.memory_space<hbm>>
      %dma_wait3A_516 = arith.constant 0 : i32
      %dma_wait3A_517 = arith.constant 0 : i32
      %dma_wait3A_518 = tpu.memref_slice %arg5[%dma_wait3A_516, %dma_wait3A_517] : memref<64x1000000xf32, #tpu.memory_space<hbm>> -> memref<64x128xf32, #tpu.memory_space<hbm>>
      tpu.wait_dma2 semaphore(%arg21 : memref<!tpu.dma_semaphore, #tpu.memory_space<semaphore_mem>>) src(%dma_wait3A_518 : memref<64x128xf32, #tpu.memory_space<hbm>>) dst(%arg14 : memref<64x128xf32, #tpu.memory_space<vmem>>)
      %slice3A_519 = vector.extract_strided_slice %and3A_110 {offsets = [5], sizes = [1], strides = [1]} : vector<16xi32> to vector<1xi32>
      %squeeze3A_520 = vector.extract %slice3A_519[0] : i32 from vector<1xi32>
      %slice3A_521 = vector.extract_strided_slice %and3A_113 {offsets = [5], sizes = [1], strides = [1]} : vector<16xi32> to vector<1xi32>
      %squeeze3A_522 = vector.extract %slice3A_521[0] : i32 from vector<1xi32>
      %broadcast_in_dim3A_523 = vector.broadcast %squeeze3A_520 : i32 to vector<16xi32>
      %broadcast_in_dim3A_524 = vector.broadcast %squeeze3A_522 : i32 to vector<16xi32>
      %broadcast_in_dim3A_525 = arith.constant 0.000000e+00 : f32
      %broadcast_in_dim3A_526 = vector.broadcast %broadcast_in_dim3A_525 : f32 to vector<16xf32>
      %add3A_527 = arith.constant 0 : i32
      %add3A_528 = vector.broadcast %add3A_527 : i32 to vector<16xi32>
      %add3A_529 = arith.addi %add3A_528, %iota3A : vector<16xi32>
      %gather3A_530 = tpu.vector_load_idx %arg10[%add3A_529, %broadcast_in_dim3A_523] : memref<64x128xf32, #tpu.memory_space<vmem>>[vector<16xi32>, vector<16xi32>], vector<16xf32>,
      %gather3A_531 = tpu.vector_load_idx %arg14[%add3A_529, %broadcast_in_dim3A_524] : memref<64x128xf32, #tpu.memory_space<vmem>>[vector<16xi32>, vector<16xi32>], vector<16xf32>,
      %mul3A_532 = arith.mulf %gather3A_530, %gather3A_531 : vector<16xf32>
      %add3A_533 = arith.addf %broadcast_in_dim3A_526, %mul3A_532 : vector<16xf32>
      %add3A_534 = arith.constant 16 : i32
      %add3A_535 = vector.broadcast %add3A_534 : i32 to vector<16xi32>
      %add3A_536 = arith.addi %add3A_535, %iota3A : vector<16xi32>
      %gather3A_537 = tpu.vector_load_idx %arg10[%add3A_536, %broadcast_in_dim3A_523] : memref<64x128xf32, #tpu.memory_space<vmem>>[vector<16xi32>, vector<16xi32>], vector<16xf32>,
      %gather3A_538 = tpu.vector_load_idx %arg14[%add3A_536, %broadcast_in_dim3A_524] : memref<64x128xf32, #tpu.memory_space<vmem>>[vector<16xi32>, vector<16xi32>], vector<16xf32>,
      %mul3A_539 = arith.mulf %gather3A_537, %gather3A_538 : vector<16xf32>
      %add3A_540 = arith.addf %add3A_533, %mul3A_539 : vector<16xf32>
      %add3A_541 = arith.constant 32 : i32
      %add3A_542 = vector.broadcast %add3A_541 : i32 to vector<16xi32>
      %add3A_543 = arith.addi %add3A_542, %iota3A : vector<16xi32>
      %gather3A_544 = tpu.vector_load_idx %arg10[%add3A_543, %broadcast_in_dim3A_523] : memref<64x128xf32, #tpu.memory_space<vmem>>[vector<16xi32>, vector<16xi32>], vector<16xf32>,
      %gather3A_545 = tpu.vector_load_idx %arg14[%add3A_543, %broadcast_in_dim3A_524] : memref<64x128xf32, #tpu.memory_space<vmem>>[vector<16xi32>, vector<16xi32>], vector<16xf32>,
      %mul3A_546 = arith.mulf %gather3A_544, %gather3A_545 : vector<16xf32>
      %add3A_547 = arith.addf %add3A_540, %mul3A_546 : vector<16xf32>
      %add3A_548 = arith.constant 48 : i32
      %add3A_549 = vector.broadcast %add3A_548 : i32 to vector<16xi32>
      %add3A_550 = arith.addi %add3A_549, %iota3A : vector<16xi32>
      %gather3A_551 = tpu.vector_load_idx %arg10[%add3A_550, %broadcast_in_dim3A_523] : memref<64x128xf32, #tpu.memory_space<vmem>>[vector<16xi32>, vector<16xi32>], vector<16xf32>,
      %gather3A_552 = tpu.vector_load_idx %arg14[%add3A_550, %broadcast_in_dim3A_524] : memref<64x128xf32, #tpu.memory_space<vmem>>[vector<16xi32>, vector<16xi32>], vector<16xf32>,
      %mul3A_553 = arith.mulf %gather3A_551, %gather3A_552 : vector<16xf32>
      %add3A_554 = arith.addf %add3A_547, %mul3A_553 : vector<16xf32>
      %eq3A_555 = arith.constant 5 : i32
      %eq3A_556 = vector.broadcast %eq3A_555 : i32 to vector<16xi32>
      %eq3A_557 = arith.cmpi eq, %iota3A, %eq3A_556 : vector<16xi32>
      %reduce_sum3A_558 = arith.constant true
      %reduce_sum3A_559 = vector.broadcast %reduce_sum3A_558 : i1 to vector<16xi1>
      %reduce_sum3A_560 = tpu.scan <sum>, %add3A_554 masked %reduce_sum3A_559 : vector<16xf32>, vector<16xi1> -> vector<16xf32>
      %reduce_sum3A_561 = vector.extract %reduce_sum3A_560[15] : f32 from vector<16xf32>
      %broadcast_in_dim3A_562 = vector.broadcast %reduce_sum3A_561 : f32 to vector<16xf32>
      %select_n3A_563 = arith.select %eq3A_557, %broadcast_in_dim3A_562, %select_n3A_483 : vector<16xi1>, vector<16xf32>
      %add3A_564 = arith.constant 5 : i32
      %add3A_565 = arith.addi %mul3A_96, %add3A_564 : i32
      %add3A_566 = arith.constant 4 : i32
      %add3A_567 = arith.addi %add3A_565, %add3A_566 : i32
      %slice3A_568 = vector.extract_strided_slice %get3A_98 {offsets = [9], sizes = [1], strides = [1]} : vector<16xi32> to vector<1xi32>
      %squeeze3A_569 = vector.extract %slice3A_568[0] : i32 from vector<1xi32>
      %shift_right_arithmetic3A_570 = arith.constant 7 : i32
      %shift_right_arithmetic3A_571 = arith.shrsi %squeeze3A_569, %shift_right_arithmetic3A_570 : i32
      %mul3A_572 = arith.constant 128 : i32
      %mul3A_573 = arith.muli %shift_right_arithmetic3A_571, %mul3A_572 : i32
      %multiple_of3A_574 = tpu.assume_multiple %mul3A_573, 128 : i32
      %slice3A_575 = vector.extract_strided_slice %get3A_100 {offsets = [9], sizes = [1], strides = [1]} : vector<16xi32> to vector<1xi32>
      %squeeze3A_576 = vector.extract %slice3A_575[0] : i32 from vector<1xi32>
      %shift_right_arithmetic3A_577 = arith.constant 7 : i32
      %shift_right_arithmetic3A_578 = arith.shrsi %squeeze3A_576, %shift_right_arithmetic3A_577 : i32
      %mul3A_579 = arith.constant 128 : i32
      %mul3A_580 = arith.muli %shift_right_arithmetic3A_578, %mul3A_579 : i32
      %multiple_of3A_581 = tpu.assume_multiple %mul3A_580, 128 : i32
      %lt3A_582 = arith.constant 512 : i32
      %lt3A_583 = arith.cmpi slt, %add3A_567, %lt3A_582 : i32
      %convert_element_type3A_584 = arith.extui %lt3A_583 : i1 to i32
      %cond3A_585 = arith.constant 0 : i32
      %cond3A_586 = arith.cmpi ne, %convert_element_type3A_584, %cond3A_585 : i32
      scf.if %cond3A_586 {
        %dma_start3A_1388 = arith.constant 0 : i32
        %dma_start3A_1389 = tpu.memref_slice %arg4[%dma_start3A_1388, %multiple_of3A_574] : memref<64x1000000xf32, #tpu.memory_space<hbm>> -> memref<64x128xf32, #tpu.memory_space<hbm>>
        %dma_start3A_1390 = arith.constant 0 : i32
        %dma_start3A_1391 = tpu.memref_slice %arg4[%dma_start3A_1390, %multiple_of3A_574] : memref<64x1000000xf32, #tpu.memory_space<hbm>> -> memref<64x128xf32, #tpu.memory_space<hbm>>
        tpu.enqueue_dma source(%dma_start3A_1391 : memref<64x128xf32, #tpu.memory_space<hbm>>) target(%arg10 : memref<64x128xf32, #tpu.memory_space<vmem>>) target_semaphore(%arg20 : memref<!tpu.dma_semaphore, #tpu.memory_space<semaphore_mem>>)
        %dma_start3A_1392 = arith.constant 0 : i32
        %dma_start3A_1393 = tpu.memref_slice %arg5[%dma_start3A_1392, %multiple_of3A_581] : memref<64x1000000xf32, #tpu.memory_space<hbm>> -> memref<64x128xf32, #tpu.memory_space<hbm>>
        %dma_start3A_1394 = arith.constant 0 : i32
        %dma_start3A_1395 = tpu.memref_slice %arg5[%dma_start3A_1394, %multiple_of3A_581] : memref<64x1000000xf32, #tpu.memory_space<hbm>> -> memref<64x128xf32, #tpu.memory_space<hbm>>
        tpu.enqueue_dma source(%dma_start3A_1395 : memref<64x128xf32, #tpu.memory_space<hbm>>) target(%arg14 : memref<64x128xf32, #tpu.memory_space<vmem>>) target_semaphore(%arg21 : memref<!tpu.dma_semaphore, #tpu.memory_space<semaphore_mem>>)
      } else {
      }
      %dma_wait3A_587 = arith.constant 0 : i32
      %dma_wait3A_588 = arith.constant 0 : i32
      %dma_wait3A_589 = tpu.memref_slice %arg4[%dma_wait3A_587, %dma_wait3A_588] : memref<64x1000000xf32, #tpu.memory_space<hbm>> -> memref<64x128xf32, #tpu.memory_space<hbm>>
      %dma_wait3A_590 = arith.constant 0 : i32
      %dma_wait3A_591 = arith.constant 0 : i32
      %dma_wait3A_592 = tpu.memref_slice %arg4[%dma_wait3A_590, %dma_wait3A_591] : memref<64x1000000xf32, #tpu.memory_space<hbm>> -> memref<64x128xf32, #tpu.memory_space<hbm>>
      tpu.wait_dma2 semaphore(%arg22 : memref<!tpu.dma_semaphore, #tpu.memory_space<semaphore_mem>>) src(%dma_wait3A_592 : memref<64x128xf32, #tpu.memory_space<hbm>>) dst(%arg11 : memref<64x128xf32, #tpu.memory_space<vmem>>)
      %dma_wait3A_593 = arith.constant 0 : i32
      %dma_wait3A_594 = arith.constant 0 : i32
      %dma_wait3A_595 = tpu.memref_slice %arg5[%dma_wait3A_593, %dma_wait3A_594] : memref<64x1000000xf32, #tpu.memory_space<hbm>> -> memref<64x128xf32, #tpu.memory_space<hbm>>
      %dma_wait3A_596 = arith.constant 0 : i32
      %dma_wait3A_597 = arith.constant 0 : i32
      %dma_wait3A_598 = tpu.memref_slice %arg5[%dma_wait3A_596, %dma_wait3A_597] : memref<64x1000000xf32, #tpu.memory_space<hbm>> -> memref<64x128xf32, #tpu.memory_space<hbm>>
      tpu.wait_dma2 semaphore(%arg23 : memref<!tpu.dma_semaphore, #tpu.memory_space<semaphore_mem>>) src(%dma_wait3A_598 : memref<64x128xf32, #tpu.memory_space<hbm>>) dst(%arg15 : memref<64x128xf32, #tpu.memory_space<vmem>>)
      %slice3A_599 = vector.extract_strided_slice %and3A_110 {offsets = [6], sizes = [1], strides = [1]} : vector<16xi32> to vector<1xi32>
      %squeeze3A_600 = vector.extract %slice3A_599[0] : i32 from vector<1xi32>
      %slice3A_601 = vector.extract_strided_slice %and3A_113 {offsets = [6], sizes = [1], strides = [1]} : vector<16xi32> to vector<1xi32>
      %squeeze3A_602 = vector.extract %slice3A_601[0] : i32 from vector<1xi32>
      %broadcast_in_dim3A_603 = vector.broadcast %squeeze3A_600 : i32 to vector<16xi32>
      %broadcast_in_dim3A_604 = vector.broadcast %squeeze3A_602 : i32 to vector<16xi32>
      %broadcast_in_dim3A_605 = arith.constant 0.000000e+00 : f32
      %broadcast_in_dim3A_606 = vector.broadcast %broadcast_in_dim3A_605 : f32 to vector<16xf32>
      %add3A_607 = arith.constant 0 : i32
      %add3A_608 = vector.broadcast %add3A_607 : i32 to vector<16xi32>
      %add3A_609 = arith.addi %add3A_608, %iota3A : vector<16xi32>
      %gather3A_610 = tpu.vector_load_idx %arg11[%add3A_609, %broadcast_in_dim3A_603] : memref<64x128xf32, #tpu.memory_space<vmem>>[vector<16xi32>, vector<16xi32>], vector<16xf32>,
      %gather3A_611 = tpu.vector_load_idx %arg15[%add3A_609, %broadcast_in_dim3A_604] : memref<64x128xf32, #tpu.memory_space<vmem>>[vector<16xi32>, vector<16xi32>], vector<16xf32>,
      %mul3A_612 = arith.mulf %gather3A_610, %gather3A_611 : vector<16xf32>
      %add3A_613 = arith.addf %broadcast_in_dim3A_606, %mul3A_612 : vector<16xf32>
      %add3A_614 = arith.constant 16 : i32
      %add3A_615 = vector.broadcast %add3A_614 : i32 to vector<16xi32>
      %add3A_616 = arith.addi %add3A_615, %iota3A : vector<16xi32>
      %gather3A_617 = tpu.vector_load_idx %arg11[%add3A_616, %broadcast_in_dim3A_603] : memref<64x128xf32, #tpu.memory_space<vmem>>[vector<16xi32>, vector<16xi32>], vector<16xf32>,
      %gather3A_618 = tpu.vector_load_idx %arg15[%add3A_616, %broadcast_in_dim3A_604] : memref<64x128xf32, #tpu.memory_space<vmem>>[vector<16xi32>, vector<16xi32>], vector<16xf32>,
      %mul3A_619 = arith.mulf %gather3A_617, %gather3A_618 : vector<16xf32>
      %add3A_620 = arith.addf %add3A_613, %mul3A_619 : vector<16xf32>
      %add3A_621 = arith.constant 32 : i32
      %add3A_622 = vector.broadcast %add3A_621 : i32 to vector<16xi32>
      %add3A_623 = arith.addi %add3A_622, %iota3A : vector<16xi32>
      %gather3A_624 = tpu.vector_load_idx %arg11[%add3A_623, %broadcast_in_dim3A_603] : memref<64x128xf32, #tpu.memory_space<vmem>>[vector<16xi32>, vector<16xi32>], vector<16xf32>,
      %gather3A_625 = tpu.vector_load_idx %arg15[%add3A_623, %broadcast_in_dim3A_604] : memref<64x128xf32, #tpu.memory_space<vmem>>[vector<16xi32>, vector<16xi32>], vector<16xf32>,
      %mul3A_626 = arith.mulf %gather3A_624, %gather3A_625 : vector<16xf32>
      %add3A_627 = arith.addf %add3A_620, %mul3A_626 : vector<16xf32>
      %add3A_628 = arith.constant 48 : i32
      %add3A_629 = vector.broadcast %add3A_628 : i32 to vector<16xi32>
      %add3A_630 = arith.addi %add3A_629, %iota3A : vector<16xi32>
      %gather3A_631 = tpu.vector_load_idx %arg11[%add3A_630, %broadcast_in_dim3A_603] : memref<64x128xf32, #tpu.memory_space<vmem>>[vector<16xi32>, vector<16xi32>], vector<16xf32>,
      %gather3A_632 = tpu.vector_load_idx %arg15[%add3A_630, %broadcast_in_dim3A_604] : memref<64x128xf32, #tpu.memory_space<vmem>>[vector<16xi32>, vector<16xi32>], vector<16xf32>,
      %mul3A_633 = arith.mulf %gather3A_631, %gather3A_632 : vector<16xf32>
      %add3A_634 = arith.addf %add3A_627, %mul3A_633 : vector<16xf32>
      %eq3A_635 = arith.constant 6 : i32
      %eq3A_636 = vector.broadcast %eq3A_635 : i32 to vector<16xi32>
      %eq3A_637 = arith.cmpi eq, %iota3A, %eq3A_636 : vector<16xi32>
      %reduce_sum3A_638 = arith.constant true
      %reduce_sum3A_639 = vector.broadcast %reduce_sum3A_638 : i1 to vector<16xi1>
      %reduce_sum3A_640 = tpu.scan <sum>, %add3A_634 masked %reduce_sum3A_639 : vector<16xf32>, vector<16xi1> -> vector<16xf32>
      %reduce_sum3A_641 = vector.extract %reduce_sum3A_640[15] : f32 from vector<16xf32>
      %broadcast_in_dim3A_642 = vector.broadcast %reduce_sum3A_641 : f32 to vector<16xf32>
      %select_n3A_643 = arith.select %eq3A_637, %broadcast_in_dim3A_642, %select_n3A_563 : vector<16xi1>, vector<16xf32>
      %add3A_644 = arith.constant 6 : i32
      %add3A_645 = arith.addi %mul3A_96, %add3A_644 : i32
      %add3A_646 = arith.constant 4 : i32
      %add3A_647 = arith.addi %add3A_645, %add3A_646 : i32
      %slice3A_648 = vector.extract_strided_slice %get3A_98 {offsets = [10], sizes = [1], strides = [1]} : vector<16xi32> to vector<1xi32>
      %squeeze3A_649 = vector.extract %slice3A_648[0] : i32 from vector<1xi32>
      %shift_right_arithmetic3A_650 = arith.constant 7 : i32
      %shift_right_arithmetic3A_651 = arith.shrsi %squeeze3A_649, %shift_right_arithmetic3A_650 : i32
      %mul3A_652 = arith.constant 128 : i32
      %mul3A_653 = arith.muli %shift_right_arithmetic3A_651, %mul3A_652 : i32
      %multiple_of3A_654 = tpu.assume_multiple %mul3A_653, 128 : i32
      %slice3A_655 = vector.extract_strided_slice %get3A_100 {offsets = [10], sizes = [1], strides = [1]} : vector<16xi32> to vector<1xi32>
      %squeeze3A_656 = vector.extract %slice3A_655[0] : i32 from vector<1xi32>
      %shift_right_arithmetic3A_657 = arith.constant 7 : i32
      %shift_right_arithmetic3A_658 = arith.shrsi %squeeze3A_656, %shift_right_arithmetic3A_657 : i32
      %mul3A_659 = arith.constant 128 : i32
      %mul3A_660 = arith.muli %shift_right_arithmetic3A_658, %mul3A_659 : i32
      %multiple_of3A_661 = tpu.assume_multiple %mul3A_660, 128 : i32
      %lt3A_662 = arith.constant 512 : i32
      %lt3A_663 = arith.cmpi slt, %add3A_647, %lt3A_662 : i32
      %convert_element_type3A_664 = arith.extui %lt3A_663 : i1 to i32
      %cond3A_665 = arith.constant 0 : i32
      %cond3A_666 = arith.cmpi ne, %convert_element_type3A_664, %cond3A_665 : i32
      scf.if %cond3A_666 {
        %dma_start3A_1388 = arith.constant 0 : i32
        %dma_start3A_1389 = tpu.memref_slice %arg4[%dma_start3A_1388, %multiple_of3A_654] : memref<64x1000000xf32, #tpu.memory_space<hbm>> -> memref<64x128xf32, #tpu.memory_space<hbm>>
        %dma_start3A_1390 = arith.constant 0 : i32
        %dma_start3A_1391 = tpu.memref_slice %arg4[%dma_start3A_1390, %multiple_of3A_654] : memref<64x1000000xf32, #tpu.memory_space<hbm>> -> memref<64x128xf32, #tpu.memory_space<hbm>>
        tpu.enqueue_dma source(%dma_start3A_1391 : memref<64x128xf32, #tpu.memory_space<hbm>>) target(%arg11 : memref<64x128xf32, #tpu.memory_space<vmem>>) target_semaphore(%arg22 : memref<!tpu.dma_semaphore, #tpu.memory_space<semaphore_mem>>)
        %dma_start3A_1392 = arith.constant 0 : i32
        %dma_start3A_1393 = tpu.memref_slice %arg5[%dma_start3A_1392, %multiple_of3A_661] : memref<64x1000000xf32, #tpu.memory_space<hbm>> -> memref<64x128xf32, #tpu.memory_space<hbm>>
        %dma_start3A_1394 = arith.constant 0 : i32
        %dma_start3A_1395 = tpu.memref_slice %arg5[%dma_start3A_1394, %multiple_of3A_661] : memref<64x1000000xf32, #tpu.memory_space<hbm>> -> memref<64x128xf32, #tpu.memory_space<hbm>>
        tpu.enqueue_dma source(%dma_start3A_1395 : memref<64x128xf32, #tpu.memory_space<hbm>>) target(%arg15 : memref<64x128xf32, #tpu.memory_space<vmem>>) target_semaphore(%arg23 : memref<!tpu.dma_semaphore, #tpu.memory_space<semaphore_mem>>)
      } else {
      }
      %dma_wait3A_667 = arith.constant 0 : i32
      %dma_wait3A_668 = arith.constant 0 : i32
      %dma_wait3A_669 = tpu.memref_slice %arg4[%dma_wait3A_667, %dma_wait3A_668] : memref<64x1000000xf32, #tpu.memory_space<hbm>> -> memref<64x128xf32, #tpu.memory_space<hbm>>
      %dma_wait3A_670 = arith.constant 0 : i32
      %dma_wait3A_671 = arith.constant 0 : i32
      %dma_wait3A_672 = tpu.memref_slice %arg4[%dma_wait3A_670, %dma_wait3A_671] : memref<64x1000000xf32, #tpu.memory_space<hbm>> -> memref<64x128xf32, #tpu.memory_space<hbm>>
      tpu.wait_dma2 semaphore(%arg24 : memref<!tpu.dma_semaphore, #tpu.memory_space<semaphore_mem>>) src(%dma_wait3A_672 : memref<64x128xf32, #tpu.memory_space<hbm>>) dst(%arg12 : memref<64x128xf32, #tpu.memory_space<vmem>>)
      %dma_wait3A_673 = arith.constant 0 : i32
      %dma_wait3A_674 = arith.constant 0 : i32
      %dma_wait3A_675 = tpu.memref_slice %arg5[%dma_wait3A_673, %dma_wait3A_674] : memref<64x1000000xf32, #tpu.memory_space<hbm>> -> memref<64x128xf32, #tpu.memory_space<hbm>>
      %dma_wait3A_676 = arith.constant 0 : i32
      %dma_wait3A_677 = arith.constant 0 : i32
      %dma_wait3A_678 = tpu.memref_slice %arg5[%dma_wait3A_676, %dma_wait3A_677] : memref<64x1000000xf32, #tpu.memory_space<hbm>> -> memref<64x128xf32, #tpu.memory_space<hbm>>
      tpu.wait_dma2 semaphore(%arg25 : memref<!tpu.dma_semaphore, #tpu.memory_space<semaphore_mem>>) src(%dma_wait3A_678 : memref<64x128xf32, #tpu.memory_space<hbm>>) dst(%arg16 : memref<64x128xf32, #tpu.memory_space<vmem>>)
      %slice3A_679 = vector.extract_strided_slice %and3A_110 {offsets = [7], sizes = [1], strides = [1]} : vector<16xi32> to vector<1xi32>
      %squeeze3A_680 = vector.extract %slice3A_679[0] : i32 from vector<1xi32>
      %slice3A_681 = vector.extract_strided_slice %and3A_113 {offsets = [7], sizes = [1], strides = [1]} : vector<16xi32> to vector<1xi32>
      %squeeze3A_682 = vector.extract %slice3A_681[0] : i32 from vector<1xi32>
      %broadcast_in_dim3A_683 = vector.broadcast %squeeze3A_680 : i32 to vector<16xi32>
      %broadcast_in_dim3A_684 = vector.broadcast %squeeze3A_682 : i32 to vector<16xi32>
      %broadcast_in_dim3A_685 = arith.constant 0.000000e+00 : f32
      %broadcast_in_dim3A_686 = vector.broadcast %broadcast_in_dim3A_685 : f32 to vector<16xf32>
      %add3A_687 = arith.constant 0 : i32
      %add3A_688 = vector.broadcast %add3A_687 : i32 to vector<16xi32>
      %add3A_689 = arith.addi %add3A_688, %iota3A : vector<16xi32>
      %gather3A_690 = tpu.vector_load_idx %arg12[%add3A_689, %broadcast_in_dim3A_683] : memref<64x128xf32, #tpu.memory_space<vmem>>[vector<16xi32>, vector<16xi32>], vector<16xf32>,
      %gather3A_691 = tpu.vector_load_idx %arg16[%add3A_689, %broadcast_in_dim3A_684] : memref<64x128xf32, #tpu.memory_space<vmem>>[vector<16xi32>, vector<16xi32>], vector<16xf32>,
      %mul3A_692 = arith.mulf %gather3A_690, %gather3A_691 : vector<16xf32>
      %add3A_693 = arith.addf %broadcast_in_dim3A_686, %mul3A_692 : vector<16xf32>
      %add3A_694 = arith.constant 16 : i32
      %add3A_695 = vector.broadcast %add3A_694 : i32 to vector<16xi32>
      %add3A_696 = arith.addi %add3A_695, %iota3A : vector<16xi32>
      %gather3A_697 = tpu.vector_load_idx %arg12[%add3A_696, %broadcast_in_dim3A_683] : memref<64x128xf32, #tpu.memory_space<vmem>>[vector<16xi32>, vector<16xi32>], vector<16xf32>,
      %gather3A_698 = tpu.vector_load_idx %arg16[%add3A_696, %broadcast_in_dim3A_684] : memref<64x128xf32, #tpu.memory_space<vmem>>[vector<16xi32>, vector<16xi32>], vector<16xf32>,
      %mul3A_699 = arith.mulf %gather3A_697, %gather3A_698 : vector<16xf32>
      %add3A_700 = arith.addf %add3A_693, %mul3A_699 : vector<16xf32>
      %add3A_701 = arith.constant 32 : i32
      %add3A_702 = vector.broadcast %add3A_701 : i32 to vector<16xi32>
      %add3A_703 = arith.addi %add3A_702, %iota3A : vector<16xi32>
      %gather3A_704 = tpu.vector_load_idx %arg12[%add3A_703, %broadcast_in_dim3A_683] : memref<64x128xf32, #tpu.memory_space<vmem>>[vector<16xi32>, vector<16xi32>], vector<16xf32>,
      %gather3A_705 = tpu.vector_load_idx %arg16[%add3A_703, %broadcast_in_dim3A_684] : memref<64x128xf32, #tpu.memory_space<vmem>>[vector<16xi32>, vector<16xi32>], vector<16xf32>,
      %mul3A_706 = arith.mulf %gather3A_704, %gather3A_705 : vector<16xf32>
      %add3A_707 = arith.addf %add3A_700, %mul3A_706 : vector<16xf32>
      %add3A_708 = arith.constant 48 : i32
      %add3A_709 = vector.broadcast %add3A_708 : i32 to vector<16xi32>
      %add3A_710 = arith.addi %add3A_709, %iota3A : vector<16xi32>
      %gather3A_711 = tpu.vector_load_idx %arg12[%add3A_710, %broadcast_in_dim3A_683] : memref<64x128xf32, #tpu.memory_space<vmem>>[vector<16xi32>, vector<16xi32>], vector<16xf32>,
      %gather3A_712 = tpu.vector_load_idx %arg16[%add3A_710, %broadcast_in_dim3A_684] : memref<64x128xf32, #tpu.memory_space<vmem>>[vector<16xi32>, vector<16xi32>], vector<16xf32>,
      %mul3A_713 = arith.mulf %gather3A_711, %gather3A_712 : vector<16xf32>
      %add3A_714 = arith.addf %add3A_707, %mul3A_713 : vector<16xf32>
      %eq3A_715 = arith.constant 7 : i32
      %eq3A_716 = vector.broadcast %eq3A_715 : i32 to vector<16xi32>
      %eq3A_717 = arith.cmpi eq, %iota3A, %eq3A_716 : vector<16xi32>
      %reduce_sum3A_718 = arith.constant true
      %reduce_sum3A_719 = vector.broadcast %reduce_sum3A_718 : i1 to vector<16xi1>
      %reduce_sum3A_720 = tpu.scan <sum>, %add3A_714 masked %reduce_sum3A_719 : vector<16xf32>, vector<16xi1> -> vector<16xf32>
      %reduce_sum3A_721 = vector.extract %reduce_sum3A_720[15] : f32 from vector<16xf32>
      %broadcast_in_dim3A_722 = vector.broadcast %reduce_sum3A_721 : f32 to vector<16xf32>
      %select_n3A_723 = arith.select %eq3A_717, %broadcast_in_dim3A_722, %select_n3A_643 : vector<16xi1>, vector<16xf32>
      %add3A_724 = arith.constant 7 : i32
      %add3A_725 = arith.addi %mul3A_96, %add3A_724 : i32
      %add3A_726 = arith.constant 4 : i32
      %add3A_727 = arith.addi %add3A_725, %add3A_726 : i32
      %slice3A_728 = vector.extract_strided_slice %get3A_98 {offsets = [11], sizes = [1], strides = [1]} : vector<16xi32> to vector<1xi32>
      %squeeze3A_729 = vector.extract %slice3A_728[0] : i32 from vector<1xi32>
      %shift_right_arithmetic3A_730 = arith.constant 7 : i32
      %shift_right_arithmetic3A_731 = arith.shrsi %squeeze3A_729, %shift_right_arithmetic3A_730 : i32
      %mul3A_732 = arith.constant 128 : i32
      %mul3A_733 = arith.muli %shift_right_arithmetic3A_731, %mul3A_732 : i32
      %multiple_of3A_734 = tpu.assume_multiple %mul3A_733, 128 : i32
      %slice3A_735 = vector.extract_strided_slice %get3A_100 {offsets = [11], sizes = [1], strides = [1]} : vector<16xi32> to vector<1xi32>
      %squeeze3A_736 = vector.extract %slice3A_735[0] : i32 from vector<1xi32>
      %shift_right_arithmetic3A_737 = arith.constant 7 : i32
      %shift_right_arithmetic3A_738 = arith.shrsi %squeeze3A_736, %shift_right_arithmetic3A_737 : i32
      %mul3A_739 = arith.constant 128 : i32
      %mul3A_740 = arith.muli %shift_right_arithmetic3A_738, %mul3A_739 : i32
      %multiple_of3A_741 = tpu.assume_multiple %mul3A_740, 128 : i32
      %lt3A_742 = arith.constant 512 : i32
      %lt3A_743 = arith.cmpi slt, %add3A_727, %lt3A_742 : i32
      %convert_element_type3A_744 = arith.extui %lt3A_743 : i1 to i32
      %cond3A_745 = arith.constant 0 : i32
      %cond3A_746 = arith.cmpi ne, %convert_element_type3A_744, %cond3A_745 : i32
      scf.if %cond3A_746 {
        %dma_start3A_1388 = arith.constant 0 : i32
        %dma_start3A_1389 = tpu.memref_slice %arg4[%dma_start3A_1388, %multiple_of3A_734] : memref<64x1000000xf32, #tpu.memory_space<hbm>> -> memref<64x128xf32, #tpu.memory_space<hbm>>
        %dma_start3A_1390 = arith.constant 0 : i32
        %dma_start3A_1391 = tpu.memref_slice %arg4[%dma_start3A_1390, %multiple_of3A_734] : memref<64x1000000xf32, #tpu.memory_space<hbm>> -> memref<64x128xf32, #tpu.memory_space<hbm>>
        tpu.enqueue_dma source(%dma_start3A_1391 : memref<64x128xf32, #tpu.memory_space<hbm>>) target(%arg12 : memref<64x128xf32, #tpu.memory_space<vmem>>) target_semaphore(%arg24 : memref<!tpu.dma_semaphore, #tpu.memory_space<semaphore_mem>>)
        %dma_start3A_1392 = arith.constant 0 : i32
        %dma_start3A_1393 = tpu.memref_slice %arg5[%dma_start3A_1392, %multiple_of3A_741] : memref<64x1000000xf32, #tpu.memory_space<hbm>> -> memref<64x128xf32, #tpu.memory_space<hbm>>
        %dma_start3A_1394 = arith.constant 0 : i32
        %dma_start3A_1395 = tpu.memref_slice %arg5[%dma_start3A_1394, %multiple_of3A_741] : memref<64x1000000xf32, #tpu.memory_space<hbm>> -> memref<64x128xf32, #tpu.memory_space<hbm>>
        tpu.enqueue_dma source(%dma_start3A_1395 : memref<64x128xf32, #tpu.memory_space<hbm>>) target(%arg16 : memref<64x128xf32, #tpu.memory_space<vmem>>) target_semaphore(%arg25 : memref<!tpu.dma_semaphore, #tpu.memory_space<semaphore_mem>>)
      } else {
      }
      %dma_wait3A_747 = arith.constant 0 : i32
      %dma_wait3A_748 = arith.constant 0 : i32
      %dma_wait3A_749 = tpu.memref_slice %arg4[%dma_wait3A_747, %dma_wait3A_748] : memref<64x1000000xf32, #tpu.memory_space<hbm>> -> memref<64x128xf32, #tpu.memory_space<hbm>>
      %dma_wait3A_750 = arith.constant 0 : i32
      %dma_wait3A_751 = arith.constant 0 : i32
      %dma_wait3A_752 = tpu.memref_slice %arg4[%dma_wait3A_750, %dma_wait3A_751] : memref<64x1000000xf32, #tpu.memory_space<hbm>> -> memref<64x128xf32, #tpu.memory_space<hbm>>
      tpu.wait_dma2 semaphore(%arg18 : memref<!tpu.dma_semaphore, #tpu.memory_space<semaphore_mem>>) src(%dma_wait3A_752 : memref<64x128xf32, #tpu.memory_space<hbm>>) dst(%arg9 : memref<64x128xf32, #tpu.memory_space<vmem>>)
      %dma_wait3A_753 = arith.constant 0 : i32
      %dma_wait3A_754 = arith.constant 0 : i32
      %dma_wait3A_755 = tpu.memref_slice %arg5[%dma_wait3A_753, %dma_wait3A_754] : memref<64x1000000xf32, #tpu.memory_space<hbm>> -> memref<64x128xf32, #tpu.memory_space<hbm>>
      %dma_wait3A_756 = arith.constant 0 : i32
      %dma_wait3A_757 = arith.constant 0 : i32
      %dma_wait3A_758 = tpu.memref_slice %arg5[%dma_wait3A_756, %dma_wait3A_757] : memref<64x1000000xf32, #tpu.memory_space<hbm>> -> memref<64x128xf32, #tpu.memory_space<hbm>>
      tpu.wait_dma2 semaphore(%arg19 : memref<!tpu.dma_semaphore, #tpu.memory_space<semaphore_mem>>) src(%dma_wait3A_758 : memref<64x128xf32, #tpu.memory_space<hbm>>) dst(%arg13 : memref<64x128xf32, #tpu.memory_space<vmem>>)
      %slice3A_759 = vector.extract_strided_slice %and3A_110 {offsets = [8], sizes = [1], strides = [1]} : vector<16xi32> to vector<1xi32>
      %squeeze3A_760 = vector.extract %slice3A_759[0] : i32 from vector<1xi32>
      %slice3A_761 = vector.extract_strided_slice %and3A_113 {offsets = [8], sizes = [1], strides = [1]} : vector<16xi32> to vector<1xi32>
      %squeeze3A_762 = vector.extract %slice3A_761[0] : i32 from vector<1xi32>
      %broadcast_in_dim3A_763 = vector.broadcast %squeeze3A_760 : i32 to vector<16xi32>
      %broadcast_in_dim3A_764 = vector.broadcast %squeeze3A_762 : i32 to vector<16xi32>
      %broadcast_in_dim3A_765 = arith.constant 0.000000e+00 : f32
      %broadcast_in_dim3A_766 = vector.broadcast %broadcast_in_dim3A_765 : f32 to vector<16xf32>
      %add3A_767 = arith.constant 0 : i32
      %add3A_768 = vector.broadcast %add3A_767 : i32 to vector<16xi32>
      %add3A_769 = arith.addi %add3A_768, %iota3A : vector<16xi32>
      %gather3A_770 = tpu.vector_load_idx %arg9[%add3A_769, %broadcast_in_dim3A_763] : memref<64x128xf32, #tpu.memory_space<vmem>>[vector<16xi32>, vector<16xi32>], vector<16xf32>,
      %gather3A_771 = tpu.vector_load_idx %arg13[%add3A_769, %broadcast_in_dim3A_764] : memref<64x128xf32, #tpu.memory_space<vmem>>[vector<16xi32>, vector<16xi32>], vector<16xf32>,
      %mul3A_772 = arith.mulf %gather3A_770, %gather3A_771 : vector<16xf32>
      %add3A_773 = arith.addf %broadcast_in_dim3A_766, %mul3A_772 : vector<16xf32>
      %add3A_774 = arith.constant 16 : i32
      %add3A_775 = vector.broadcast %add3A_774 : i32 to vector<16xi32>
      %add3A_776 = arith.addi %add3A_775, %iota3A : vector<16xi32>
      %gather3A_777 = tpu.vector_load_idx %arg9[%add3A_776, %broadcast_in_dim3A_763] : memref<64x128xf32, #tpu.memory_space<vmem>>[vector<16xi32>, vector<16xi32>], vector<16xf32>,
      %gather3A_778 = tpu.vector_load_idx %arg13[%add3A_776, %broadcast_in_dim3A_764] : memref<64x128xf32, #tpu.memory_space<vmem>>[vector<16xi32>, vector<16xi32>], vector<16xf32>,
      %mul3A_779 = arith.mulf %gather3A_777, %gather3A_778 : vector<16xf32>
      %add3A_780 = arith.addf %add3A_773, %mul3A_779 : vector<16xf32>
      %add3A_781 = arith.constant 32 : i32
      %add3A_782 = vector.broadcast %add3A_781 : i32 to vector<16xi32>
      %add3A_783 = arith.addi %add3A_782, %iota3A : vector<16xi32>
      %gather3A_784 = tpu.vector_load_idx %arg9[%add3A_783, %broadcast_in_dim3A_763] : memref<64x128xf32, #tpu.memory_space<vmem>>[vector<16xi32>, vector<16xi32>], vector<16xf32>,
      %gather3A_785 = tpu.vector_load_idx %arg13[%add3A_783, %broadcast_in_dim3A_764] : memref<64x128xf32, #tpu.memory_space<vmem>>[vector<16xi32>, vector<16xi32>], vector<16xf32>,
      %mul3A_786 = arith.mulf %gather3A_784, %gather3A_785 : vector<16xf32>
      %add3A_787 = arith.addf %add3A_780, %mul3A_786 : vector<16xf32>
      %add3A_788 = arith.constant 48 : i32
      %add3A_789 = vector.broadcast %add3A_788 : i32 to vector<16xi32>
      %add3A_790 = arith.addi %add3A_789, %iota3A : vector<16xi32>
      %gather3A_791 = tpu.vector_load_idx %arg9[%add3A_790, %broadcast_in_dim3A_763] : memref<64x128xf32, #tpu.memory_space<vmem>>[vector<16xi32>, vector<16xi32>], vector<16xf32>,
      %gather3A_792 = tpu.vector_load_idx %arg13[%add3A_790, %broadcast_in_dim3A_764] : memref<64x128xf32, #tpu.memory_space<vmem>>[vector<16xi32>, vector<16xi32>], vector<16xf32>,
      %mul3A_793 = arith.mulf %gather3A_791, %gather3A_792 : vector<16xf32>
      %add3A_794 = arith.addf %add3A_787, %mul3A_793 : vector<16xf32>
      %eq3A_795 = arith.constant 8 : i32
      %eq3A_796 = vector.broadcast %eq3A_795 : i32 to vector<16xi32>
      %eq3A_797 = arith.cmpi eq, %iota3A, %eq3A_796 : vector<16xi32>
      %reduce_sum3A_798 = arith.constant true
      %reduce_sum3A_799 = vector.broadcast %reduce_sum3A_798 : i1 to vector<16xi1>
      %reduce_sum3A_800 = tpu.scan <sum>, %add3A_794 masked %reduce_sum3A_799 : vector<16xf32>, vector<16xi1> -> vector<16xf32>
      %reduce_sum3A_801 = vector.extract %reduce_sum3A_800[15] : f32 from vector<16xf32>
      %broadcast_in_dim3A_802 = vector.broadcast %reduce_sum3A_801 : f32 to vector<16xf32>
      %select_n3A_803 = arith.select %eq3A_797, %broadcast_in_dim3A_802, %select_n3A_723 : vector<16xi1>, vector<16xf32>
      %add3A_804 = arith.constant 8 : i32
      %add3A_805 = arith.addi %mul3A_96, %add3A_804 : i32
      %add3A_806 = arith.constant 4 : i32
      %add3A_807 = arith.addi %add3A_805, %add3A_806 : i32
      %slice3A_808 = vector.extract_strided_slice %get3A_98 {offsets = [12], sizes = [1], strides = [1]} : vector<16xi32> to vector<1xi32>
      %squeeze3A_809 = vector.extract %slice3A_808[0] : i32 from vector<1xi32>
      %shift_right_arithmetic3A_810 = arith.constant 7 : i32
      %shift_right_arithmetic3A_811 = arith.shrsi %squeeze3A_809, %shift_right_arithmetic3A_810 : i32
      %mul3A_812 = arith.constant 128 : i32
      %mul3A_813 = arith.muli %shift_right_arithmetic3A_811, %mul3A_812 : i32
      %multiple_of3A_814 = tpu.assume_multiple %mul3A_813, 128 : i32
      %slice3A_815 = vector.extract_strided_slice %get3A_100 {offsets = [12], sizes = [1], strides = [1]} : vector<16xi32> to vector<1xi32>
      %squeeze3A_816 = vector.extract %slice3A_815[0] : i32 from vector<1xi32>
      %shift_right_arithmetic3A_817 = arith.constant 7 : i32
      %shift_right_arithmetic3A_818 = arith.shrsi %squeeze3A_816, %shift_right_arithmetic3A_817 : i32
      %mul3A_819 = arith.constant 128 : i32
      %mul3A_820 = arith.muli %shift_right_arithmetic3A_818, %mul3A_819 : i32
      %multiple_of3A_821 = tpu.assume_multiple %mul3A_820, 128 : i32
      %lt3A_822 = arith.constant 512 : i32
      %lt3A_823 = arith.cmpi slt, %add3A_807, %lt3A_822 : i32
      %convert_element_type3A_824 = arith.extui %lt3A_823 : i1 to i32
      %cond3A_825 = arith.constant 0 : i32
      %cond3A_826 = arith.cmpi ne, %convert_element_type3A_824, %cond3A_825 : i32
      scf.if %cond3A_826 {
        %dma_start3A_1388 = arith.constant 0 : i32
        %dma_start3A_1389 = tpu.memref_slice %arg4[%dma_start3A_1388, %multiple_of3A_814] : memref<64x1000000xf32, #tpu.memory_space<hbm>> -> memref<64x128xf32, #tpu.memory_space<hbm>>
        %dma_start3A_1390 = arith.constant 0 : i32
        %dma_start3A_1391 = tpu.memref_slice %arg4[%dma_start3A_1390, %multiple_of3A_814] : memref<64x1000000xf32, #tpu.memory_space<hbm>> -> memref<64x128xf32, #tpu.memory_space<hbm>>
        tpu.enqueue_dma source(%dma_start3A_1391 : memref<64x128xf32, #tpu.memory_space<hbm>>) target(%arg9 : memref<64x128xf32, #tpu.memory_space<vmem>>) target_semaphore(%arg18 : memref<!tpu.dma_semaphore, #tpu.memory_space<semaphore_mem>>)
        %dma_start3A_1392 = arith.constant 0 : i32
        %dma_start3A_1393 = tpu.memref_slice %arg5[%dma_start3A_1392, %multiple_of3A_821] : memref<64x1000000xf32, #tpu.memory_space<hbm>> -> memref<64x128xf32, #tpu.memory_space<hbm>>
        %dma_start3A_1394 = arith.constant 0 : i32
        %dma_start3A_1395 = tpu.memref_slice %arg5[%dma_start3A_1394, %multiple_of3A_821] : memref<64x1000000xf32, #tpu.memory_space<hbm>> -> memref<64x128xf32, #tpu.memory_space<hbm>>
        tpu.enqueue_dma source(%dma_start3A_1395 : memref<64x128xf32, #tpu.memory_space<hbm>>) target(%arg13 : memref<64x128xf32, #tpu.memory_space<vmem>>) target_semaphore(%arg19 : memref<!tpu.dma_semaphore, #tpu.memory_space<semaphore_mem>>)
      } else {
      }
      %dma_wait3A_827 = arith.constant 0 : i32
      %dma_wait3A_828 = arith.constant 0 : i32
      %dma_wait3A_829 = tpu.memref_slice %arg4[%dma_wait3A_827, %dma_wait3A_828] : memref<64x1000000xf32, #tpu.memory_space<hbm>> -> memref<64x128xf32, #tpu.memory_space<hbm>>
      %dma_wait3A_830 = arith.constant 0 : i32
      %dma_wait3A_831 = arith.constant 0 : i32
      %dma_wait3A_832 = tpu.memref_slice %arg4[%dma_wait3A_830, %dma_wait3A_831] : memref<64x1000000xf32, #tpu.memory_space<hbm>> -> memref<64x128xf32, #tpu.memory_space<hbm>>
      tpu.wait_dma2 semaphore(%arg20 : memref<!tpu.dma_semaphore, #tpu.memory_space<semaphore_mem>>) src(%dma_wait3A_832 : memref<64x128xf32, #tpu.memory_space<hbm>>) dst(%arg10 : memref<64x128xf32, #tpu.memory_space<vmem>>)
      %dma_wait3A_833 = arith.constant 0 : i32
      %dma_wait3A_834 = arith.constant 0 : i32
      %dma_wait3A_835 = tpu.memref_slice %arg5[%dma_wait3A_833, %dma_wait3A_834] : memref<64x1000000xf32, #tpu.memory_space<hbm>> -> memref<64x128xf32, #tpu.memory_space<hbm>>
      %dma_wait3A_836 = arith.constant 0 : i32
      %dma_wait3A_837 = arith.constant 0 : i32
      %dma_wait3A_838 = tpu.memref_slice %arg5[%dma_wait3A_836, %dma_wait3A_837] : memref<64x1000000xf32, #tpu.memory_space<hbm>> -> memref<64x128xf32, #tpu.memory_space<hbm>>
      tpu.wait_dma2 semaphore(%arg21 : memref<!tpu.dma_semaphore, #tpu.memory_space<semaphore_mem>>) src(%dma_wait3A_838 : memref<64x128xf32, #tpu.memory_space<hbm>>) dst(%arg14 : memref<64x128xf32, #tpu.memory_space<vmem>>)
      %slice3A_839 = vector.extract_strided_slice %and3A_110 {offsets = [9], sizes = [1], strides = [1]} : vector<16xi32> to vector<1xi32>
      %squeeze3A_840 = vector.extract %slice3A_839[0] : i32 from vector<1xi32>
      %slice3A_841 = vector.extract_strided_slice %and3A_113 {offsets = [9], sizes = [1], strides = [1]} : vector<16xi32> to vector<1xi32>
      %squeeze3A_842 = vector.extract %slice3A_841[0] : i32 from vector<1xi32>
      %broadcast_in_dim3A_843 = vector.broadcast %squeeze3A_840 : i32 to vector<16xi32>
      %broadcast_in_dim3A_844 = vector.broadcast %squeeze3A_842 : i32 to vector<16xi32>
      %broadcast_in_dim3A_845 = arith.constant 0.000000e+00 : f32
      %broadcast_in_dim3A_846 = vector.broadcast %broadcast_in_dim3A_845 : f32 to vector<16xf32>
      %add3A_847 = arith.constant 0 : i32
      %add3A_848 = vector.broadcast %add3A_847 : i32 to vector<16xi32>
      %add3A_849 = arith.addi %add3A_848, %iota3A : vector<16xi32>
      %gather3A_850 = tpu.vector_load_idx %arg10[%add3A_849, %broadcast_in_dim3A_843] : memref<64x128xf32, #tpu.memory_space<vmem>>[vector<16xi32>, vector<16xi32>], vector<16xf32>,
      %gather3A_851 = tpu.vector_load_idx %arg14[%add3A_849, %broadcast_in_dim3A_844] : memref<64x128xf32, #tpu.memory_space<vmem>>[vector<16xi32>, vector<16xi32>], vector<16xf32>,
      %mul3A_852 = arith.mulf %gather3A_850, %gather3A_851 : vector<16xf32>
      %add3A_853 = arith.addf %broadcast_in_dim3A_846, %mul3A_852 : vector<16xf32>
      %add3A_854 = arith.constant 16 : i32
      %add3A_855 = vector.broadcast %add3A_854 : i32 to vector<16xi32>
      %add3A_856 = arith.addi %add3A_855, %iota3A : vector<16xi32>
      %gather3A_857 = tpu.vector_load_idx %arg10[%add3A_856, %broadcast_in_dim3A_843] : memref<64x128xf32, #tpu.memory_space<vmem>>[vector<16xi32>, vector<16xi32>], vector<16xf32>,
      %gather3A_858 = tpu.vector_load_idx %arg14[%add3A_856, %broadcast_in_dim3A_844] : memref<64x128xf32, #tpu.memory_space<vmem>>[vector<16xi32>, vector<16xi32>], vector<16xf32>,
      %mul3A_859 = arith.mulf %gather3A_857, %gather3A_858 : vector<16xf32>
      %add3A_860 = arith.addf %add3A_853, %mul3A_859 : vector<16xf32>
      %add3A_861 = arith.constant 32 : i32
      %add3A_862 = vector.broadcast %add3A_861 : i32 to vector<16xi32>
      %add3A_863 = arith.addi %add3A_862, %iota3A : vector<16xi32>
      %gather3A_864 = tpu.vector_load_idx %arg10[%add3A_863, %broadcast_in_dim3A_843] : memref<64x128xf32, #tpu.memory_space<vmem>>[vector<16xi32>, vector<16xi32>], vector<16xf32>,
      %gather3A_865 = tpu.vector_load_idx %arg14[%add3A_863, %broadcast_in_dim3A_844] : memref<64x128xf32, #tpu.memory_space<vmem>>[vector<16xi32>, vector<16xi32>], vector<16xf32>,
      %mul3A_866 = arith.mulf %gather3A_864, %gather3A_865 : vector<16xf32>
      %add3A_867 = arith.addf %add3A_860, %mul3A_866 : vector<16xf32>
      %add3A_868 = arith.constant 48 : i32
      %add3A_869 = vector.broadcast %add3A_868 : i32 to vector<16xi32>
      %add3A_870 = arith.addi %add3A_869, %iota3A : vector<16xi32>
      %gather3A_871 = tpu.vector_load_idx %arg10[%add3A_870, %broadcast_in_dim3A_843] : memref<64x128xf32, #tpu.memory_space<vmem>>[vector<16xi32>, vector<16xi32>], vector<16xf32>,
      %gather3A_872 = tpu.vector_load_idx %arg14[%add3A_870, %broadcast_in_dim3A_844] : memref<64x128xf32, #tpu.memory_space<vmem>>[vector<16xi32>, vector<16xi32>], vector<16xf32>,
      %mul3A_873 = arith.mulf %gather3A_871, %gather3A_872 : vector<16xf32>
      %add3A_874 = arith.addf %add3A_867, %mul3A_873 : vector<16xf32>
      %eq3A_875 = arith.constant 9 : i32
      %eq3A_876 = vector.broadcast %eq3A_875 : i32 to vector<16xi32>
      %eq3A_877 = arith.cmpi eq, %iota3A, %eq3A_876 : vector<16xi32>
      %reduce_sum3A_878 = arith.constant true
      %reduce_sum3A_879 = vector.broadcast %reduce_sum3A_878 : i1 to vector<16xi1>
      %reduce_sum3A_880 = tpu.scan <sum>, %add3A_874 masked %reduce_sum3A_879 : vector<16xf32>, vector<16xi1> -> vector<16xf32>
      %reduce_sum3A_881 = vector.extract %reduce_sum3A_880[15] : f32 from vector<16xf32>
      %broadcast_in_dim3A_882 = vector.broadcast %reduce_sum3A_881 : f32 to vector<16xf32>
      %select_n3A_883 = arith.select %eq3A_877, %broadcast_in_dim3A_882, %select_n3A_803 : vector<16xi1>, vector<16xf32>
      %add3A_884 = arith.constant 9 : i32
      %add3A_885 = arith.addi %mul3A_96, %add3A_884 : i32
      %add3A_886 = arith.constant 4 : i32
      %add3A_887 = arith.addi %add3A_885, %add3A_886 : i32
      %slice3A_888 = vector.extract_strided_slice %get3A_98 {offsets = [13], sizes = [1], strides = [1]} : vector<16xi32> to vector<1xi32>
      %squeeze3A_889 = vector.extract %slice3A_888[0] : i32 from vector<1xi32>
      %shift_right_arithmetic3A_890 = arith.constant 7 : i32
      %shift_right_arithmetic3A_891 = arith.shrsi %squeeze3A_889, %shift_right_arithmetic3A_890 : i32
      %mul3A_892 = arith.constant 128 : i32
      %mul3A_893 = arith.muli %shift_right_arithmetic3A_891, %mul3A_892 : i32
      %multiple_of3A_894 = tpu.assume_multiple %mul3A_893, 128 : i32
      %slice3A_895 = vector.extract_strided_slice %get3A_100 {offsets = [13], sizes = [1], strides = [1]} : vector<16xi32> to vector<1xi32>
      %squeeze3A_896 = vector.extract %slice3A_895[0] : i32 from vector<1xi32>
      %shift_right_arithmetic3A_897 = arith.constant 7 : i32
      %shift_right_arithmetic3A_898 = arith.shrsi %squeeze3A_896, %shift_right_arithmetic3A_897 : i32
      %mul3A_899 = arith.constant 128 : i32
      %mul3A_900 = arith.muli %shift_right_arithmetic3A_898, %mul3A_899 : i32
      %multiple_of3A_901 = tpu.assume_multiple %mul3A_900, 128 : i32
      %lt3A_902 = arith.constant 512 : i32
      %lt3A_903 = arith.cmpi slt, %add3A_887, %lt3A_902 : i32
      %convert_element_type3A_904 = arith.extui %lt3A_903 : i1 to i32
      %cond3A_905 = arith.constant 0 : i32
      %cond3A_906 = arith.cmpi ne, %convert_element_type3A_904, %cond3A_905 : i32
      scf.if %cond3A_906 {
        %dma_start3A_1388 = arith.constant 0 : i32
        %dma_start3A_1389 = tpu.memref_slice %arg4[%dma_start3A_1388, %multiple_of3A_894] : memref<64x1000000xf32, #tpu.memory_space<hbm>> -> memref<64x128xf32, #tpu.memory_space<hbm>>
        %dma_start3A_1390 = arith.constant 0 : i32
        %dma_start3A_1391 = tpu.memref_slice %arg4[%dma_start3A_1390, %multiple_of3A_894] : memref<64x1000000xf32, #tpu.memory_space<hbm>> -> memref<64x128xf32, #tpu.memory_space<hbm>>
        tpu.enqueue_dma source(%dma_start3A_1391 : memref<64x128xf32, #tpu.memory_space<hbm>>) target(%arg10 : memref<64x128xf32, #tpu.memory_space<vmem>>) target_semaphore(%arg20 : memref<!tpu.dma_semaphore, #tpu.memory_space<semaphore_mem>>)
        %dma_start3A_1392 = arith.constant 0 : i32
        %dma_start3A_1393 = tpu.memref_slice %arg5[%dma_start3A_1392, %multiple_of3A_901] : memref<64x1000000xf32, #tpu.memory_space<hbm>> -> memref<64x128xf32, #tpu.memory_space<hbm>>
        %dma_start3A_1394 = arith.constant 0 : i32
        %dma_start3A_1395 = tpu.memref_slice %arg5[%dma_start3A_1394, %multiple_of3A_901] : memref<64x1000000xf32, #tpu.memory_space<hbm>> -> memref<64x128xf32, #tpu.memory_space<hbm>>
        tpu.enqueue_dma source(%dma_start3A_1395 : memref<64x128xf32, #tpu.memory_space<hbm>>) target(%arg14 : memref<64x128xf32, #tpu.memory_space<vmem>>) target_semaphore(%arg21 : memref<!tpu.dma_semaphore, #tpu.memory_space<semaphore_mem>>)
      } else {
      }
      %dma_wait3A_907 = arith.constant 0 : i32
      %dma_wait3A_908 = arith.constant 0 : i32
      %dma_wait3A_909 = tpu.memref_slice %arg4[%dma_wait3A_907, %dma_wait3A_908] : memref<64x1000000xf32, #tpu.memory_space<hbm>> -> memref<64x128xf32, #tpu.memory_space<hbm>>
      %dma_wait3A_910 = arith.constant 0 : i32
      %dma_wait3A_911 = arith.constant 0 : i32
      %dma_wait3A_912 = tpu.memref_slice %arg4[%dma_wait3A_910, %dma_wait3A_911] : memref<64x1000000xf32, #tpu.memory_space<hbm>> -> memref<64x128xf32, #tpu.memory_space<hbm>>
      tpu.wait_dma2 semaphore(%arg22 : memref<!tpu.dma_semaphore, #tpu.memory_space<semaphore_mem>>) src(%dma_wait3A_912 : memref<64x128xf32, #tpu.memory_space<hbm>>) dst(%arg11 : memref<64x128xf32, #tpu.memory_space<vmem>>)
      %dma_wait3A_913 = arith.constant 0 : i32
      %dma_wait3A_914 = arith.constant 0 : i32
      %dma_wait3A_915 = tpu.memref_slice %arg5[%dma_wait3A_913, %dma_wait3A_914] : memref<64x1000000xf32, #tpu.memory_space<hbm>> -> memref<64x128xf32, #tpu.memory_space<hbm>>
      %dma_wait3A_916 = arith.constant 0 : i32
      %dma_wait3A_917 = arith.constant 0 : i32
      %dma_wait3A_918 = tpu.memref_slice %arg5[%dma_wait3A_916, %dma_wait3A_917] : memref<64x1000000xf32, #tpu.memory_space<hbm>> -> memref<64x128xf32, #tpu.memory_space<hbm>>
      tpu.wait_dma2 semaphore(%arg23 : memref<!tpu.dma_semaphore, #tpu.memory_space<semaphore_mem>>) src(%dma_wait3A_918 : memref<64x128xf32, #tpu.memory_space<hbm>>) dst(%arg15 : memref<64x128xf32, #tpu.memory_space<vmem>>)
      %slice3A_919 = vector.extract_strided_slice %and3A_110 {offsets = [10], sizes = [1], strides = [1]} : vector<16xi32> to vector<1xi32>
      %squeeze3A_920 = vector.extract %slice3A_919[0] : i32 from vector<1xi32>
      %slice3A_921 = vector.extract_strided_slice %and3A_113 {offsets = [10], sizes = [1], strides = [1]} : vector<16xi32> to vector<1xi32>
      %squeeze3A_922 = vector.extract %slice3A_921[0] : i32 from vector<1xi32>
      %broadcast_in_dim3A_923 = vector.broadcast %squeeze3A_920 : i32 to vector<16xi32>
      %broadcast_in_dim3A_924 = vector.broadcast %squeeze3A_922 : i32 to vector<16xi32>
      %broadcast_in_dim3A_925 = arith.constant 0.000000e+00 : f32
      %broadcast_in_dim3A_926 = vector.broadcast %broadcast_in_dim3A_925 : f32 to vector<16xf32>
      %add3A_927 = arith.constant 0 : i32
      %add3A_928 = vector.broadcast %add3A_927 : i32 to vector<16xi32>
      %add3A_929 = arith.addi %add3A_928, %iota3A : vector<16xi32>
      %gather3A_930 = tpu.vector_load_idx %arg11[%add3A_929, %broadcast_in_dim3A_923] : memref<64x128xf32, #tpu.memory_space<vmem>>[vector<16xi32>, vector<16xi32>], vector<16xf32>,
      %gather3A_931 = tpu.vector_load_idx %arg15[%add3A_929, %broadcast_in_dim3A_924] : memref<64x128xf32, #tpu.memory_space<vmem>>[vector<16xi32>, vector<16xi32>], vector<16xf32>,
      %mul3A_932 = arith.mulf %gather3A_930, %gather3A_931 : vector<16xf32>
      %add3A_933 = arith.addf %broadcast_in_dim3A_926, %mul3A_932 : vector<16xf32>
      %add3A_934 = arith.constant 16 : i32
      %add3A_935 = vector.broadcast %add3A_934 : i32 to vector<16xi32>
      %add3A_936 = arith.addi %add3A_935, %iota3A : vector<16xi32>
      %gather3A_937 = tpu.vector_load_idx %arg11[%add3A_936, %broadcast_in_dim3A_923] : memref<64x128xf32, #tpu.memory_space<vmem>>[vector<16xi32>, vector<16xi32>], vector<16xf32>,
      %gather3A_938 = tpu.vector_load_idx %arg15[%add3A_936, %broadcast_in_dim3A_924] : memref<64x128xf32, #tpu.memory_space<vmem>>[vector<16xi32>, vector<16xi32>], vector<16xf32>,
      %mul3A_939 = arith.mulf %gather3A_937, %gather3A_938 : vector<16xf32>
      %add3A_940 = arith.addf %add3A_933, %mul3A_939 : vector<16xf32>
      %add3A_941 = arith.constant 32 : i32
      %add3A_942 = vector.broadcast %add3A_941 : i32 to vector<16xi32>
      %add3A_943 = arith.addi %add3A_942, %iota3A : vector<16xi32>
      %gather3A_944 = tpu.vector_load_idx %arg11[%add3A_943, %broadcast_in_dim3A_923] : memref<64x128xf32, #tpu.memory_space<vmem>>[vector<16xi32>, vector<16xi32>], vector<16xf32>,
      %gather3A_945 = tpu.vector_load_idx %arg15[%add3A_943, %broadcast_in_dim3A_924] : memref<64x128xf32, #tpu.memory_space<vmem>>[vector<16xi32>, vector<16xi32>], vector<16xf32>,
      %mul3A_946 = arith.mulf %gather3A_944, %gather3A_945 : vector<16xf32>
      %add3A_947 = arith.addf %add3A_940, %mul3A_946 : vector<16xf32>
      %add3A_948 = arith.constant 48 : i32
      %add3A_949 = vector.broadcast %add3A_948 : i32 to vector<16xi32>
      %add3A_950 = arith.addi %add3A_949, %iota3A : vector<16xi32>
      %gather3A_951 = tpu.vector_load_idx %arg11[%add3A_950, %broadcast_in_dim3A_923] : memref<64x128xf32, #tpu.memory_space<vmem>>[vector<16xi32>, vector<16xi32>], vector<16xf32>,
      %gather3A_952 = tpu.vector_load_idx %arg15[%add3A_950, %broadcast_in_dim3A_924] : memref<64x128xf32, #tpu.memory_space<vmem>>[vector<16xi32>, vector<16xi32>], vector<16xf32>,
      %mul3A_953 = arith.mulf %gather3A_951, %gather3A_952 : vector<16xf32>
      %add3A_954 = arith.addf %add3A_947, %mul3A_953 : vector<16xf32>
      %eq3A_955 = arith.constant 10 : i32
      %eq3A_956 = vector.broadcast %eq3A_955 : i32 to vector<16xi32>
      %eq3A_957 = arith.cmpi eq, %iota3A, %eq3A_956 : vector<16xi32>
      %reduce_sum3A_958 = arith.constant true
      %reduce_sum3A_959 = vector.broadcast %reduce_sum3A_958 : i1 to vector<16xi1>
      %reduce_sum3A_960 = tpu.scan <sum>, %add3A_954 masked %reduce_sum3A_959 : vector<16xf32>, vector<16xi1> -> vector<16xf32>
      %reduce_sum3A_961 = vector.extract %reduce_sum3A_960[15] : f32 from vector<16xf32>
      %broadcast_in_dim3A_962 = vector.broadcast %reduce_sum3A_961 : f32 to vector<16xf32>
      %select_n3A_963 = arith.select %eq3A_957, %broadcast_in_dim3A_962, %select_n3A_883 : vector<16xi1>, vector<16xf32>
      %add3A_964 = arith.constant 10 : i32
      %add3A_965 = arith.addi %mul3A_96, %add3A_964 : i32
      %add3A_966 = arith.constant 4 : i32
      %add3A_967 = arith.addi %add3A_965, %add3A_966 : i32
      %slice3A_968 = vector.extract_strided_slice %get3A_98 {offsets = [14], sizes = [1], strides = [1]} : vector<16xi32> to vector<1xi32>
      %squeeze3A_969 = vector.extract %slice3A_968[0] : i32 from vector<1xi32>
      %shift_right_arithmetic3A_970 = arith.constant 7 : i32
      %shift_right_arithmetic3A_971 = arith.shrsi %squeeze3A_969, %shift_right_arithmetic3A_970 : i32
      %mul3A_972 = arith.constant 128 : i32
      %mul3A_973 = arith.muli %shift_right_arithmetic3A_971, %mul3A_972 : i32
      %multiple_of3A_974 = tpu.assume_multiple %mul3A_973, 128 : i32
      %slice3A_975 = vector.extract_strided_slice %get3A_100 {offsets = [14], sizes = [1], strides = [1]} : vector<16xi32> to vector<1xi32>
      %squeeze3A_976 = vector.extract %slice3A_975[0] : i32 from vector<1xi32>
      %shift_right_arithmetic3A_977 = arith.constant 7 : i32
      %shift_right_arithmetic3A_978 = arith.shrsi %squeeze3A_976, %shift_right_arithmetic3A_977 : i32
      %mul3A_979 = arith.constant 128 : i32
      %mul3A_980 = arith.muli %shift_right_arithmetic3A_978, %mul3A_979 : i32
      %multiple_of3A_981 = tpu.assume_multiple %mul3A_980, 128 : i32
      %lt3A_982 = arith.constant 512 : i32
      %lt3A_983 = arith.cmpi slt, %add3A_967, %lt3A_982 : i32
      %convert_element_type3A_984 = arith.extui %lt3A_983 : i1 to i32
      %cond3A_985 = arith.constant 0 : i32
      %cond3A_986 = arith.cmpi ne, %convert_element_type3A_984, %cond3A_985 : i32
      scf.if %cond3A_986 {
        %dma_start3A_1388 = arith.constant 0 : i32
        %dma_start3A_1389 = tpu.memref_slice %arg4[%dma_start3A_1388, %multiple_of3A_974] : memref<64x1000000xf32, #tpu.memory_space<hbm>> -> memref<64x128xf32, #tpu.memory_space<hbm>>
        %dma_start3A_1390 = arith.constant 0 : i32
        %dma_start3A_1391 = tpu.memref_slice %arg4[%dma_start3A_1390, %multiple_of3A_974] : memref<64x1000000xf32, #tpu.memory_space<hbm>> -> memref<64x128xf32, #tpu.memory_space<hbm>>
        tpu.enqueue_dma source(%dma_start3A_1391 : memref<64x128xf32, #tpu.memory_space<hbm>>) target(%arg11 : memref<64x128xf32, #tpu.memory_space<vmem>>) target_semaphore(%arg22 : memref<!tpu.dma_semaphore, #tpu.memory_space<semaphore_mem>>)
        %dma_start3A_1392 = arith.constant 0 : i32
        %dma_start3A_1393 = tpu.memref_slice %arg5[%dma_start3A_1392, %multiple_of3A_981] : memref<64x1000000xf32, #tpu.memory_space<hbm>> -> memref<64x128xf32, #tpu.memory_space<hbm>>
        %dma_start3A_1394 = arith.constant 0 : i32
        %dma_start3A_1395 = tpu.memref_slice %arg5[%dma_start3A_1394, %multiple_of3A_981] : memref<64x1000000xf32, #tpu.memory_space<hbm>> -> memref<64x128xf32, #tpu.memory_space<hbm>>
        tpu.enqueue_dma source(%dma_start3A_1395 : memref<64x128xf32, #tpu.memory_space<hbm>>) target(%arg15 : memref<64x128xf32, #tpu.memory_space<vmem>>) target_semaphore(%arg23 : memref<!tpu.dma_semaphore, #tpu.memory_space<semaphore_mem>>)
      } else {
      }
      %dma_wait3A_987 = arith.constant 0 : i32
      %dma_wait3A_988 = arith.constant 0 : i32
      %dma_wait3A_989 = tpu.memref_slice %arg4[%dma_wait3A_987, %dma_wait3A_988] : memref<64x1000000xf32, #tpu.memory_space<hbm>> -> memref<64x128xf32, #tpu.memory_space<hbm>>
      %dma_wait3A_990 = arith.constant 0 : i32
      %dma_wait3A_991 = arith.constant 0 : i32
      %dma_wait3A_992 = tpu.memref_slice %arg4[%dma_wait3A_990, %dma_wait3A_991] : memref<64x1000000xf32, #tpu.memory_space<hbm>> -> memref<64x128xf32, #tpu.memory_space<hbm>>
      tpu.wait_dma2 semaphore(%arg24 : memref<!tpu.dma_semaphore, #tpu.memory_space<semaphore_mem>>) src(%dma_wait3A_992 : memref<64x128xf32, #tpu.memory_space<hbm>>) dst(%arg12 : memref<64x128xf32, #tpu.memory_space<vmem>>)
      %dma_wait3A_993 = arith.constant 0 : i32
      %dma_wait3A_994 = arith.constant 0 : i32
      %dma_wait3A_995 = tpu.memref_slice %arg5[%dma_wait3A_993, %dma_wait3A_994] : memref<64x1000000xf32, #tpu.memory_space<hbm>> -> memref<64x128xf32, #tpu.memory_space<hbm>>
      %dma_wait3A_996 = arith.constant 0 : i32
      %dma_wait3A_997 = arith.constant 0 : i32
      %dma_wait3A_998 = tpu.memref_slice %arg5[%dma_wait3A_996, %dma_wait3A_997] : memref<64x1000000xf32, #tpu.memory_space<hbm>> -> memref<64x128xf32, #tpu.memory_space<hbm>>
      tpu.wait_dma2 semaphore(%arg25 : memref<!tpu.dma_semaphore, #tpu.memory_space<semaphore_mem>>) src(%dma_wait3A_998 : memref<64x128xf32, #tpu.memory_space<hbm>>) dst(%arg16 : memref<64x128xf32, #tpu.memory_space<vmem>>)
      %slice3A_999 = vector.extract_strided_slice %and3A_110 {offsets = [11], sizes = [1], strides = [1]} : vector<16xi32> to vector<1xi32>
      %squeeze3A_1000 = vector.extract %slice3A_999[0] : i32 from vector<1xi32>
      %slice3A_1001 = vector.extract_strided_slice %and3A_113 {offsets = [11], sizes = [1], strides = [1]} : vector<16xi32> to vector<1xi32>
      %squeeze3A_1002 = vector.extract %slice3A_1001[0] : i32 from vector<1xi32>
      %broadcast_in_dim3A_1003 = vector.broadcast %squeeze3A_1000 : i32 to vector<16xi32>
      %broadcast_in_dim3A_1004 = vector.broadcast %squeeze3A_1002 : i32 to vector<16xi32>
      %broadcast_in_dim3A_1005 = arith.constant 0.000000e+00 : f32
      %broadcast_in_dim3A_1006 = vector.broadcast %broadcast_in_dim3A_1005 : f32 to vector<16xf32>
      %add3A_1007 = arith.constant 0 : i32
      %add3A_1008 = vector.broadcast %add3A_1007 : i32 to vector<16xi32>
      %add3A_1009 = arith.addi %add3A_1008, %iota3A : vector<16xi32>
      %gather3A_1010 = tpu.vector_load_idx %arg12[%add3A_1009, %broadcast_in_dim3A_1003] : memref<64x128xf32, #tpu.memory_space<vmem>>[vector<16xi32>, vector<16xi32>], vector<16xf32>,
      %gather3A_1011 = tpu.vector_load_idx %arg16[%add3A_1009, %broadcast_in_dim3A_1004] : memref<64x128xf32, #tpu.memory_space<vmem>>[vector<16xi32>, vector<16xi32>], vector<16xf32>,
      %mul3A_1012 = arith.mulf %gather3A_1010, %gather3A_1011 : vector<16xf32>
      %add3A_1013 = arith.addf %broadcast_in_dim3A_1006, %mul3A_1012 : vector<16xf32>
      %add3A_1014 = arith.constant 16 : i32
      %add3A_1015 = vector.broadcast %add3A_1014 : i32 to vector<16xi32>
      %add3A_1016 = arith.addi %add3A_1015, %iota3A : vector<16xi32>
      %gather3A_1017 = tpu.vector_load_idx %arg12[%add3A_1016, %broadcast_in_dim3A_1003] : memref<64x128xf32, #tpu.memory_space<vmem>>[vector<16xi32>, vector<16xi32>], vector<16xf32>,
      %gather3A_1018 = tpu.vector_load_idx %arg16[%add3A_1016, %broadcast_in_dim3A_1004] : memref<64x128xf32, #tpu.memory_space<vmem>>[vector<16xi32>, vector<16xi32>], vector<16xf32>,
      %mul3A_1019 = arith.mulf %gather3A_1017, %gather3A_1018 : vector<16xf32>
      %add3A_1020 = arith.addf %add3A_1013, %mul3A_1019 : vector<16xf32>
      %add3A_1021 = arith.constant 32 : i32
      %add3A_1022 = vector.broadcast %add3A_1021 : i32 to vector<16xi32>
      %add3A_1023 = arith.addi %add3A_1022, %iota3A : vector<16xi32>
      %gather3A_1024 = tpu.vector_load_idx %arg12[%add3A_1023, %broadcast_in_dim3A_1003] : memref<64x128xf32, #tpu.memory_space<vmem>>[vector<16xi32>, vector<16xi32>], vector<16xf32>,
      %gather3A_1025 = tpu.vector_load_idx %arg16[%add3A_1023, %broadcast_in_dim3A_1004] : memref<64x128xf32, #tpu.memory_space<vmem>>[vector<16xi32>, vector<16xi32>], vector<16xf32>,
      %mul3A_1026 = arith.mulf %gather3A_1024, %gather3A_1025 : vector<16xf32>
      %add3A_1027 = arith.addf %add3A_1020, %mul3A_1026 : vector<16xf32>
      %add3A_1028 = arith.constant 48 : i32
      %add3A_1029 = vector.broadcast %add3A_1028 : i32 to vector<16xi32>
      %add3A_1030 = arith.addi %add3A_1029, %iota3A : vector<16xi32>
      %gather3A_1031 = tpu.vector_load_idx %arg12[%add3A_1030, %broadcast_in_dim3A_1003] : memref<64x128xf32, #tpu.memory_space<vmem>>[vector<16xi32>, vector<16xi32>], vector<16xf32>,
      %gather3A_1032 = tpu.vector_load_idx %arg16[%add3A_1030, %broadcast_in_dim3A_1004] : memref<64x128xf32, #tpu.memory_space<vmem>>[vector<16xi32>, vector<16xi32>], vector<16xf32>,
      %mul3A_1033 = arith.mulf %gather3A_1031, %gather3A_1032 : vector<16xf32>
      %add3A_1034 = arith.addf %add3A_1027, %mul3A_1033 : vector<16xf32>
      %eq3A_1035 = arith.constant 11 : i32
      %eq3A_1036 = vector.broadcast %eq3A_1035 : i32 to vector<16xi32>
      %eq3A_1037 = arith.cmpi eq, %iota3A, %eq3A_1036 : vector<16xi32>
      %reduce_sum3A_1038 = arith.constant true
      %reduce_sum3A_1039 = vector.broadcast %reduce_sum3A_1038 : i1 to vector<16xi1>
      %reduce_sum3A_1040 = tpu.scan <sum>, %add3A_1034 masked %reduce_sum3A_1039 : vector<16xf32>, vector<16xi1> -> vector<16xf32>
      %reduce_sum3A_1041 = vector.extract %reduce_sum3A_1040[15] : f32 from vector<16xf32>
      %broadcast_in_dim3A_1042 = vector.broadcast %reduce_sum3A_1041 : f32 to vector<16xf32>
      %select_n3A_1043 = arith.select %eq3A_1037, %broadcast_in_dim3A_1042, %select_n3A_963 : vector<16xi1>, vector<16xf32>
      %add3A_1044 = arith.constant 11 : i32
      %add3A_1045 = arith.addi %mul3A_96, %add3A_1044 : i32
      %add3A_1046 = arith.constant 4 : i32
      %add3A_1047 = arith.addi %add3A_1045, %add3A_1046 : i32
      %slice3A_1048 = vector.extract_strided_slice %get3A_98 {offsets = [15], sizes = [1], strides = [1]} : vector<16xi32> to vector<1xi32>
      %squeeze3A_1049 = vector.extract %slice3A_1048[0] : i32 from vector<1xi32>
      %shift_right_arithmetic3A_1050 = arith.constant 7 : i32
      %shift_right_arithmetic3A_1051 = arith.shrsi %squeeze3A_1049, %shift_right_arithmetic3A_1050 : i32
      %mul3A_1052 = arith.constant 128 : i32
      %mul3A_1053 = arith.muli %shift_right_arithmetic3A_1051, %mul3A_1052 : i32
      %multiple_of3A_1054 = tpu.assume_multiple %mul3A_1053, 128 : i32
      %slice3A_1055 = vector.extract_strided_slice %get3A_100 {offsets = [15], sizes = [1], strides = [1]} : vector<16xi32> to vector<1xi32>
      %squeeze3A_1056 = vector.extract %slice3A_1055[0] : i32 from vector<1xi32>
      %shift_right_arithmetic3A_1057 = arith.constant 7 : i32
      %shift_right_arithmetic3A_1058 = arith.shrsi %squeeze3A_1056, %shift_right_arithmetic3A_1057 : i32
      %mul3A_1059 = arith.constant 128 : i32
      %mul3A_1060 = arith.muli %shift_right_arithmetic3A_1058, %mul3A_1059 : i32
      %multiple_of3A_1061 = tpu.assume_multiple %mul3A_1060, 128 : i32
      %lt3A_1062 = arith.constant 512 : i32
      %lt3A_1063 = arith.cmpi slt, %add3A_1047, %lt3A_1062 : i32
      %convert_element_type3A_1064 = arith.extui %lt3A_1063 : i1 to i32
      %cond3A_1065 = arith.constant 0 : i32
      %cond3A_1066 = arith.cmpi ne, %convert_element_type3A_1064, %cond3A_1065 : i32
      scf.if %cond3A_1066 {
        %dma_start3A_1388 = arith.constant 0 : i32
        %dma_start3A_1389 = tpu.memref_slice %arg4[%dma_start3A_1388, %multiple_of3A_1054] : memref<64x1000000xf32, #tpu.memory_space<hbm>> -> memref<64x128xf32, #tpu.memory_space<hbm>>
        %dma_start3A_1390 = arith.constant 0 : i32
        %dma_start3A_1391 = tpu.memref_slice %arg4[%dma_start3A_1390, %multiple_of3A_1054] : memref<64x1000000xf32, #tpu.memory_space<hbm>> -> memref<64x128xf32, #tpu.memory_space<hbm>>
        tpu.enqueue_dma source(%dma_start3A_1391 : memref<64x128xf32, #tpu.memory_space<hbm>>) target(%arg12 : memref<64x128xf32, #tpu.memory_space<vmem>>) target_semaphore(%arg24 : memref<!tpu.dma_semaphore, #tpu.memory_space<semaphore_mem>>)
        %dma_start3A_1392 = arith.constant 0 : i32
        %dma_start3A_1393 = tpu.memref_slice %arg5[%dma_start3A_1392, %multiple_of3A_1061] : memref<64x1000000xf32, #tpu.memory_space<hbm>> -> memref<64x128xf32, #tpu.memory_space<hbm>>
        %dma_start3A_1394 = arith.constant 0 : i32
        %dma_start3A_1395 = tpu.memref_slice %arg5[%dma_start3A_1394, %multiple_of3A_1061] : memref<64x1000000xf32, #tpu.memory_space<hbm>> -> memref<64x128xf32, #tpu.memory_space<hbm>>
        tpu.enqueue_dma source(%dma_start3A_1395 : memref<64x128xf32, #tpu.memory_space<hbm>>) target(%arg16 : memref<64x128xf32, #tpu.memory_space<vmem>>) target_semaphore(%arg25 : memref<!tpu.dma_semaphore, #tpu.memory_space<semaphore_mem>>)
      } else {
      }
      %dma_wait3A_1067 = arith.constant 0 : i32
      %dma_wait3A_1068 = arith.constant 0 : i32
      %dma_wait3A_1069 = tpu.memref_slice %arg4[%dma_wait3A_1067, %dma_wait3A_1068] : memref<64x1000000xf32, #tpu.memory_space<hbm>> -> memref<64x128xf32, #tpu.memory_space<hbm>>
      %dma_wait3A_1070 = arith.constant 0 : i32
      %dma_wait3A_1071 = arith.constant 0 : i32
      %dma_wait3A_1072 = tpu.memref_slice %arg4[%dma_wait3A_1070, %dma_wait3A_1071] : memref<64x1000000xf32, #tpu.memory_space<hbm>> -> memref<64x128xf32, #tpu.memory_space<hbm>>
      tpu.wait_dma2 semaphore(%arg18 : memref<!tpu.dma_semaphore, #tpu.memory_space<semaphore_mem>>) src(%dma_wait3A_1072 : memref<64x128xf32, #tpu.memory_space<hbm>>) dst(%arg9 : memref<64x128xf32, #tpu.memory_space<vmem>>)
      %dma_wait3A_1073 = arith.constant 0 : i32
      %dma_wait3A_1074 = arith.constant 0 : i32
      %dma_wait3A_1075 = tpu.memref_slice %arg5[%dma_wait3A_1073, %dma_wait3A_1074] : memref<64x1000000xf32, #tpu.memory_space<hbm>> -> memref<64x128xf32, #tpu.memory_space<hbm>>
      %dma_wait3A_1076 = arith.constant 0 : i32
      %dma_wait3A_1077 = arith.constant 0 : i32
      %dma_wait3A_1078 = tpu.memref_slice %arg5[%dma_wait3A_1076, %dma_wait3A_1077] : memref<64x1000000xf32, #tpu.memory_space<hbm>> -> memref<64x128xf32, #tpu.memory_space<hbm>>
      tpu.wait_dma2 semaphore(%arg19 : memref<!tpu.dma_semaphore, #tpu.memory_space<semaphore_mem>>) src(%dma_wait3A_1078 : memref<64x128xf32, #tpu.memory_space<hbm>>) dst(%arg13 : memref<64x128xf32, #tpu.memory_space<vmem>>)
      %slice3A_1079 = vector.extract_strided_slice %and3A_110 {offsets = [12], sizes = [1], strides = [1]} : vector<16xi32> to vector<1xi32>
      %squeeze3A_1080 = vector.extract %slice3A_1079[0] : i32 from vector<1xi32>
      %slice3A_1081 = vector.extract_strided_slice %and3A_113 {offsets = [12], sizes = [1], strides = [1]} : vector<16xi32> to vector<1xi32>
      %squeeze3A_1082 = vector.extract %slice3A_1081[0] : i32 from vector<1xi32>
      %broadcast_in_dim3A_1083 = vector.broadcast %squeeze3A_1080 : i32 to vector<16xi32>
      %broadcast_in_dim3A_1084 = vector.broadcast %squeeze3A_1082 : i32 to vector<16xi32>
      %broadcast_in_dim3A_1085 = arith.constant 0.000000e+00 : f32
      %broadcast_in_dim3A_1086 = vector.broadcast %broadcast_in_dim3A_1085 : f32 to vector<16xf32>
      %add3A_1087 = arith.constant 0 : i32
      %add3A_1088 = vector.broadcast %add3A_1087 : i32 to vector<16xi32>
      %add3A_1089 = arith.addi %add3A_1088, %iota3A : vector<16xi32>
      %gather3A_1090 = tpu.vector_load_idx %arg9[%add3A_1089, %broadcast_in_dim3A_1083] : memref<64x128xf32, #tpu.memory_space<vmem>>[vector<16xi32>, vector<16xi32>], vector<16xf32>,
      %gather3A_1091 = tpu.vector_load_idx %arg13[%add3A_1089, %broadcast_in_dim3A_1084] : memref<64x128xf32, #tpu.memory_space<vmem>>[vector<16xi32>, vector<16xi32>], vector<16xf32>,
      %mul3A_1092 = arith.mulf %gather3A_1090, %gather3A_1091 : vector<16xf32>
      %add3A_1093 = arith.addf %broadcast_in_dim3A_1086, %mul3A_1092 : vector<16xf32>
      %add3A_1094 = arith.constant 16 : i32
      %add3A_1095 = vector.broadcast %add3A_1094 : i32 to vector<16xi32>
      %add3A_1096 = arith.addi %add3A_1095, %iota3A : vector<16xi32>
      %gather3A_1097 = tpu.vector_load_idx %arg9[%add3A_1096, %broadcast_in_dim3A_1083] : memref<64x128xf32, #tpu.memory_space<vmem>>[vector<16xi32>, vector<16xi32>], vector<16xf32>,
      %gather3A_1098 = tpu.vector_load_idx %arg13[%add3A_1096, %broadcast_in_dim3A_1084] : memref<64x128xf32, #tpu.memory_space<vmem>>[vector<16xi32>, vector<16xi32>], vector<16xf32>,
      %mul3A_1099 = arith.mulf %gather3A_1097, %gather3A_1098 : vector<16xf32>
      %add3A_1100 = arith.addf %add3A_1093, %mul3A_1099 : vector<16xf32>
      %add3A_1101 = arith.constant 32 : i32
      %add3A_1102 = vector.broadcast %add3A_1101 : i32 to vector<16xi32>
      %add3A_1103 = arith.addi %add3A_1102, %iota3A : vector<16xi32>
      %gather3A_1104 = tpu.vector_load_idx %arg9[%add3A_1103, %broadcast_in_dim3A_1083] : memref<64x128xf32, #tpu.memory_space<vmem>>[vector<16xi32>, vector<16xi32>], vector<16xf32>,
      %gather3A_1105 = tpu.vector_load_idx %arg13[%add3A_1103, %broadcast_in_dim3A_1084] : memref<64x128xf32, #tpu.memory_space<vmem>>[vector<16xi32>, vector<16xi32>], vector<16xf32>,
      %mul3A_1106 = arith.mulf %gather3A_1104, %gather3A_1105 : vector<16xf32>
      %add3A_1107 = arith.addf %add3A_1100, %mul3A_1106 : vector<16xf32>
      %add3A_1108 = arith.constant 48 : i32
      %add3A_1109 = vector.broadcast %add3A_1108 : i32 to vector<16xi32>
      %add3A_1110 = arith.addi %add3A_1109, %iota3A : vector<16xi32>
      %gather3A_1111 = tpu.vector_load_idx %arg9[%add3A_1110, %broadcast_in_dim3A_1083] : memref<64x128xf32, #tpu.memory_space<vmem>>[vector<16xi32>, vector<16xi32>], vector<16xf32>,
      %gather3A_1112 = tpu.vector_load_idx %arg13[%add3A_1110, %broadcast_in_dim3A_1084] : memref<64x128xf32, #tpu.memory_space<vmem>>[vector<16xi32>, vector<16xi32>], vector<16xf32>,
      %mul3A_1113 = arith.mulf %gather3A_1111, %gather3A_1112 : vector<16xf32>
      %add3A_1114 = arith.addf %add3A_1107, %mul3A_1113 : vector<16xf32>
      %eq3A_1115 = arith.constant 12 : i32
      %eq3A_1116 = vector.broadcast %eq3A_1115 : i32 to vector<16xi32>
      %eq3A_1117 = arith.cmpi eq, %iota3A, %eq3A_1116 : vector<16xi32>
      %reduce_sum3A_1118 = arith.constant true
      %reduce_sum3A_1119 = vector.broadcast %reduce_sum3A_1118 : i1 to vector<16xi1>
      %reduce_sum3A_1120 = tpu.scan <sum>, %add3A_1114 masked %reduce_sum3A_1119 : vector<16xf32>, vector<16xi1> -> vector<16xf32>
      %reduce_sum3A_1121 = vector.extract %reduce_sum3A_1120[15] : f32 from vector<16xf32>
      %broadcast_in_dim3A_1122 = vector.broadcast %reduce_sum3A_1121 : f32 to vector<16xf32>
      %select_n3A_1123 = arith.select %eq3A_1117, %broadcast_in_dim3A_1122, %select_n3A_1043 : vector<16xi1>, vector<16xf32>
      %add3A_1124 = arith.constant 12 : i32
      %add3A_1125 = arith.addi %mul3A_96, %add3A_1124 : i32
      %add3A_1126 = arith.constant 4 : i32
      %add3A_1127 = arith.addi %add3A_1125, %add3A_1126 : i32
      %slice3A_1128 = vector.extract_strided_slice %get3A_104 {offsets = [0], sizes = [1], strides = [1]} : vector<16xi32> to vector<1xi32>
      %squeeze3A_1129 = vector.extract %slice3A_1128[0] : i32 from vector<1xi32>
      %shift_right_arithmetic3A_1130 = arith.constant 7 : i32
      %shift_right_arithmetic3A_1131 = arith.shrsi %squeeze3A_1129, %shift_right_arithmetic3A_1130 : i32
      %mul3A_1132 = arith.constant 128 : i32
      %mul3A_1133 = arith.muli %shift_right_arithmetic3A_1131, %mul3A_1132 : i32
      %multiple_of3A_1134 = tpu.assume_multiple %mul3A_1133, 128 : i32
      %slice3A_1135 = vector.extract_strided_slice %get3A_108 {offsets = [0], sizes = [1], strides = [1]} : vector<16xi32> to vector<1xi32>
      %squeeze3A_1136 = vector.extract %slice3A_1135[0] : i32 from vector<1xi32>
      %shift_right_arithmetic3A_1137 = arith.constant 7 : i32
      %shift_right_arithmetic3A_1138 = arith.shrsi %squeeze3A_1136, %shift_right_arithmetic3A_1137 : i32
      %mul3A_1139 = arith.constant 128 : i32
      %mul3A_1140 = arith.muli %shift_right_arithmetic3A_1138, %mul3A_1139 : i32
      %multiple_of3A_1141 = tpu.assume_multiple %mul3A_1140, 128 : i32
      %lt3A_1142 = arith.constant 512 : i32
      %lt3A_1143 = arith.cmpi slt, %add3A_1127, %lt3A_1142 : i32
      %convert_element_type3A_1144 = arith.extui %lt3A_1143 : i1 to i32
      %cond3A_1145 = arith.constant 0 : i32
      %cond3A_1146 = arith.cmpi ne, %convert_element_type3A_1144, %cond3A_1145 : i32
      scf.if %cond3A_1146 {
        %dma_start3A_1388 = arith.constant 0 : i32
        %dma_start3A_1389 = tpu.memref_slice %arg4[%dma_start3A_1388, %multiple_of3A_1134] : memref<64x1000000xf32, #tpu.memory_space<hbm>> -> memref<64x128xf32, #tpu.memory_space<hbm>>
        %dma_start3A_1390 = arith.constant 0 : i32
        %dma_start3A_1391 = tpu.memref_slice %arg4[%dma_start3A_1390, %multiple_of3A_1134] : memref<64x1000000xf32, #tpu.memory_space<hbm>> -> memref<64x128xf32, #tpu.memory_space<hbm>>
        tpu.enqueue_dma source(%dma_start3A_1391 : memref<64x128xf32, #tpu.memory_space<hbm>>) target(%arg9 : memref<64x128xf32, #tpu.memory_space<vmem>>) target_semaphore(%arg18 : memref<!tpu.dma_semaphore, #tpu.memory_space<semaphore_mem>>)
        %dma_start3A_1392 = arith.constant 0 : i32
        %dma_start3A_1393 = tpu.memref_slice %arg5[%dma_start3A_1392, %multiple_of3A_1141] : memref<64x1000000xf32, #tpu.memory_space<hbm>> -> memref<64x128xf32, #tpu.memory_space<hbm>>
        %dma_start3A_1394 = arith.constant 0 : i32
        %dma_start3A_1395 = tpu.memref_slice %arg5[%dma_start3A_1394, %multiple_of3A_1141] : memref<64x1000000xf32, #tpu.memory_space<hbm>> -> memref<64x128xf32, #tpu.memory_space<hbm>>
        tpu.enqueue_dma source(%dma_start3A_1395 : memref<64x128xf32, #tpu.memory_space<hbm>>) target(%arg13 : memref<64x128xf32, #tpu.memory_space<vmem>>) target_semaphore(%arg19 : memref<!tpu.dma_semaphore, #tpu.memory_space<semaphore_mem>>)
      } else {
      }
      %dma_wait3A_1147 = arith.constant 0 : i32
      %dma_wait3A_1148 = arith.constant 0 : i32
      %dma_wait3A_1149 = tpu.memref_slice %arg4[%dma_wait3A_1147, %dma_wait3A_1148] : memref<64x1000000xf32, #tpu.memory_space<hbm>> -> memref<64x128xf32, #tpu.memory_space<hbm>>
      %dma_wait3A_1150 = arith.constant 0 : i32
      %dma_wait3A_1151 = arith.constant 0 : i32
      %dma_wait3A_1152 = tpu.memref_slice %arg4[%dma_wait3A_1150, %dma_wait3A_1151] : memref<64x1000000xf32, #tpu.memory_space<hbm>> -> memref<64x128xf32, #tpu.memory_space<hbm>>
      tpu.wait_dma2 semaphore(%arg20 : memref<!tpu.dma_semaphore, #tpu.memory_space<semaphore_mem>>) src(%dma_wait3A_1152 : memref<64x128xf32, #tpu.memory_space<hbm>>) dst(%arg10 : memref<64x128xf32, #tpu.memory_space<vmem>>)
      %dma_wait3A_1153 = arith.constant 0 : i32
      %dma_wait3A_1154 = arith.constant 0 : i32
      %dma_wait3A_1155 = tpu.memref_slice %arg5[%dma_wait3A_1153, %dma_wait3A_1154] : memref<64x1000000xf32, #tpu.memory_space<hbm>> -> memref<64x128xf32, #tpu.memory_space<hbm>>
      %dma_wait3A_1156 = arith.constant 0 : i32
      %dma_wait3A_1157 = arith.constant 0 : i32
      %dma_wait3A_1158 = tpu.memref_slice %arg5[%dma_wait3A_1156, %dma_wait3A_1157] : memref<64x1000000xf32, #tpu.memory_space<hbm>> -> memref<64x128xf32, #tpu.memory_space<hbm>>
      tpu.wait_dma2 semaphore(%arg21 : memref<!tpu.dma_semaphore, #tpu.memory_space<semaphore_mem>>) src(%dma_wait3A_1158 : memref<64x128xf32, #tpu.memory_space<hbm>>) dst(%arg14 : memref<64x128xf32, #tpu.memory_space<vmem>>)
      %slice3A_1159 = vector.extract_strided_slice %and3A_110 {offsets = [13], sizes = [1], strides = [1]} : vector<16xi32> to vector<1xi32>
      %squeeze3A_1160 = vector.extract %slice3A_1159[0] : i32 from vector<1xi32>
      %slice3A_1161 = vector.extract_strided_slice %and3A_113 {offsets = [13], sizes = [1], strides = [1]} : vector<16xi32> to vector<1xi32>
      %squeeze3A_1162 = vector.extract %slice3A_1161[0] : i32 from vector<1xi32>
      %broadcast_in_dim3A_1163 = vector.broadcast %squeeze3A_1160 : i32 to vector<16xi32>
      %broadcast_in_dim3A_1164 = vector.broadcast %squeeze3A_1162 : i32 to vector<16xi32>
      %broadcast_in_dim3A_1165 = arith.constant 0.000000e+00 : f32
      %broadcast_in_dim3A_1166 = vector.broadcast %broadcast_in_dim3A_1165 : f32 to vector<16xf32>
      %add3A_1167 = arith.constant 0 : i32
      %add3A_1168 = vector.broadcast %add3A_1167 : i32 to vector<16xi32>
      %add3A_1169 = arith.addi %add3A_1168, %iota3A : vector<16xi32>
      %gather3A_1170 = tpu.vector_load_idx %arg10[%add3A_1169, %broadcast_in_dim3A_1163] : memref<64x128xf32, #tpu.memory_space<vmem>>[vector<16xi32>, vector<16xi32>], vector<16xf32>,
      %gather3A_1171 = tpu.vector_load_idx %arg14[%add3A_1169, %broadcast_in_dim3A_1164] : memref<64x128xf32, #tpu.memory_space<vmem>>[vector<16xi32>, vector<16xi32>], vector<16xf32>,
      %mul3A_1172 = arith.mulf %gather3A_1170, %gather3A_1171 : vector<16xf32>
      %add3A_1173 = arith.addf %broadcast_in_dim3A_1166, %mul3A_1172 : vector<16xf32>
      %add3A_1174 = arith.constant 16 : i32
      %add3A_1175 = vector.broadcast %add3A_1174 : i32 to vector<16xi32>
      %add3A_1176 = arith.addi %add3A_1175, %iota3A : vector<16xi32>
      %gather3A_1177 = tpu.vector_load_idx %arg10[%add3A_1176, %broadcast_in_dim3A_1163] : memref<64x128xf32, #tpu.memory_space<vmem>>[vector<16xi32>, vector<16xi32>], vector<16xf32>,
      %gather3A_1178 = tpu.vector_load_idx %arg14[%add3A_1176, %broadcast_in_dim3A_1164] : memref<64x128xf32, #tpu.memory_space<vmem>>[vector<16xi32>, vector<16xi32>], vector<16xf32>,
      %mul3A_1179 = arith.mulf %gather3A_1177, %gather3A_1178 : vector<16xf32>
      %add3A_1180 = arith.addf %add3A_1173, %mul3A_1179 : vector<16xf32>
      %add3A_1181 = arith.constant 32 : i32
      %add3A_1182 = vector.broadcast %add3A_1181 : i32 to vector<16xi32>
      %add3A_1183 = arith.addi %add3A_1182, %iota3A : vector<16xi32>
      %gather3A_1184 = tpu.vector_load_idx %arg10[%add3A_1183, %broadcast_in_dim3A_1163] : memref<64x128xf32, #tpu.memory_space<vmem>>[vector<16xi32>, vector<16xi32>], vector<16xf32>,
      %gather3A_1185 = tpu.vector_load_idx %arg14[%add3A_1183, %broadcast_in_dim3A_1164] : memref<64x128xf32, #tpu.memory_space<vmem>>[vector<16xi32>, vector<16xi32>], vector<16xf32>,
      %mul3A_1186 = arith.mulf %gather3A_1184, %gather3A_1185 : vector<16xf32>
      %add3A_1187 = arith.addf %add3A_1180, %mul3A_1186 : vector<16xf32>
      %add3A_1188 = arith.constant 48 : i32
      %add3A_1189 = vector.broadcast %add3A_1188 : i32 to vector<16xi32>
      %add3A_1190 = arith.addi %add3A_1189, %iota3A : vector<16xi32>
      %gather3A_1191 = tpu.vector_load_idx %arg10[%add3A_1190, %broadcast_in_dim3A_1163] : memref<64x128xf32, #tpu.memory_space<vmem>>[vector<16xi32>, vector<16xi32>], vector<16xf32>,
      %gather3A_1192 = tpu.vector_load_idx %arg14[%add3A_1190, %broadcast_in_dim3A_1164] : memref<64x128xf32, #tpu.memory_space<vmem>>[vector<16xi32>, vector<16xi32>], vector<16xf32>,
      %mul3A_1193 = arith.mulf %gather3A_1191, %gather3A_1192 : vector<16xf32>
      %add3A_1194 = arith.addf %add3A_1187, %mul3A_1193 : vector<16xf32>
      %eq3A_1195 = arith.constant 13 : i32
      %eq3A_1196 = vector.broadcast %eq3A_1195 : i32 to vector<16xi32>
      %eq3A_1197 = arith.cmpi eq, %iota3A, %eq3A_1196 : vector<16xi32>
      %reduce_sum3A_1198 = arith.constant true
      %reduce_sum3A_1199 = vector.broadcast %reduce_sum3A_1198 : i1 to vector<16xi1>
      %reduce_sum3A_1200 = tpu.scan <sum>, %add3A_1194 masked %reduce_sum3A_1199 : vector<16xf32>, vector<16xi1> -> vector<16xf32>
      %reduce_sum3A_1201 = vector.extract %reduce_sum3A_1200[15] : f32 from vector<16xf32>
      %broadcast_in_dim3A_1202 = vector.broadcast %reduce_sum3A_1201 : f32 to vector<16xf32>
      %select_n3A_1203 = arith.select %eq3A_1197, %broadcast_in_dim3A_1202, %select_n3A_1123 : vector<16xi1>, vector<16xf32>
      %add3A_1204 = arith.constant 13 : i32
      %add3A_1205 = arith.addi %mul3A_96, %add3A_1204 : i32
      %add3A_1206 = arith.constant 4 : i32
      %add3A_1207 = arith.addi %add3A_1205, %add3A_1206 : i32
      %slice3A_1208 = vector.extract_strided_slice %get3A_104 {offsets = [1], sizes = [1], strides = [1]} : vector<16xi32> to vector<1xi32>
      %squeeze3A_1209 = vector.extract %slice3A_1208[0] : i32 from vector<1xi32>
      %shift_right_arithmetic3A_1210 = arith.constant 7 : i32
      %shift_right_arithmetic3A_1211 = arith.shrsi %squeeze3A_1209, %shift_right_arithmetic3A_1210 : i32
      %mul3A_1212 = arith.constant 128 : i32
      %mul3A_1213 = arith.muli %shift_right_arithmetic3A_1211, %mul3A_1212 : i32
      %multiple_of3A_1214 = tpu.assume_multiple %mul3A_1213, 128 : i32
      %slice3A_1215 = vector.extract_strided_slice %get3A_108 {offsets = [1], sizes = [1], strides = [1]} : vector<16xi32> to vector<1xi32>
      %squeeze3A_1216 = vector.extract %slice3A_1215[0] : i32 from vector<1xi32>
      %shift_right_arithmetic3A_1217 = arith.constant 7 : i32
      %shift_right_arithmetic3A_1218 = arith.shrsi %squeeze3A_1216, %shift_right_arithmetic3A_1217 : i32
      %mul3A_1219 = arith.constant 128 : i32
      %mul3A_1220 = arith.muli %shift_right_arithmetic3A_1218, %mul3A_1219 : i32
      %multiple_of3A_1221 = tpu.assume_multiple %mul3A_1220, 128 : i32
      %lt3A_1222 = arith.constant 512 : i32
      %lt3A_1223 = arith.cmpi slt, %add3A_1207, %lt3A_1222 : i32
      %convert_element_type3A_1224 = arith.extui %lt3A_1223 : i1 to i32
      %cond3A_1225 = arith.constant 0 : i32
      %cond3A_1226 = arith.cmpi ne, %convert_element_type3A_1224, %cond3A_1225 : i32
      scf.if %cond3A_1226 {
        %dma_start3A_1388 = arith.constant 0 : i32
        %dma_start3A_1389 = tpu.memref_slice %arg4[%dma_start3A_1388, %multiple_of3A_1214] : memref<64x1000000xf32, #tpu.memory_space<hbm>> -> memref<64x128xf32, #tpu.memory_space<hbm>>
        %dma_start3A_1390 = arith.constant 0 : i32
        %dma_start3A_1391 = tpu.memref_slice %arg4[%dma_start3A_1390, %multiple_of3A_1214] : memref<64x1000000xf32, #tpu.memory_space<hbm>> -> memref<64x128xf32, #tpu.memory_space<hbm>>
        tpu.enqueue_dma source(%dma_start3A_1391 : memref<64x128xf32, #tpu.memory_space<hbm>>) target(%arg10 : memref<64x128xf32, #tpu.memory_space<vmem>>) target_semaphore(%arg20 : memref<!tpu.dma_semaphore, #tpu.memory_space<semaphore_mem>>)
        %dma_start3A_1392 = arith.constant 0 : i32
        %dma_start3A_1393 = tpu.memref_slice %arg5[%dma_start3A_1392, %multiple_of3A_1221] : memref<64x1000000xf32, #tpu.memory_space<hbm>> -> memref<64x128xf32, #tpu.memory_space<hbm>>
        %dma_start3A_1394 = arith.constant 0 : i32
        %dma_start3A_1395 = tpu.memref_slice %arg5[%dma_start3A_1394, %multiple_of3A_1221] : memref<64x1000000xf32, #tpu.memory_space<hbm>> -> memref<64x128xf32, #tpu.memory_space<hbm>>
        tpu.enqueue_dma source(%dma_start3A_1395 : memref<64x128xf32, #tpu.memory_space<hbm>>) target(%arg14 : memref<64x128xf32, #tpu.memory_space<vmem>>) target_semaphore(%arg21 : memref<!tpu.dma_semaphore, #tpu.memory_space<semaphore_mem>>)
      } else {
      }
      %dma_wait3A_1227 = arith.constant 0 : i32
      %dma_wait3A_1228 = arith.constant 0 : i32
      %dma_wait3A_1229 = tpu.memref_slice %arg4[%dma_wait3A_1227, %dma_wait3A_1228] : memref<64x1000000xf32, #tpu.memory_space<hbm>> -> memref<64x128xf32, #tpu.memory_space<hbm>>
      %dma_wait3A_1230 = arith.constant 0 : i32
      %dma_wait3A_1231 = arith.constant 0 : i32
      %dma_wait3A_1232 = tpu.memref_slice %arg4[%dma_wait3A_1230, %dma_wait3A_1231] : memref<64x1000000xf32, #tpu.memory_space<hbm>> -> memref<64x128xf32, #tpu.memory_space<hbm>>
      tpu.wait_dma2 semaphore(%arg22 : memref<!tpu.dma_semaphore, #tpu.memory_space<semaphore_mem>>) src(%dma_wait3A_1232 : memref<64x128xf32, #tpu.memory_space<hbm>>) dst(%arg11 : memref<64x128xf32, #tpu.memory_space<vmem>>)
      %dma_wait3A_1233 = arith.constant 0 : i32
      %dma_wait3A_1234 = arith.constant 0 : i32
      %dma_wait3A_1235 = tpu.memref_slice %arg5[%dma_wait3A_1233, %dma_wait3A_1234] : memref<64x1000000xf32, #tpu.memory_space<hbm>> -> memref<64x128xf32, #tpu.memory_space<hbm>>
      %dma_wait3A_1236 = arith.constant 0 : i32
      %dma_wait3A_1237 = arith.constant 0 : i32
      %dma_wait3A_1238 = tpu.memref_slice %arg5[%dma_wait3A_1236, %dma_wait3A_1237] : memref<64x1000000xf32, #tpu.memory_space<hbm>> -> memref<64x128xf32, #tpu.memory_space<hbm>>
      tpu.wait_dma2 semaphore(%arg23 : memref<!tpu.dma_semaphore, #tpu.memory_space<semaphore_mem>>) src(%dma_wait3A_1238 : memref<64x128xf32, #tpu.memory_space<hbm>>) dst(%arg15 : memref<64x128xf32, #tpu.memory_space<vmem>>)
      %slice3A_1239 = vector.extract_strided_slice %and3A_110 {offsets = [14], sizes = [1], strides = [1]} : vector<16xi32> to vector<1xi32>
      %squeeze3A_1240 = vector.extract %slice3A_1239[0] : i32 from vector<1xi32>
      %slice3A_1241 = vector.extract_strided_slice %and3A_113 {offsets = [14], sizes = [1], strides = [1]} : vector<16xi32> to vector<1xi32>
      %squeeze3A_1242 = vector.extract %slice3A_1241[0] : i32 from vector<1xi32>
      %broadcast_in_dim3A_1243 = vector.broadcast %squeeze3A_1240 : i32 to vector<16xi32>
      %broadcast_in_dim3A_1244 = vector.broadcast %squeeze3A_1242 : i32 to vector<16xi32>
      %broadcast_in_dim3A_1245 = arith.constant 0.000000e+00 : f32
      %broadcast_in_dim3A_1246 = vector.broadcast %broadcast_in_dim3A_1245 : f32 to vector<16xf32>
      %add3A_1247 = arith.constant 0 : i32
      %add3A_1248 = vector.broadcast %add3A_1247 : i32 to vector<16xi32>
      %add3A_1249 = arith.addi %add3A_1248, %iota3A : vector<16xi32>
      %gather3A_1250 = tpu.vector_load_idx %arg11[%add3A_1249, %broadcast_in_dim3A_1243] : memref<64x128xf32, #tpu.memory_space<vmem>>[vector<16xi32>, vector<16xi32>], vector<16xf32>,
      %gather3A_1251 = tpu.vector_load_idx %arg15[%add3A_1249, %broadcast_in_dim3A_1244] : memref<64x128xf32, #tpu.memory_space<vmem>>[vector<16xi32>, vector<16xi32>], vector<16xf32>,
      %mul3A_1252 = arith.mulf %gather3A_1250, %gather3A_1251 : vector<16xf32>
      %add3A_1253 = arith.addf %broadcast_in_dim3A_1246, %mul3A_1252 : vector<16xf32>
      %add3A_1254 = arith.constant 16 : i32
      %add3A_1255 = vector.broadcast %add3A_1254 : i32 to vector<16xi32>
      %add3A_1256 = arith.addi %add3A_1255, %iota3A : vector<16xi32>
      %gather3A_1257 = tpu.vector_load_idx %arg11[%add3A_1256, %broadcast_in_dim3A_1243] : memref<64x128xf32, #tpu.memory_space<vmem>>[vector<16xi32>, vector<16xi32>], vector<16xf32>,
      %gather3A_1258 = tpu.vector_load_idx %arg15[%add3A_1256, %broadcast_in_dim3A_1244] : memref<64x128xf32, #tpu.memory_space<vmem>>[vector<16xi32>, vector<16xi32>], vector<16xf32>,
      %mul3A_1259 = arith.mulf %gather3A_1257, %gather3A_1258 : vector<16xf32>
      %add3A_1260 = arith.addf %add3A_1253, %mul3A_1259 : vector<16xf32>
      %add3A_1261 = arith.constant 32 : i32
      %add3A_1262 = vector.broadcast %add3A_1261 : i32 to vector<16xi32>
      %add3A_1263 = arith.addi %add3A_1262, %iota3A : vector<16xi32>
      %gather3A_1264 = tpu.vector_load_idx %arg11[%add3A_1263, %broadcast_in_dim3A_1243] : memref<64x128xf32, #tpu.memory_space<vmem>>[vector<16xi32>, vector<16xi32>], vector<16xf32>,
      %gather3A_1265 = tpu.vector_load_idx %arg15[%add3A_1263, %broadcast_in_dim3A_1244] : memref<64x128xf32, #tpu.memory_space<vmem>>[vector<16xi32>, vector<16xi32>], vector<16xf32>,
      %mul3A_1266 = arith.mulf %gather3A_1264, %gather3A_1265 : vector<16xf32>
      %add3A_1267 = arith.addf %add3A_1260, %mul3A_1266 : vector<16xf32>
      %add3A_1268 = arith.constant 48 : i32
      %add3A_1269 = vector.broadcast %add3A_1268 : i32 to vector<16xi32>
      %add3A_1270 = arith.addi %add3A_1269, %iota3A : vector<16xi32>
      %gather3A_1271 = tpu.vector_load_idx %arg11[%add3A_1270, %broadcast_in_dim3A_1243] : memref<64x128xf32, #tpu.memory_space<vmem>>[vector<16xi32>, vector<16xi32>], vector<16xf32>,
      %gather3A_1272 = tpu.vector_load_idx %arg15[%add3A_1270, %broadcast_in_dim3A_1244] : memref<64x128xf32, #tpu.memory_space<vmem>>[vector<16xi32>, vector<16xi32>], vector<16xf32>,
      %mul3A_1273 = arith.mulf %gather3A_1271, %gather3A_1272 : vector<16xf32>
      %add3A_1274 = arith.addf %add3A_1267, %mul3A_1273 : vector<16xf32>
      %eq3A_1275 = arith.constant 14 : i32
      %eq3A_1276 = vector.broadcast %eq3A_1275 : i32 to vector<16xi32>
      %eq3A_1277 = arith.cmpi eq, %iota3A, %eq3A_1276 : vector<16xi32>
      %reduce_sum3A_1278 = arith.constant true
      %reduce_sum3A_1279 = vector.broadcast %reduce_sum3A_1278 : i1 to vector<16xi1>
      %reduce_sum3A_1280 = tpu.scan <sum>, %add3A_1274 masked %reduce_sum3A_1279 : vector<16xf32>, vector<16xi1> -> vector<16xf32>
      %reduce_sum3A_1281 = vector.extract %reduce_sum3A_1280[15] : f32 from vector<16xf32>
      %broadcast_in_dim3A_1282 = vector.broadcast %reduce_sum3A_1281 : f32 to vector<16xf32>
      %select_n3A_1283 = arith.select %eq3A_1277, %broadcast_in_dim3A_1282, %select_n3A_1203 : vector<16xi1>, vector<16xf32>
      %add3A_1284 = arith.constant 14 : i32
      %add3A_1285 = arith.addi %mul3A_96, %add3A_1284 : i32
      %add3A_1286 = arith.constant 4 : i32
      %add3A_1287 = arith.addi %add3A_1285, %add3A_1286 : i32
      %slice3A_1288 = vector.extract_strided_slice %get3A_104 {offsets = [2], sizes = [1], strides = [1]} : vector<16xi32> to vector<1xi32>
      %squeeze3A_1289 = vector.extract %slice3A_1288[0] : i32 from vector<1xi32>
      %shift_right_arithmetic3A_1290 = arith.constant 7 : i32
      %shift_right_arithmetic3A_1291 = arith.shrsi %squeeze3A_1289, %shift_right_arithmetic3A_1290 : i32
      %mul3A_1292 = arith.constant 128 : i32
      %mul3A_1293 = arith.muli %shift_right_arithmetic3A_1291, %mul3A_1292 : i32
      %multiple_of3A_1294 = tpu.assume_multiple %mul3A_1293, 128 : i32
      %slice3A_1295 = vector.extract_strided_slice %get3A_108 {offsets = [2], sizes = [1], strides = [1]} : vector<16xi32> to vector<1xi32>
      %squeeze3A_1296 = vector.extract %slice3A_1295[0] : i32 from vector<1xi32>
      %shift_right_arithmetic3A_1297 = arith.constant 7 : i32
      %shift_right_arithmetic3A_1298 = arith.shrsi %squeeze3A_1296, %shift_right_arithmetic3A_1297 : i32
      %mul3A_1299 = arith.constant 128 : i32
      %mul3A_1300 = arith.muli %shift_right_arithmetic3A_1298, %mul3A_1299 : i32
      %multiple_of3A_1301 = tpu.assume_multiple %mul3A_1300, 128 : i32
      %lt3A_1302 = arith.constant 512 : i32
      %lt3A_1303 = arith.cmpi slt, %add3A_1287, %lt3A_1302 : i32
      %convert_element_type3A_1304 = arith.extui %lt3A_1303 : i1 to i32
      %cond3A_1305 = arith.constant 0 : i32
      %cond3A_1306 = arith.cmpi ne, %convert_element_type3A_1304, %cond3A_1305 : i32
      scf.if %cond3A_1306 {
        %dma_start3A_1388 = arith.constant 0 : i32
        %dma_start3A_1389 = tpu.memref_slice %arg4[%dma_start3A_1388, %multiple_of3A_1294] : memref<64x1000000xf32, #tpu.memory_space<hbm>> -> memref<64x128xf32, #tpu.memory_space<hbm>>
        %dma_start3A_1390 = arith.constant 0 : i32
        %dma_start3A_1391 = tpu.memref_slice %arg4[%dma_start3A_1390, %multiple_of3A_1294] : memref<64x1000000xf32, #tpu.memory_space<hbm>> -> memref<64x128xf32, #tpu.memory_space<hbm>>
        tpu.enqueue_dma source(%dma_start3A_1391 : memref<64x128xf32, #tpu.memory_space<hbm>>) target(%arg11 : memref<64x128xf32, #tpu.memory_space<vmem>>) target_semaphore(%arg22 : memref<!tpu.dma_semaphore, #tpu.memory_space<semaphore_mem>>)
        %dma_start3A_1392 = arith.constant 0 : i32
        %dma_start3A_1393 = tpu.memref_slice %arg5[%dma_start3A_1392, %multiple_of3A_1301] : memref<64x1000000xf32, #tpu.memory_space<hbm>> -> memref<64x128xf32, #tpu.memory_space<hbm>>
        %dma_start3A_1394 = arith.constant 0 : i32
        %dma_start3A_1395 = tpu.memref_slice %arg5[%dma_start3A_1394, %multiple_of3A_1301] : memref<64x1000000xf32, #tpu.memory_space<hbm>> -> memref<64x128xf32, #tpu.memory_space<hbm>>
        tpu.enqueue_dma source(%dma_start3A_1395 : memref<64x128xf32, #tpu.memory_space<hbm>>) target(%arg15 : memref<64x128xf32, #tpu.memory_space<vmem>>) target_semaphore(%arg23 : memref<!tpu.dma_semaphore, #tpu.memory_space<semaphore_mem>>)
      } else {
      }
      %dma_wait3A_1307 = arith.constant 0 : i32
      %dma_wait3A_1308 = arith.constant 0 : i32
      %dma_wait3A_1309 = tpu.memref_slice %arg4[%dma_wait3A_1307, %dma_wait3A_1308] : memref<64x1000000xf32, #tpu.memory_space<hbm>> -> memref<64x128xf32, #tpu.memory_space<hbm>>
      %dma_wait3A_1310 = arith.constant 0 : i32
      %dma_wait3A_1311 = arith.constant 0 : i32
      %dma_wait3A_1312 = tpu.memref_slice %arg4[%dma_wait3A_1310, %dma_wait3A_1311] : memref<64x1000000xf32, #tpu.memory_space<hbm>> -> memref<64x128xf32, #tpu.memory_space<hbm>>
      tpu.wait_dma2 semaphore(%arg24 : memref<!tpu.dma_semaphore, #tpu.memory_space<semaphore_mem>>) src(%dma_wait3A_1312 : memref<64x128xf32, #tpu.memory_space<hbm>>) dst(%arg12 : memref<64x128xf32, #tpu.memory_space<vmem>>)
      %dma_wait3A_1313 = arith.constant 0 : i32
      %dma_wait3A_1314 = arith.constant 0 : i32
      %dma_wait3A_1315 = tpu.memref_slice %arg5[%dma_wait3A_1313, %dma_wait3A_1314] : memref<64x1000000xf32, #tpu.memory_space<hbm>> -> memref<64x128xf32, #tpu.memory_space<hbm>>
      %dma_wait3A_1316 = arith.constant 0 : i32
      %dma_wait3A_1317 = arith.constant 0 : i32
      %dma_wait3A_1318 = tpu.memref_slice %arg5[%dma_wait3A_1316, %dma_wait3A_1317] : memref<64x1000000xf32, #tpu.memory_space<hbm>> -> memref<64x128xf32, #tpu.memory_space<hbm>>
      tpu.wait_dma2 semaphore(%arg25 : memref<!tpu.dma_semaphore, #tpu.memory_space<semaphore_mem>>) src(%dma_wait3A_1318 : memref<64x128xf32, #tpu.memory_space<hbm>>) dst(%arg16 : memref<64x128xf32, #tpu.memory_space<vmem>>)
      %slice3A_1319 = vector.extract_strided_slice %and3A_110 {offsets = [15], sizes = [1], strides = [1]} : vector<16xi32> to vector<1xi32>
      %squeeze3A_1320 = vector.extract %slice3A_1319[0] : i32 from vector<1xi32>
      %slice3A_1321 = vector.extract_strided_slice %and3A_113 {offsets = [15], sizes = [1], strides = [1]} : vector<16xi32> to vector<1xi32>
      %squeeze3A_1322 = vector.extract %slice3A_1321[0] : i32 from vector<1xi32>
      %broadcast_in_dim3A_1323 = vector.broadcast %squeeze3A_1320 : i32 to vector<16xi32>
      %broadcast_in_dim3A_1324 = vector.broadcast %squeeze3A_1322 : i32 to vector<16xi32>
      %broadcast_in_dim3A_1325 = arith.constant 0.000000e+00 : f32
      %broadcast_in_dim3A_1326 = vector.broadcast %broadcast_in_dim3A_1325 : f32 to vector<16xf32>
      %add3A_1327 = arith.constant 0 : i32
      %add3A_1328 = vector.broadcast %add3A_1327 : i32 to vector<16xi32>
      %add3A_1329 = arith.addi %add3A_1328, %iota3A : vector<16xi32>
      %gather3A_1330 = tpu.vector_load_idx %arg12[%add3A_1329, %broadcast_in_dim3A_1323] : memref<64x128xf32, #tpu.memory_space<vmem>>[vector<16xi32>, vector<16xi32>], vector<16xf32>,
      %gather3A_1331 = tpu.vector_load_idx %arg16[%add3A_1329, %broadcast_in_dim3A_1324] : memref<64x128xf32, #tpu.memory_space<vmem>>[vector<16xi32>, vector<16xi32>], vector<16xf32>,
      %mul3A_1332 = arith.mulf %gather3A_1330, %gather3A_1331 : vector<16xf32>
      %add3A_1333 = arith.addf %broadcast_in_dim3A_1326, %mul3A_1332 : vector<16xf32>
      %add3A_1334 = arith.constant 16 : i32
      %add3A_1335 = vector.broadcast %add3A_1334 : i32 to vector<16xi32>
      %add3A_1336 = arith.addi %add3A_1335, %iota3A : vector<16xi32>
      %gather3A_1337 = tpu.vector_load_idx %arg12[%add3A_1336, %broadcast_in_dim3A_1323] : memref<64x128xf32, #tpu.memory_space<vmem>>[vector<16xi32>, vector<16xi32>], vector<16xf32>,
      %gather3A_1338 = tpu.vector_load_idx %arg16[%add3A_1336, %broadcast_in_dim3A_1324] : memref<64x128xf32, #tpu.memory_space<vmem>>[vector<16xi32>, vector<16xi32>], vector<16xf32>,
      %mul3A_1339 = arith.mulf %gather3A_1337, %gather3A_1338 : vector<16xf32>
      %add3A_1340 = arith.addf %add3A_1333, %mul3A_1339 : vector<16xf32>
      %add3A_1341 = arith.constant 32 : i32
      %add3A_1342 = vector.broadcast %add3A_1341 : i32 to vector<16xi32>
      %add3A_1343 = arith.addi %add3A_1342, %iota3A : vector<16xi32>
      %gather3A_1344 = tpu.vector_load_idx %arg12[%add3A_1343, %broadcast_in_dim3A_1323] : memref<64x128xf32, #tpu.memory_space<vmem>>[vector<16xi32>, vector<16xi32>], vector<16xf32>,
      %gather3A_1345 = tpu.vector_load_idx %arg16[%add3A_1343, %broadcast_in_dim3A_1324] : memref<64x128xf32, #tpu.memory_space<vmem>>[vector<16xi32>, vector<16xi32>], vector<16xf32>,
      %mul3A_1346 = arith.mulf %gather3A_1344, %gather3A_1345 : vector<16xf32>
      %add3A_1347 = arith.addf %add3A_1340, %mul3A_1346 : vector<16xf32>
      %add3A_1348 = arith.constant 48 : i32
      %add3A_1349 = vector.broadcast %add3A_1348 : i32 to vector<16xi32>
      %add3A_1350 = arith.addi %add3A_1349, %iota3A : vector<16xi32>
      %gather3A_1351 = tpu.vector_load_idx %arg12[%add3A_1350, %broadcast_in_dim3A_1323] : memref<64x128xf32, #tpu.memory_space<vmem>>[vector<16xi32>, vector<16xi32>], vector<16xf32>,
      %gather3A_1352 = tpu.vector_load_idx %arg16[%add3A_1350, %broadcast_in_dim3A_1324] : memref<64x128xf32, #tpu.memory_space<vmem>>[vector<16xi32>, vector<16xi32>], vector<16xf32>,
      %mul3A_1353 = arith.mulf %gather3A_1351, %gather3A_1352 : vector<16xf32>
      %add3A_1354 = arith.addf %add3A_1347, %mul3A_1353 : vector<16xf32>
      %eq3A_1355 = arith.constant 15 : i32
      %eq3A_1356 = vector.broadcast %eq3A_1355 : i32 to vector<16xi32>
      %eq3A_1357 = arith.cmpi eq, %iota3A, %eq3A_1356 : vector<16xi32>
      %reduce_sum3A_1358 = arith.constant true
      %reduce_sum3A_1359 = vector.broadcast %reduce_sum3A_1358 : i1 to vector<16xi1>
      %reduce_sum3A_1360 = tpu.scan <sum>, %add3A_1354 masked %reduce_sum3A_1359 : vector<16xf32>, vector<16xi1> -> vector<16xf32>
      %reduce_sum3A_1361 = vector.extract %reduce_sum3A_1360[15] : f32 from vector<16xf32>
      %broadcast_in_dim3A_1362 = vector.broadcast %reduce_sum3A_1361 : f32 to vector<16xf32>
      %select_n3A_1363 = arith.select %eq3A_1357, %broadcast_in_dim3A_1362, %select_n3A_1283 : vector<16xi1>, vector<16xf32>
      %add3A_1364 = arith.constant 15 : i32
      %add3A_1365 = arith.addi %mul3A_96, %add3A_1364 : i32
      %add3A_1366 = arith.constant 4 : i32
      %add3A_1367 = arith.addi %add3A_1365, %add3A_1366 : i32
      %slice3A_1368 = vector.extract_strided_slice %get3A_104 {offsets = [3], sizes = [1], strides = [1]} : vector<16xi32> to vector<1xi32>
      %squeeze3A_1369 = vector.extract %slice3A_1368[0] : i32 from vector<1xi32>
      %shift_right_arithmetic3A_1370 = arith.constant 7 : i32
      %shift_right_arithmetic3A_1371 = arith.shrsi %squeeze3A_1369, %shift_right_arithmetic3A_1370 : i32
      %mul3A_1372 = arith.constant 128 : i32
      %mul3A_1373 = arith.muli %shift_right_arithmetic3A_1371, %mul3A_1372 : i32
      %multiple_of3A_1374 = tpu.assume_multiple %mul3A_1373, 128 : i32
      %slice3A_1375 = vector.extract_strided_slice %get3A_108 {offsets = [3], sizes = [1], strides = [1]} : vector<16xi32> to vector<1xi32>
      %squeeze3A_1376 = vector.extract %slice3A_1375[0] : i32 from vector<1xi32>
      %shift_right_arithmetic3A_1377 = arith.constant 7 : i32
      %shift_right_arithmetic3A_1378 = arith.shrsi %squeeze3A_1376, %shift_right_arithmetic3A_1377 : i32
      %mul3A_1379 = arith.constant 128 : i32
      %mul3A_1380 = arith.muli %shift_right_arithmetic3A_1378, %mul3A_1379 : i32
      %multiple_of3A_1381 = tpu.assume_multiple %mul3A_1380, 128 : i32
      %lt3A_1382 = arith.constant 512 : i32
      %lt3A_1383 = arith.cmpi slt, %add3A_1367, %lt3A_1382 : i32
      %convert_element_type3A_1384 = arith.extui %lt3A_1383 : i1 to i32
      %cond3A_1385 = arith.constant 0 : i32
      %cond3A_1386 = arith.cmpi ne, %convert_element_type3A_1384, %cond3A_1385 : i32
      scf.if %cond3A_1386 {
        %dma_start3A_1388 = arith.constant 0 : i32
        %dma_start3A_1389 = tpu.memref_slice %arg4[%dma_start3A_1388, %multiple_of3A_1374] : memref<64x1000000xf32, #tpu.memory_space<hbm>> -> memref<64x128xf32, #tpu.memory_space<hbm>>
        %dma_start3A_1390 = arith.constant 0 : i32
        %dma_start3A_1391 = tpu.memref_slice %arg4[%dma_start3A_1390, %multiple_of3A_1374] : memref<64x1000000xf32, #tpu.memory_space<hbm>> -> memref<64x128xf32, #tpu.memory_space<hbm>>
        tpu.enqueue_dma source(%dma_start3A_1391 : memref<64x128xf32, #tpu.memory_space<hbm>>) target(%arg12 : memref<64x128xf32, #tpu.memory_space<vmem>>) target_semaphore(%arg24 : memref<!tpu.dma_semaphore, #tpu.memory_space<semaphore_mem>>)
        %dma_start3A_1392 = arith.constant 0 : i32
        %dma_start3A_1393 = tpu.memref_slice %arg5[%dma_start3A_1392, %multiple_of3A_1381] : memref<64x1000000xf32, #tpu.memory_space<hbm>> -> memref<64x128xf32, #tpu.memory_space<hbm>>
        %dma_start3A_1394 = arith.constant 0 : i32
        %dma_start3A_1395 = tpu.memref_slice %arg5[%dma_start3A_1394, %multiple_of3A_1381] : memref<64x1000000xf32, #tpu.memory_space<hbm>> -> memref<64x128xf32, #tpu.memory_space<hbm>>
        tpu.enqueue_dma source(%dma_start3A_1395 : memref<64x128xf32, #tpu.memory_space<hbm>>) target(%arg16 : memref<64x128xf32, #tpu.memory_space<vmem>>) target_semaphore(%arg25 : memref<!tpu.dma_semaphore, #tpu.memory_space<semaphore_mem>>)
      } else {
      }
      %swap3A = arith.index_cast %mul3A_96 : i32 to index
      %swap3A_1387 = tpu.vector_load %arg17[%swap3A] {strides = array<i32>} : memref<512xf32, #tpu.memory_space<vmem>>, vector<16xf32>,
      tpu.vector_store %arg17[%swap3A], %select_n3A_1363 {strides = array<i32>} : memref<512xf32, #tpu.memory_space<vmem>>, vector<16xf32>,
    }
    %scan3A_93 = arith.constant 32 : i32
    "tpu.region"() ({
      %run_scoped3A = tpu.sem_alloc : memref<!tpu.dma_semaphore, #tpu.memory_space<semaphore_mem>>
      %dma_start3A_94 = tpu.memref_slice %arg6[%mul3A_2] : memref<16384xf32, #tpu.memory_space<hbm>> -> memref<512xf32, #tpu.memory_space<hbm>>
      %dma_start3A_95 = tpu.memref_slice %arg6[%mul3A_2] : memref<16384xf32, #tpu.memory_space<hbm>> -> memref<512xf32, #tpu.memory_space<hbm>>
      tpu.enqueue_dma source(%arg17 : memref<512xf32, #tpu.memory_space<vmem>>) target(%dma_start3A_95 : memref<512xf32, #tpu.memory_space<hbm>>) target_semaphore(%run_scoped3A : memref<!tpu.dma_semaphore, #tpu.memory_space<semaphore_mem>>)
      %dma_wait3A = tpu.memref_slice %arg6[%mul3A_2] : memref<16384xf32, #tpu.memory_space<hbm>> -> memref<512xf32, #tpu.memory_space<hbm>>
      %dma_wait3A_96 = tpu.memref_slice %arg6[%mul3A_2] : memref<16384xf32, #tpu.memory_space<hbm>> -> memref<512xf32, #tpu.memory_space<hbm>>
      tpu.wait_dma2 semaphore(%run_scoped3A : memref<!tpu.dma_semaphore, #tpu.memory_space<semaphore_mem>>) src(%arg17 : memref<512xf32, #tpu.memory_space<vmem>>) dst(%dma_wait3A_96 : memref<512xf32, #tpu.memory_space<hbm>>)
      tpu.yield
    }) : () -> ()
    return
  }
}

</mosaic_0001>

<sc_bundles>
// kernel: _score.3.cloned.1.call-start
scs
__scs_entry_jumppad:
0x0: {  	(pc) =	sbr.rel $0x88, $3  }
0x1: {  	(tag) =	ssettag $0x0;
	lr =	simm.s32 $0x1  }
0x2: {  	[smem:$0x3F9D] =	sst lr;
	_ =	strace $0xD0000000  }
0x3: {  	_ = 	snop  }
0x4: {  	_ = 	snop  }
0x5: {  	_ = 	snop  }
0x6: {  	_ = 	snop  }
0x7: {  	_ = 	snop  }
__scs_overlays_trampoline_lowered:
0x8: {  	[smem:$0x3FAC] =	sst s0  }
0x9: {  	[smem:$0x3FAD] =	sst s1  }
0xa: {  	[smem:$0x3FAE] =	sst s2  }
0xb: {  	[smem:$0x3FAF] =	sst s3  }
0xc: {  	[smem:$0x3FB0] =	sst s4  }
0xd: {  	[smem:$0x3FB1] =	sst s5  }
0xe: {  	[smem:$0x3FB2] =	sst s6  }
0xf: {  	[smem:$0x3FB3] =	sst s7  }
0x10: {  	[smem:$0x3FB4] =	sst s8  }
0x11: {  	[smem:$0x3FB5] =	sst s9;
	s0 =	simm.s32 @!p0 $0x0  }
0x12: {  	s1 =	sld [smem:$0x3F9B];
	s0 =	simm.s32 @p0 $0x1  }
0x13: {  	[smem:$0x3FB6] =	sst s0;
	s0 =	simm.s32 @!p1 $0x0  }
0x14: {  	s2 =	sld [smem:$0x3F9A];
	s0 =	simm.s32 @p1 $0x1  }
0x15: {  	[smem:$0x3FB7] =	sst s0;
	s0 =	simm.s32 @!p2 $0x0  }
0x16: {  	s3 =	sld [smem:$0x3FDB];
	s0 =	simm.s32 @p2 $0x1  }
0x17: {  	s4 =	simm.s32 $0x1BF5;
	[smem:$0x3FB9] =	sst s0  }
0x18: {  	s0 =	sld [smem:$0x3F9C];
	_ =	swait.ge [sflag:s4], $0x0  }
0x19: {  	s7 =	sld [smem:$0x3F9D]  }
0x1a: {  	s8 =	sadd.s32 $0xFFFFE003, lr  }
0x1b: {  	s9 =	sadd.s32 $0xFFFFFEF7, lr;
	s5 =	simm.s32 $0xFFFFFFFF;
	p2 =	slt.u32 s8, $0xFFFFF086  }
0x1c: {  	p1 =	slt.u32 s9, $0xF7A;
	s5 =	simm.s32 @!p2 $0x0  }
0x1d: {  	s5 =	simm.s32 @p1 $0x1;
	p0 =	seq.s32 s7, s2  }
0x1e: {  	s7 =	smul.u32 @!p0 $0xF7A, s2;
	p2 =	seq.s32 @!p0 s5, $0x0  }
0x1f: {  	s9 =	smul.u32 $0xF7A, s1;
	s8 =	simm.s32 @!p0 $0x1BF5;
	p2 =	por !p2, p0  }
0x20: {  	[sflag:s8] =	ssyncset.s32 @!p0 $0xFFFFF086;
	s6 =	sadd.s32 @!p0 s3, s7;
	s7 =	simm.s32 @!p0 $0x108  }
0x21: {  	s3 =	sadd.s32 s3, s9;
	s6 =	sadd.s32 @!p0 $0x88, s6;
	s7 =	simm.s32 @p2 $0x1082  }
0x22: {  	[simem:s7], [sflag:s8] =	dma.local @!p0 [hbm:s6], $0xF7A  }
0x23: {  	s9 =	sor.u32 $0xD0000000, s2;
	s6 =	simm.s32 $0x108;
	_ =	swait.ge @!p0 [sflag:s8], $0x0  }
0x24: {  	s3 =	sadd.s32 $0x88, s3;
	s6 =	simm.s32 @!p1 $0x1082;
	[sflag:s4] =	ssyncset.s32 $0xFFFFF086  }
0x25: {  	[simem:s6], [sflag:s4] =	dma.local [hbm:s3], $0xF7A  }
0x26: {  	[smem:$0x3F9D] =	sst s1;
	(tag) =	ssettag s2;
	_ =	strace s9  }
0x27: {  	s1 =	sld [smem:$0x3FAD]  }
0x28: {  	s2 =	sld [smem:$0x3FAE]  }
0x29: {  	s4 =	sld [smem:$0x3FB0]  }
0x2a: {  	p0 =	seq.s32 s5, $0x0;
	s5 =	sld [smem:$0x3FB1]  }
0x2b: {  	s6 =	sld [smem:$0x3FB2]  }
0x2c: {  	s7 =	sld [smem:$0x3FB3]  }
0x2d: {  	s3 =	simm.s32 $0x108;
	s8 =	sld [smem:$0x3FB4]  }
0x2e: {  	s3 =	simm.s32 @!p0 $0x1082;
	s9 =	sld [smem:$0x3FB5]  }
0x2f: {  	lr =	sadd.s32 s0, s3;
	s0 =	sld [smem:$0x3FAC]  }
0x30: {  	s3 =	sld [smem:$0x3FAF]  }
0x31: {  	[smem:$0x3FB8] =	sst s10  }
0x32: {  	s10 =	sld [smem:$0x3FB6];
	_ =	sdelay $0x3  }
0x33: {  	p0 =	seq.s32 s10, $0x1;
	s10 =	sld [smem:$0x3FB8];
	_ =	sdelay $0x3  }
0x34: {  	[smem:$0x3FB8] =	sst s10  }
0x35: {  	s10 =	sld [smem:$0x3FB7];
	_ =	sdelay $0x3  }
0x36: {  	p1 =	seq.s32 s10, $0x1;
	s10 =	sld [smem:$0x3FB8];
	_ =	sdelay $0x3  }
0x37: {  	[smem:$0x3FB8] =	sst s10  }
0x38: {  	s10 =	sld [smem:$0x3FB9]  }
0x39: {  	_ = 	snop;
	(pc) =	sbr.ind lr, $3  }
0x3a: {  	_ = 	snop  }
0x3b: {  	_ = 	snop  }
0x3c: {  	p2 =	seq.s32 s10, $0x1;
	s10 =	sld [smem:$0x3FB8]  }
0x3d: {  	_ =	shalt  }
0x3e: {  	_ =	shalt  }
0x3f: {  	_ =	shalt  }
0x40: {  	_ =	shalt  }
0x41: {  	_ =	shalt  }
0x42: {  	_ =	shalt  }
0x43: {  	_ =	shalt  }
0x44: {  	_ =	shalt  }
0x45: {  	_ =	shalt  }
0x46: {  	_ =	shalt  }
0x47: {  	_ =	shalt  }
0x48: {  	_ =	shalt  }
0x49: {  	_ =	shalt  }
0x4a: {  	_ =	shalt  }
0x4b: {  	_ =	shalt  }
0x4c: {  	_ =	shalt  }
0x4d: {  	_ =	shalt  }
0x4e: {  	_ =	shalt  }
0x4f: {  	_ =	shalt  }
0x50: {  	_ =	shalt  }
0x51: {  	_ =	shalt  }
0x52: {  	_ =	shalt  }
0x53: {  	_ =	shalt  }
0x54: {  	_ =	shalt  }
0x55: {  	_ =	shalt  }
0x56: {  	_ =	shalt  }
0x57: {  	_ =	shalt  }
0x58: {  	_ =	shalt  }
0x59: {  	_ =	shalt  }
0x5a: {  	_ =	shalt  }
0x5b: {  	_ =	shalt  }
0x5c: {  	_ =	shalt  }
0x5d: {  	_ =	shalt  }
0x5e: {  	_ =	shalt  }
0x5f: {  	_ =	shalt  }
0x60: {  	_ =	shalt  }
0x61: {  	_ =	shalt  }
0x62: {  	_ =	shalt  }
0x63: {  	_ =	shalt  }
0x64: {  	_ =	shalt  }
0x65: {  	_ =	shalt  }
0x66: {  	_ =	shalt  }
0x67: {  	_ =	shalt  }
0x68: {  	_ =	shalt  }
0x69: {  	_ =	shalt  }
0x6a: {  	_ =	shalt  }
0x6b: {  	_ =	shalt  }
0x6c: {  	_ =	shalt  }
0x6d: {  	_ =	shalt  }
0x6e: {  	_ =	shalt  }
0x6f: {  	_ =	shalt  }
0x70: {  	_ =	shalt  }
0x71: {  	_ =	shalt  }
0x72: {  	_ =	shalt  }
0x73: {  	_ =	shalt  }
0x74: {  	_ =	shalt  }
0x75: {  	_ =	shalt  }
0x76: {  	_ =	shalt  }
0x77: {  	_ =	shalt  }
0x78: {  	_ =	shalt  }
0x79: {  	_ =	shalt  }
0x7a: {  	_ =	shalt  }
0x7b: {  	_ =	shalt  }
0x7c: {  	_ =	shalt  }
0x7d: {  	_ =	shalt  }
0x7e: {  	_ =	shalt  }
0x7f: {  	_ =	shalt  }
0x80: {  	_ =	shalt  }
0x81: {  	_ =	shalt  }
0x82: {  	_ =	shalt  }
0x83: {  	_ =	shalt  }
0x84: {  	_ =	shalt  }
0x85: {  	_ =	shalt  }
0x86: {  	_ =	shalt  }
0x87: {  	_ =	shalt  }
.Lfunc_end0:
.L_simem_size_0:
called_computation_lowered:
.L_overlay_start_0:
0x88: {  	s2 =	sld [smem:$0x3FD9]  }
0x89: {  	s3 =	sld [smem:$0x3FFE];
	_ =	sdelay $0x1  }
0x8a: {  	s1 =	srdreg.scid  }
0x8b: {  	s0 =	sand.u32 $0x1, s1  }
0x8c: {  	s18 =	sshll.u32 s0, $0xA;
	s2 =	sadd.s32 s3, s2  }
0x8d: {  	s2 =	sadd.s32 s2, s18  }
0x8e: {  	[smem:$0x3FC4] =	sst s2  }
0x8f: {  	_ = 	snop  }
0x90: {  	s2 =	sld [smem:$0x3FC9]  }
0x91: {  	s19 =	sld [smem:$0x3FC8]  }
0x92: {  	s4 =	sld [smem:$0x3FC7]  }
0x93: {  	s5 =	sld [smem:$0x3FC6]  }
0x94: {  	s6 =	sld [smem:$0x3FD0];
	(tm) =	ssettm $0x1  }
0x95: {  	s7 =	sld [smem:$0x3FFB];
	_ =	sdelay $0x3  }
0x96: {  	_ =	strace s7  }
0x97: {  	s7 =	sld [smem:$0x3FFC];
	_ =	sdelay $0x3  }
0x98: {  	_ =	strace s7  }
0x99: {  	s7 =	sld [smem:$0x3FFD];
	_ =	sdelay $0x3  }
0x9a: {  	_ =	strace s7  }
0x9b: {  	_ =	strace $0x8FFFFFFF  }
0x9c: {  	s20 =	sld [smem:$0x3FDB];
	_ =	sdelay $0x1  }
0x9d: {  	s8 =	simm.s32 $_scs_section_size  }
0x9e: {  	s9 =	simm.s32 $_size__tile_overlayer_lowered;
	s10 =	simm.s32 $_tile_overlayer_lowered  }
0x9f: {  	s23 =	simm.s32 $0x1BFF;
	s22 =	sshll.u32 s10, $0x1;
	s7 =	sadd.s32 s8, s20  }
0xa0: {  	s11 =	simm.s32 $0x0;
	s21 =	sshll.u32 s9, $0x1;
	s9 =	sadd.s32 s22, s7  }
0xa1: {  	[timem:s11], [sflag:s23] =	dma.local [hbm:s9], s21  }
0xa2: {  	_ =	swait.ge [sflag:s23], s21  }
0xa3: {  	s8 =	ssub.s32 $0x0, s21;
	[sflag:s23] =	ssyncset.done $0x0  }
0xa4: {  	[sflag:s23] =	ssyncadd.s32 s8;
	_ =	sdelay $0x1  }
0xa5: {  	s24 =	simm.s32 $0x1B8B  }
0xa6: {  	_ =	swait.ge [sflag:s24], $0x1  }
0xa7: {  	[sflag:s24] =	ssyncset.done $0x0  }
0xa8: {  	s25 =	simm.s32 $0x1B8E;
	[sflag:s24] =	ssyncadd.s32 $0xFFFFFFFF  }
0xa9: {  	s26 =	simm.s32 $execute0_lowered;
	[smem:$0x3FD2] =	sst s25  }
0xaa: {  	s8 =	sshll.u32 s26, $0x1;
	_ =	strace $0x80000046;
	[dreg:$0x1] =	wrdreg $0xFFFFFFFF  }
0xab: {  	s28 =	simm.s32 $_size_execute0_lowered;
	s7 =	sadd.s32 s7, s8;
	[dreg:$0x0] =	wrdreg $0x0  }
0xac: {  	s8 =	sshll.u32 s28, $0x1;
	[dreg:$0x2] =	wrdreg s7  }
0xad: {  	[dreg:$0x3] =	wrdreg s8  }
0xae: {  	[dreg:$0x4] =	wrdreg $0xC0  }
0xaf: {  	_ =	task [dreg:s11], $0x5FFFF  }
0xb0: {  	[dreg:$0x1] =	wrdreg $0xFFFFFFFF  }
0xb1: {  	[dreg:$0x0] =	wrdreg $0x60  }
0xb2: {  	[dreg:$0x2] =	wrdreg s2  }
0xb3: {  	[dreg:$0x3] =	wrdreg s19  }
0xb4: {  	[dreg:$0x4] =	wrdreg s4  }
0xb5: {  	[dreg:$0x5] =	wrdreg s5  }
0xb6: {  	[dreg:$0x6] =	wrdreg s6  }
0xb7: {  	[dreg:$0x7] =	wrdreg $0x9  }
0xb8: {  	_ =	task.clear_ibuf [dreg:s11], $0x8FFFF;
	_ =	strace $0x90000046  }
0xb9: {  	s29 =	simm.s32 $0x9;
	_ =	strace $0x80000048  }
0xba: {  	_ =	swait.ge [sflag:s29], $0x1  }
0xbb: {  	[sflag:s29] =	ssyncadd.s32 $0xFFFFFFFF  }
0xbc: {  	_ =	strace $0x90000048  }
0xbd: {  	_ =	sfence  }
0xbe: {  	s30 =	sld [smem:$0x0];
	_ =	sdelay $0x2  }
0xbf: {  	s31 =	sshll.u32 s1, $0xD;
	s1 =	sshrl.u32 s1, $0x2  }
0xc0: {  	s3 =	sand.u32 $0x4000, s31;
	s1 =	sadd.s32 s1, s30  }
0xc1: {  	s0 =	sor.u32 s3, s0;
	s1 =	sshll.u32 s1, $0x11  }
0xc2: {  	s0 =	sor.u32 s1, s0  }
0xc3: {  	s0 =	sadd.s32 $0x8F2B, s0  }
0xc4: {  	[sflag:s0] =	ssyncadd.remote.s32 $0x1  }
0xc5: {  	_ =	sfence.sel $0xFFFF  }
0xc6: {  	[dreg:$0x0] =	wrdreg $0xFFFFFFFF;
	(pc) =	sbr.abs _section_cstart, $3  }
0xc7: {  	[dreg:$0x1] =	wrdreg $0xFFFFFFFF  }
0xc8: {  	_ =	task.clear_ibuf [dreg:s11], $0x2FFFF;
	_ =	strace $0x9FFFFFFF  }
0xc9: {  	(tm) =	ssettm $0x7FFFFFFF  }
tec
execute0_lowered:
.L_overlay_start_1:
0x0: {  	(tag) =	ssettag $0x1  }
0x1: {  	s0 =	rddreg [dreg:$0x0]  }
0x2: {  	s3 =	rddreg [dreg:$0x1]  }
0x3: {  	s1 =	rddreg [dreg:$0x2]  }
0x4: {  	s2 =	rddreg [dreg:$0x3]  }
0x5: {  	s7 =	rddreg [dreg:$0x4];
	s4 =	simm.s32 $0x0  }
0x6: {  	s5 =	srdreg.scid;
	s8 =	stileid.u32;
	s11 =	simm.s32 $0x400  }
0x7: {  	s12 =	simm.s32 $0x7A1400;
	s13 =	simm.s32 $0x500;
	s14 =	simm.s32 $0x8500  }
0x8: {  	s15 =	simm.s32 $0x2500;
	s16 =	simm.s32 $0xA500;
	s17 =	simm.s32 $0x4500  }
0x9: {  	s18 =	simm.s32 $0xC500;
	s19 =	simm.s32 $0x6500;
	s20 =	simm.s32 $0xE500  }
0xa: {  	s21 =	simm.s32 $0x1;
	s22 =	simm.s32 $0x2;
	s23 =	simm.s32 $0x3  }
0xb: {  	s24 =	simm.s32 $0x4;
	s25 =	simm.s32 $0x5;
	s5 =	sand.u32 $0x1, s5  }
0xc: {  	v0 =	vlaneseq.u32;
	vm0 =	vmmov $0x1;
	s8 =	sshll.u32 s8, $0x7;
	s6 =	ssub.s32 $0x2, s5;
	s5 =	sshll.u32 s5, $0x6  }
0xd: {  	vm1 =	vmmov $0x3;
	vm2 =	vmmov $0x7;
	vm3 =	vmmov $0xf;
	s28 =	simm.s32 $0x7;
	s29 =	simm.s32 $0x8;
	s8 =	sor.u32 s5, s8  }
.Ltmp0:
0xe: {  	vm4 =	vmmov $0x1f;
	vm5 =	vmmov $0x3f;
	vm6 =	vmmov $0x7f;
	[smem:$0x7FF] =	sst s4;
	s0 =	sadd.s32 s0, s8;
	(pc) =	sbr.rel .LBB2_1-.Ltmp0, $4  }
0xf: {  	vm7 =	vmmov $0xff;
	vm8 =	vmmov $0x1ff;
	vm9 =	vmmov $0x3ff;
	_ =	strace $0x80000047;
	s26 =	sadd.s32 s3, s8;
	[dreg:$0x6] =	wrdreg s0  }
0x10: {  	vm10 =	vmmov $0x7ff;
	vm11 =	vmmov $0xfff;
	v0 =	vmul.u32 $0x80, v0;
	s9 =	sshrl.u32 s6, $0x1;
	s30 =	sadd.s32 s7, s8;
	[dreg:$0x7] =	wrdreg s26  }
0x11: {  	vm12 =	vcmask $0x3734;
	vm13 =	vcmask $0x3B38;
	vm14 =	vmmov $0x7fff;
	s31 =	simm.s32 $0x0;
	s9 =	ssub.s32 s6, s9;
	[dreg:$0x8] =	wrdreg s30  }
0x12: {  	v1 =	vor.u32 $0x800, v0;
	v2 =	vor.u32 $0x1000, v0;
	v3 =	vor.u32 $0x1800, v0;
	s8 =	smax.u32 s9, $0x1;
	s9 =	simm.s32 $0x9;
	s26 =	simm.s32 $0x6  }
.LBB2_4:
0x13: {  	s31 =	sadd.s32 $0x1, s31  }
0x14: {  	p0 =	sne.s32 s31, s8  }
.Ltmp1:
0x15: {  	[tilespmem:s3+$0x10500] =	vst v6;
	s0 =	rddreg [dreg:$0x8];
	s30 =	simm.s32 $0x10500;
	(pc) =	sbr.rel @!p0 .LBB2_5-.Ltmp1, $4  }
0x16: {  	[hbm4b:s0+s4] =	stream.linear.scatter [tilespmem:s30], [sflag:$0x9], $0x200, $0x38;
	[tilespmem:$0x10700] =	vst v63  }
0x17: {  	_ =	swait.ge [sflag:s9], $0x200  }
0x18: {  	[sflag:s9] =	ssyncset.done $0x0  }
0x19: {  	[sflag:s9] =	ssyncadd.s32 $0xFFFFFE00  }
.LBB2_1:
0x1a: {  	s0 =	rddreg [dreg:$0x6]  }
0x1b: {  	[tilespmem:s4], [sflag:$0x9] =	stream.linear.gather [hbm4b:s0+s4], $0x200, $0x38;
	[tilespmem:$0x10700] =	vst v63  }
0x1c: {  	_ =	swait.ge [sflag:s9], $0x200  }
0x1d: {  	[sflag:s9] =	ssyncset.done $0x0  }
0x1e: {  	s3 =	simm.s32 $0x280;
	s7 =	rddreg [dreg:$0x7];
	[sflag:s9] =	ssyncadd.s32 $0xFFFFFE00  }
0x1f: {  	[tilespmem:s3], [sflag:$0x9] =	stream.linear.gather [hbm4b:s7+s4], $0x200, $0x38;
	[tilespmem:$0x10700] =	vst v63  }
0x20: {  	_ =	swait.ge [sflag:s9], $0x200  }
0x21: {  	[sflag:s9] =	ssyncset.done $0x0  }
0x22: {  	[sflag:s9] =	ssyncadd.s32 $0xFFFFFE00  }
0x23: {  	v4 =	vld [tilespmem:$0x0];
	_ =	sdelay $0x1  }
0x24: {  	v5 =	vld [tilespmem:$0x280];
	_ =	sdelay $0x2  }
0x25: {  	(v2sf) =	vpush v4, $0x0;
	_ =	sdelay $0x1  }
0x26: {  	(v2sf) =	vpush v5, $0x0;
	_ =	sdelay $0x1  }
0x27: {  	(v2sf) =	vpush v4, $0x1;
	_ =	sdelay $0x2  }
0x28: {  	(v2sf) =	vpush v5, $0x1;
	_ =	sdelay $0x7  }
0x29: {  	s10 =	spop (v2sf);
	(v2sf) =	vpush v4, $0x2;
	_ =	sdelay $0x1  }
0x2a: {  	s30 =	spop (v2sf);
	(v2sf) =	vpush v5, $0x2  }
0x2b: {  	s0 =	sand.u32 $0xFFFFF80, s10  }
0x2c: {  	s0 =	sadd.s32 s1, s0;
	s3 =	spop (v2sf)  }
0x2d: {  	(v2sf) =	vpush v4, $0x3;
	[tilespmem:s13], [sflag:$0x1] =	stream.strided.gather [hbm4b:s0+s11], $0x2000, s12, s11, $0x38;
	[tilespmem:$0x10700] =	vst v63  }
0x2e: {  	s0 =	sand.u32 $0xFFFFF80, s30  }
0x2f: {  	s5 =	spop (v2sf);
	s0 =	sadd.s32 s2, s0  }
0x30: {  	(v2sf) =	vpush v5, $0x3;
	[tilespmem:s14], [sflag:$0x2] =	stream.strided.gather [hbm4b:s0+s11], $0x2000, s12, s11, $0x38;
	[tilespmem:$0x10700] =	vst v63  }
0x31: {  	s0 =	sand.u32 $0xFFFFF80, s3  }
0x32: {  	s0 =	sadd.s32 s1, s0  }
0x33: {  	[tilespmem:s15], [sflag:$0x3] =	stream.strided.gather [hbm4b:s0+s11], $0x2000, s12, s11, $0x38;
	[tilespmem:$0x10700] =	vst v63  }
0x34: {  	s0 =	sand.u32 $0xFFFFF80, s5  }
0x35: {  	s0 =	sadd.s32 s2, s0  }
0x36: {  	[tilespmem:s16], [sflag:$0x4] =	stream.strided.gather [hbm4b:s0+s11], $0x2000, s12, s11, $0x38;
	[tilespmem:$0x10700] =	vst v63  }
0x37: {  	s6 =	spop (v2sf)  }
0x38: {  	s0 =	sand.u32 $0xFFFFF80, s6  }
0x39: {  	s7 =	spop (v2sf);
	s0 =	sadd.s32 s1, s0  }
0x3a: {  	[tilespmem:s17], [sflag:$0x5] =	stream.strided.gather [hbm4b:s0+s11], $0x2000, s12, s11, $0x38;
	[tilespmem:$0x10700] =	vst v63  }
0x3b: {  	s0 =	sand.u32 $0xFFFFF80, s7  }
0x3c: {  	s10 =	spop (v2sf);
	s0 =	sadd.s32 s2, s0  }
0x3d: {  	[tilespmem:s18], [sflag:$0x6] =	stream.strided.gather [hbm4b:s0+s11], $0x2000, s12, s11, $0x38;
	[tilespmem:$0x10700] =	vst v63  }
0x3e: {  	s0 =	sand.u32 $0xFFFFF80, s10  }
0x3f: {  	s30 =	spop (v2sf);
	s0 =	sadd.s32 s1, s0  }
0x40: {  	[tilespmem:s19], [sflag:$0x7] =	stream.strided.gather [hbm4b:s0+s11], $0x2000, s12, s11, $0x38;
	[tilespmem:$0x10700] =	vst v63  }
0x41: {  	s0 =	sand.u32 $0xFFFFF80, s30  }
0x42: {  	s0 =	sadd.s32 s2, s0  }
0x43: {  	[tilespmem:s20], [sflag:$0x8] =	stream.strided.gather [hbm4b:s0+s11], $0x2000, s12, s11, $0x38;
	[tilespmem:$0x10700] =	vst v63  }
0x44: {  	s0 =	simm.s32 $0x0  }
.LBB2_2:
0x45: {  	s3 =	sshra.s32 s0, $0x2  }
0x46: {  	v12 =	vld [tilespmem:s3+$0x0]  }
0x47: {  	v13 =	vld [tilespmem:s3+$0x280];
	_ =	sdelay $0x3  }
0x48: {  	v6 =	vand.u32 $0x7F, v12  }
0x49: {  	v4 =	vld [tilespmem:s3+$0x10];
	v7 =	vand.u32 $0x7F, v13;
	v8 =	vbroadcast v6, $0x0  }
0x4a: {  	v5 =	vld [tilespmem:s3+$0x290];
	_ =	swait.ge [sflag:s21], $0x2000;
	v9 =	vbroadcast v7, $0x0  }
0x4b: {  	[sflag:s21] =	ssyncset.done $0x0;
	v10 =	vor.u32 v0, v8  }
0x4c: {  	[sflag:s21] =	ssyncadd.s32 $0xFFFFE000;
	v11 =	vor.u32 v0, v9  }
0x4d: {  	_ =	swait.ge [sflag:s22], $0x2000;
	v14 =	vor.u32 v1, v8  }
0x4e: {  	[sflag:s22] =	ssyncset.done $0x0;
	v15 =	vor.u32 v1, v9  }
0x4f: {  	[sflag:s22] =	ssyncadd.s32 $0xFFFFE000;
	v16 =	vor.u32 v2, v8  }
0x50: {  	v17 =	vor.u32 v2, v9;
	v10 =	vld.idx.msk [tilespmem:v10+s13+$0x0], $0xffff  }
0x51: {  	v8 =	vor.u32 v3, v8;
	v11 =	vld.idx.msk [tilespmem:v11+s14+$0x0], $0xffff  }
0x52: {  	v9 =	vor.u32 v3, v9;
	v14 =	vld.idx.msk [tilespmem:v14+s13+$0x0], $0xffff  }
0x53: {  	v15 =	vld.idx.msk [tilespmem:v15+s14+$0x0], $0xffff  }
0x54: {  	v16 =	vld.idx.msk [tilespmem:v16+s13+$0x0], $0xffff  }
0x55: {  	(v2sf) =	vpush v13, $0x4;
	v17 =	vld.idx.msk [tilespmem:v17+s14+$0x0], $0xffff  }
0x56: {  	(v2sf) =	vpush v12, $0x4;
	v8 =	vld.idx.msk [tilespmem:v8+s13+$0x0], $0xffff;
	v10 =	vmul.f32 v11, v10  }
0x57: {  	v9 =	vld.idx.msk [tilespmem:v9+s14+$0x0], $0xffff  }
0x58: {  	v32 =	vmul.f32 v15, v14;
	v10 =	vadd.f32 $0.0e+00, v10;
	_ =	sdelay $0x1  }
0x59: {  	v33 =	vmul.f32 v17, v16;
	v10 =	vadd.f32 v32, v10;
	_ =	sdelay $0x1  }
0x5a: {  	v8 =	vmul.f32 v9, v8;
	v10 =	vadd.f32 v33, v10;
	_ =	sdelay $0x1  }
0x5b: {  	v8 =	vadd.f32 v8, v10;
	_ =	sdelay $0x1  }
0x5c: {  	(xrf2) =	vadd.scan.msk.f32 $0xffff, v8;
	_ =	sdelay $0x3  }
0x5d: {  	s10 =	spop (v2sf)  }
0x5e: {  	s30 =	spop (v2sf)  }
0x5f: {  	s30 =	sand.u32 $0xFFFFF80, s30  }
0x60: {  	s10 =	sand.u32 $0xFFFFF80, s10;
	s30 =	sadd.s32 s1, s30  }
0x61: {  	[tilespmem:s13], [sflag:$0x1] =	stream.strided.gather [hbm4b:s30+s11], $0x2000, s12, s11, $0x38;
	[tilespmem:$0x10700] =	vst v63  }
0x62: {  	s10 =	sadd.s32 s2, s10  }
0x63: {  	v34 =	vbroadcast v6, $0x1;
	[tilespmem:s14], [sflag:$0x2] =	stream.strided.gather [hbm4b:s10+s11], $0x2000, s12, s11, $0x38;
	v8, _, _ =	vpop (xrf2);
	[tilespmem:$0x10700] =	vst v63  }
0x64: {  	v35 =	vbroadcast v7, $0x1;
	_ =	swait.ge [sflag:s23], $0x2000  }
0x65: {  	v36 =	vor.u32 v0, v34;
	[sflag:s23] =	ssyncset.done $0x0  }
0x66: {  	v37 =	vor.u32 v0, v35;
	[sflag:s23] =	ssyncadd.s32 $0xFFFFE000  }
0x67: {  	v38 =	vor.u32 v1, v34;
	_ =	swait.ge [sflag:s24], $0x2000  }
0x68: {  	v39 =	vor.u32 v1, v35;
	[sflag:s24] =	ssyncset.done $0x0  }
0x69: {  	v40 =	vor.u32 v2, v34;
	[sflag:s24] =	ssyncadd.s32 $0xFFFFE000  }
0x6a: {  	v18 =	vor.u32 v2, v35;
	v11 =	vld.idx.msk [tilespmem:v36+s15+$0x0], $0xffff  }
0x6b: {  	v9 =	vor.u32 v3, v34;
	v14 =	vld.idx.msk [tilespmem:v37+s16+$0x0], $0xffff  }
0x6c: {  	v10 =	vor.u32 v3, v35;
	v15 =	vld.idx.msk [tilespmem:v38+s15+$0x0], $0xffff  }
0x6d: {  	v16 =	vld.idx.msk [tilespmem:v39+s16+$0x0], $0xffff  }
0x6e: {  	v17 =	vld.idx.msk [tilespmem:v40+s15+$0x0], $0xffff  }
0x6f: {  	(v2sf) =	vpush v13, $0x5;
	v18 =	vld.idx.msk [tilespmem:v18+s16+$0x0], $0xffff  }
0x70: {  	(v2sf) =	vpush v12, $0x5;
	v9 =	vld.idx.msk [tilespmem:v9+s15+$0x0], $0xffff;
	v11 =	vmul.f32 v14, v11  }
0x71: {  	v10 =	vld.idx.msk [tilespmem:v10+s16+$0x0], $0xffff  }
0x72: {  	v41 =	vmul.f32 v16, v15;
	v11 =	vadd.f32 $0.0e+00, v11;
	_ =	sdelay $0x1  }
0x73: {  	v42 =	vmul.f32 v18, v17;
	v11 =	vadd.f32 v41, v11;
	_ =	sdelay $0x1  }
0x74: {  	v9 =	vmul.f32 v10, v9;
	v11 =	vadd.f32 v42, v11;
	_ =	sdelay $0x1  }
0x75: {  	v9 =	vadd.f32 v9, v11;
	_ =	sdelay $0x1  }
0x76: {  	(xrf2) =	vadd.scan.msk.f32 $0xffff, v9;
	_ =	sdelay $0x3  }
0x77: {  	s7 =	spop (v2sf)  }
0x78: {  	s5 =	spop (v2sf)  }
0x79: {  	s30 =	sand.u32 $0xFFFFF80, s5  }
0x7a: {  	s10 =	sand.u32 $0xFFFFF80, s7;
	s30 =	sadd.s32 s1, s30  }
0x7b: {  	[tilespmem:s15], [sflag:$0x3] =	stream.strided.gather [hbm4b:s30+s11], $0x2000, s12, s11, $0x38;
	[tilespmem:$0x10700] =	vst v63  }
0x7c: {  	s10 =	sadd.s32 s2, s10  }
0x7d: {  	v43 =	vbroadcast v6, $0x2;
	[tilespmem:s16], [sflag:$0x4] =	stream.strided.gather [hbm4b:s10+s11], $0x2000, s12, s11, $0x38;
	v9, _, _ =	vpop (xrf2);
	[tilespmem:$0x10700] =	vst v63  }
0x7e: {  	v44 =	vbroadcast v7, $0x2;
	_ =	swait.ge [sflag:s25], $0x2000  }
0x7f: {  	v45 =	vor.u32 v0, v43;
	[sflag:s25] =	ssyncset.done $0x0  }
0x80: {  	v46 =	vor.u32 v0, v44;
	[sflag:s25] =	ssyncadd.s32 $0xFFFFE000  }
0x81: {  	v47 =	vor.u32 v1, v43;
	_ =	swait.ge [sflag:s26], $0x2000  }
0x82: {  	v48 =	vor.u32 v1, v44;
	[sflag:s26] =	ssyncset.done $0x0  }
0x83: {  	v49 =	vor.u32 v2, v43;
	[sflag:s26] =	ssyncadd.s32 $0xFFFFE000  }
0x84: {  	v19 =	vor.u32 v2, v44;
	v14 =	vld.idx.msk [tilespmem:v45+s17+$0x0], $0xffff  }
0x85: {  	v10 =	vor.u32 v3, v43;
	v15 =	vld.idx.msk [tilespmem:v46+s18+$0x0], $0xffff  }
0x86: {  	v11 =	vor.u32 v3, v44;
	v16 =	vld.idx.msk [tilespmem:v47+s17+$0x0], $0xffff  }
0x87: {  	v17 =	vld.idx.msk [tilespmem:v48+s18+$0x0], $0xffff  }
0x88: {  	v18 =	vld.idx.msk [tilespmem:v49+s17+$0x0], $0xffff  }
0x89: {  	(v2sf) =	vpush v13, $0x6;
	v19 =	vld.idx.msk [tilespmem:v19+s18+$0x0], $0xffff  }
0x8a: {  	(v2sf) =	vpush v12, $0x6;
	v10 =	vld.idx.msk [tilespmem:v10+s17+$0x0], $0xffff;
	v14 =	vmul.f32 v15, v14  }
0x8b: {  	v11 =	vld.idx.msk [tilespmem:v11+s18+$0x0], $0xffff  }
0x8c: {  	v50 =	vmul.f32 v17, v16;
	v14 =	vadd.f32 $0.0e+00, v14;
	_ =	sdelay $0x1  }
0x8d: {  	v51 =	vmul.f32 v19, v18;
	v14 =	vadd.f32 v50, v14;
	_ =	sdelay $0x1  }
0x8e: {  	v10 =	vmul.f32 v11, v10;
	v14 =	vadd.f32 v51, v14;
	_ =	sdelay $0x1  }
0x8f: {  	v10 =	vadd.f32 v10, v14;
	_ =	sdelay $0x1  }
0x90: {  	(xrf2) =	vadd.scan.msk.f32 $0xffff, v10;
	_ =	sdelay $0x3  }
0x91: {  	s6 =	spop (v2sf)  }
0x92: {  	s7 =	spop (v2sf)  }
0x93: {  	s30 =	sand.u32 $0xFFFFF80, s7  }
0x94: {  	s10 =	sand.u32 $0xFFFFF80, s6;
	s30 =	sadd.s32 s1, s30  }
0x95: {  	[tilespmem:s17], [sflag:$0x5] =	stream.strided.gather [hbm4b:s30+s11], $0x2000, s12, s11, $0x38;
	[tilespmem:$0x10700] =	vst v63  }
0x96: {  	s10 =	sadd.s32 s2, s10  }
0x97: {  	v52 =	vbroadcast v6, $0x3;
	[tilespmem:s18], [sflag:$0x6] =	stream.strided.gather [hbm4b:s10+s11], $0x2000, s12, s11, $0x38;
	v10, _, _ =	vpop (xrf2);
	[tilespmem:$0x10700] =	vst v63  }
0x98: {  	v53 =	vbroadcast v7, $0x3;
	_ =	swait.ge [sflag:s28], $0x2000  }
0x99: {  	v54 =	vor.u32 v0, v52;
	[sflag:s28] =	ssyncset.done $0x0  }
0x9a: {  	v55 =	vor.u32 v0, v53;
	[sflag:s28] =	ssyncadd.s32 $0xFFFFE000  }
0x9b: {  	v56 =	vor.u32 v1, v52;
	_ =	swait.ge [sflag:s29], $0x2000  }
0x9c: {  	v57 =	vor.u32 v1, v53;
	[sflag:s29] =	ssyncset.done $0x0  }
0x9d: {  	v58 =	vor.u32 v2, v52;
	[sflag:s29] =	ssyncadd.s32 $0xFFFFE000  }
0x9e: {  	v20 =	vor.u32 v2, v53;
	v15 =	vld.idx.msk [tilespmem:v54+s19+$0x0], $0xffff  }
0x9f: {  	v11 =	vor.u32 v3, v52;
	v16 =	vld.idx.msk [tilespmem:v55+s20+$0x0], $0xffff  }
0xa0: {  	v14 =	vor.u32 v3, v53;
	v17 =	vld.idx.msk [tilespmem:v56+s19+$0x0], $0xffff  }
0xa1: {  	v18 =	vld.idx.msk [tilespmem:v57+s20+$0x0], $0xffff  }
0xa2: {  	v19 =	vld.idx.msk [tilespmem:v58+s19+$0x0], $0xffff  }
0xa3: {  	(v2sf) =	vpush v13, $0x7;
	v20 =	vld.idx.msk [tilespmem:v20+s20+$0x0], $0xffff  }
0xa4: {  	(v2sf) =	vpush v12, $0x7;
	v11 =	vld.idx.msk [tilespmem:v11+s19+$0x0], $0xffff;
	v15 =	vmul.f32 v16, v15  }
0xa5: {  	v14 =	vld.idx.msk [tilespmem:v14+s20+$0x0], $0xffff  }
0xa6: {  	v59 =	vmul.f32 v18, v17;
	v15 =	vadd.f32 $0.0e+00, v15;
	_ =	sdelay $0x1  }
0xa7: {  	v60 =	vmul.f32 v20, v19;
	v15 =	vadd.f32 v59, v15;
	_ =	sdelay $0x1  }
0xa8: {  	v11 =	vmul.f32 v14, v11;
	v15 =	vadd.f32 v60, v15;
	_ =	sdelay $0x1  }
0xa9: {  	v11 =	vadd.f32 v11, v15;
	_ =	sdelay $0x1  }
0xaa: {  	(xrf2) =	vadd.scan.msk.f32 $0xffff, v11;
	_ =	sdelay $0x3  }
0xab: {  	s5 =	spop (v2sf)  }
0xac: {  	s6 =	spop (v2sf)  }
0xad: {  	s30 =	sand.u32 $0xFFFFF80, s6  }
0xae: {  	s10 =	sand.u32 $0xFFFFF80, s5;
	s30 =	sadd.s32 s1, s30  }
0xaf: {  	[tilespmem:s19], [sflag:$0x7] =	stream.strided.gather [hbm4b:s30+s11], $0x2000, s12, s11, $0x38;
	[tilespmem:$0x10700] =	vst v63  }
0xb0: {  	s10 =	sadd.s32 s2, s10  }
0xb1: {  	v61 =	vbroadcast v6, $0x4;
	[tilespmem:s20], [sflag:$0x8] =	stream.strided.gather [hbm4b:s10+s11], $0x2000, s12, s11, $0x38;
	v11, _, _ =	vpop (xrf2);
	[tilespmem:$0x10700] =	vst v63  }
0xb2: {  	v62 =	vbroadcast v7, $0x4;
	_ =	swait.ge [sflag:s21], $0x2000  }
0xb3: {  	v63 =	vor.u32 v0, v61;
	[sflag:s21] =	ssyncset.done $0x0  }
0xb4: {  	v24 =	vor.u32 v0, v62;
	[sflag:s21] =	ssyncadd.s32 $0xFFFFE000  }
0xb5: {  	v25 =	vor.u32 v1, v61;
	_ =	swait.ge [sflag:s22], $0x2000  }
0xb6: {  	v26 =	vor.u32 v1, v62;
	[sflag:s22] =	ssyncset.done $0x0  }
0xb7: {  	v27 =	vor.u32 v2, v61;
	[sflag:s22] =	ssyncadd.s32 $0xFFFFE000  }
0xb8: {  	v21 =	vor.u32 v2, v62;
	v16 =	vld.idx.msk [tilespmem:v63+s13+$0x0], $0xffff  }
0xb9: {  	v14 =	vor.u32 v3, v61;
	v17 =	vld.idx.msk [tilespmem:v24+s14+$0x0], $0xffff  }
0xba: {  	v15 =	vor.u32 v3, v62;
	v18 =	vld.idx.msk [tilespmem:v25+s13+$0x0], $0xffff  }
0xbb: {  	v19 =	vld.idx.msk [tilespmem:v26+s14+$0x0], $0xffff  }
0xbc: {  	v20 =	vld.idx.msk [tilespmem:v27+s13+$0x0], $0xffff  }
0xbd: {  	(v2sf) =	vpush v13, $0x8;
	v21 =	vld.idx.msk [tilespmem:v21+s14+$0x0], $0xffff  }
0xbe: {  	(v2sf) =	vpush v12, $0x8;
	v14 =	vld.idx.msk [tilespmem:v14+s13+$0x0], $0xffff;
	v16 =	vmul.f32 v17, v16  }
0xbf: {  	v15 =	vld.idx.msk [tilespmem:v15+s14+$0x0], $0xffff  }
0xc0: {  	v28 =	vmul.f32 v19, v18;
	v16 =	vadd.f32 $0.0e+00, v16;
	_ =	sdelay $0x1  }
0xc1: {  	v29 =	vmul.f32 v21, v20;
	v16 =	vadd.f32 v28, v16;
	_ =	sdelay $0x1  }
0xc2: {  	v14 =	vmul.f32 v15, v14;
	v16 =	vadd.f32 v29, v16;
	_ =	sdelay $0x1  }
0xc3: {  	v14 =	vadd.f32 v14, v16;
	_ =	sdelay $0x1  }
0xc4: {  	(xrf2) =	vadd.scan.msk.f32 $0xffff, v14;
	_ =	sdelay $0x3  }
0xc5: {  	s7 =	spop (v2sf)  }
0xc6: {  	s5 =	spop (v2sf)  }
0xc7: {  	s30 =	sand.u32 $0xFFFFF80, s5  }
0xc8: {  	s10 =	sand.u32 $0xFFFFF80, s7;
	s30 =	sadd.s32 s1, s30  }
0xc9: {  	[tilespmem:s13], [sflag:$0x1] =	stream.strided.gather [hbm4b:s30+s11], $0x2000, s12, s11, $0x38;
	[tilespmem:$0x10700] =	vst v63  }
0xca: {  	s10 =	sadd.s32 s2, s10  }
0xcb: {  	v30 =	vbroadcast v6, $0x5;
	[tilespmem:s14], [sflag:$0x2] =	stream.strided.gather [hbm4b:s10+s11], $0x2000, s12, s11, $0x38;
	v14, _, _ =	vpop (xrf2);
	[tilespmem:$0x10700] =	vst v63  }
0xcc: {  	v31 =	vbroadcast v7, $0x5;
	_ =	swait.ge [sflag:s23], $0x2000  }
0xcd: {  	v32 =	vor.u32 v0, v30;
	[sflag:s23] =	ssyncset.done $0x0  }
0xce: {  	v33 =	vor.u32 v0, v31;
	[sflag:s23] =	ssyncadd.s32 $0xFFFFE000  }
0xcf: {  	v34 =	vor.u32 v1, v30;
	_ =	swait.ge [sflag:s24], $0x2000  }
0xd0: {  	v35 =	vor.u32 v1, v31;
	[sflag:s24] =	ssyncset.done $0x0  }
0xd1: {  	v36 =	vor.u32 v2, v30;
	[sflag:s24] =	ssyncadd.s32 $0xFFFFE000  }
0xd2: {  	v22 =	vor.u32 v2, v31;
	v17 =	vld.idx.msk [tilespmem:v32+s15+$0x0], $0xffff  }
0xd3: {  	v15 =	vor.u32 v3, v30;
	v18 =	vld.idx.msk [tilespmem:v33+s16+$0x0], $0xffff  }
0xd4: {  	v16 =	vor.u32 v3, v31;
	v19 =	vld.idx.msk [tilespmem:v34+s15+$0x0], $0xffff  }
0xd5: {  	v20 =	vld.idx.msk [tilespmem:v35+s16+$0x0], $0xffff  }
0xd6: {  	v21 =	vld.idx.msk [tilespmem:v36+s15+$0x0], $0xffff  }
0xd7: {  	(v2sf) =	vpush v13, $0x9;
	v22 =	vld.idx.msk [tilespmem:v22+s16+$0x0], $0xffff  }
0xd8: {  	(v2sf) =	vpush v12, $0x9;
	v15 =	vld.idx.msk [tilespmem:v15+s15+$0x0], $0xffff;
	v17 =	vmul.f32 v18, v17  }
0xd9: {  	v16 =	vld.idx.msk [tilespmem:v16+s16+$0x0], $0xffff  }
0xda: {  	v37 =	vmul.f32 v20, v19;
	v17 =	vadd.f32 $0.0e+00, v17;
	_ =	sdelay $0x1  }
0xdb: {  	v38 =	vmul.f32 v22, v21;
	v17 =	vadd.f32 v37, v17;
	_ =	sdelay $0x1  }
0xdc: {  	v15 =	vmul.f32 v16, v15;
	v17 =	vadd.f32 v38, v17;
	_ =	sdelay $0x1  }
0xdd: {  	v15 =	vadd.f32 v15, v17;
	_ =	sdelay $0x1  }
0xde: {  	(xrf2) =	vadd.scan.msk.f32 $0xffff, v15;
	_ =	sdelay $0x3  }
0xdf: {  	s6 =	spop (v2sf)  }
0xe0: {  	s7 =	spop (v2sf)  }
0xe1: {  	s30 =	sand.u32 $0xFFFFF80, s7  }
0xe2: {  	s10 =	sand.u32 $0xFFFFF80, s6;
	s30 =	sadd.s32 s1, s30  }
0xe3: {  	[tilespmem:s15], [sflag:$0x3] =	stream.strided.gather [hbm4b:s30+s11], $0x2000, s12, s11, $0x38;
	[tilespmem:$0x10700] =	vst v63  }
0xe4: {  	s10 =	sadd.s32 s2, s10  }
0xe5: {  	v39 =	vbroadcast v6, $0x6;
	[tilespmem:s16], [sflag:$0x4] =	stream.strided.gather [hbm4b:s10+s11], $0x2000, s12, s11, $0x38;
	v15, _, _ =	vpop (xrf2);
	[tilespmem:$0x10700] =	vst v63  }
0xe6: {  	v40 =	vbroadcast v7, $0x6;
	_ =	swait.ge [sflag:s25], $0x2000  }
0xe7: {  	v41 =	vor.u32 v0, v39;
	[sflag:s25] =	ssyncset.done $0x0  }
0xe8: {  	v42 =	vor.u32 v0, v40;
	[sflag:s25] =	ssyncadd.s32 $0xFFFFE000  }
0xe9: {  	v43 =	vor.u32 v1, v39;
	_ =	swait.ge [sflag:s26], $0x2000  }
0xea: {  	v44 =	vor.u32 v1, v40;
	[sflag:s26] =	ssyncset.done $0x0  }
0xeb: {  	v45 =	vor.u32 v2, v39;
	[sflag:s26] =	ssyncadd.s32 $0xFFFFE000  }
0xec: {  	v23 =	vor.u32 v2, v40;
	v18 =	vld.idx.msk [tilespmem:v41+s17+$0x0], $0xffff  }
0xed: {  	v16 =	vor.u32 v3, v39;
	v19 =	vld.idx.msk [tilespmem:v42+s18+$0x0], $0xffff  }
0xee: {  	v17 =	vor.u32 v3, v40;
	v20 =	vld.idx.msk [tilespmem:v43+s17+$0x0], $0xffff  }
0xef: {  	v21 =	vld.idx.msk [tilespmem:v44+s18+$0x0], $0xffff  }
0xf0: {  	v22 =	vld.idx.msk [tilespmem:v45+s17+$0x0], $0xffff  }
0xf1: {  	(v2sf) =	vpush v13, $0xA;
	v23 =	vld.idx.msk [tilespmem:v23+s18+$0x0], $0xffff  }
0xf2: {  	(v2sf) =	vpush v12, $0xA;
	v16 =	vld.idx.msk [tilespmem:v16+s17+$0x0], $0xffff;
	v18 =	vmul.f32 v19, v18  }
0xf3: {  	v17 =	vld.idx.msk [tilespmem:v17+s18+$0x0], $0xffff  }
0xf4: {  	v46 =	vmul.f32 v21, v20;
	v18 =	vadd.f32 $0.0e+00, v18;
	_ =	sdelay $0x1  }
0xf5: {  	v47 =	vmul.f32 v23, v22;
	v18 =	vadd.f32 v46, v18;
	_ =	sdelay $0x1  }
0xf6: {  	v16 =	vmul.f32 v17, v16;
	v18 =	vadd.f32 v47, v18;
	_ =	sdelay $0x1  }
0xf7: {  	v16 =	vadd.f32 v16, v18;
	_ =	sdelay $0x1  }
0xf8: {  	(xrf2) =	vadd.scan.msk.f32 $0xffff, v16;
	_ =	sdelay $0x3  }
0xf9: {  	s5 =	spop (v2sf)  }
0xfa: {  	s6 =	spop (v2sf)  }
0xfb: {  	s30 =	sand.u32 $0xFFFFF80, s6  }
0xfc: {  	s10 =	sand.u32 $0xFFFFF80, s5;
	s30 =	sadd.s32 s1, s30  }
0xfd: {  	[tilespmem:s17], [sflag:$0x5] =	stream.strided.gather [hbm4b:s30+s11], $0x2000, s12, s11, $0x38;
	[tilespmem:$0x10700] =	vst v63  }
0xfe: {  	s10 =	sadd.s32 s2, s10  }
0xff: {  	v48 =	vbroadcast v6, $0x7;
	[tilespmem:s18], [sflag:$0x6] =	stream.strided.gather [hbm4b:s10+s11], $0x2000, s12, s11, $0x38;
	v16, _, _ =	vpop (xrf2);
	[tilespmem:$0x10700] =	vst v63  }
0x100: {  	v49 =	vbroadcast v7, $0x7;
	_ =	swait.ge [sflag:s28], $0x2000  }
0x101: {  	v50 =	vor.u32 v0, v48;
	[sflag:s28] =	ssyncset.done $0x0  }
0x102: {  	v51 =	vor.u32 v0, v49;
	[sflag:s28] =	ssyncadd.s32 $0xFFFFE000  }
0x103: {  	v52 =	vor.u32 v1, v48;
	_ =	swait.ge [sflag:s29], $0x2000  }
0x104: {  	v53 =	vor.u32 v1, v49;
	[sflag:s29] =	ssyncset.done $0x0  }
0x105: {  	v54 =	vor.u32 v2, v48;
	[sflag:s29] =	ssyncadd.s32 $0xFFFFE000  }
0x106: {  	v24 =	vor.u32 v2, v49;
	v19 =	vld.idx.msk [tilespmem:v50+s19+$0x0], $0xffff  }
0x107: {  	v17 =	vor.u32 v3, v48;
	v20 =	vld.idx.msk [tilespmem:v51+s20+$0x0], $0xffff  }
0x108: {  	v18 =	vor.u32 v3, v49;
	v21 =	vld.idx.msk [tilespmem:v52+s19+$0x0], $0xffff  }
0x109: {  	v22 =	vld.idx.msk [tilespmem:v53+s20+$0x0], $0xffff  }
0x10a: {  	v23 =	vld.idx.msk [tilespmem:v54+s19+$0x0], $0xffff  }
0x10b: {  	(v2sf) =	vpush v13, $0xB;
	v24 =	vld.idx.msk [tilespmem:v24+s20+$0x0], $0xffff  }
0x10c: {  	(v2sf) =	vpush v12, $0xB;
	v17 =	vld.idx.msk [tilespmem:v17+s19+$0x0], $0xffff;
	v19 =	vmul.f32 v20, v19  }
0x10d: {  	v18 =	vld.idx.msk [tilespmem:v18+s20+$0x0], $0xffff  }
0x10e: {  	v55 =	vmul.f32 v22, v21;
	v19 =	vadd.f32 $0.0e+00, v19;
	_ =	sdelay $0x1  }
0x10f: {  	v56 =	vmul.f32 v24, v23;
	v19 =	vadd.f32 v55, v19;
	_ =	sdelay $0x1  }
0x110: {  	v17 =	vmul.f32 v18, v17;
	v19 =	vadd.f32 v56, v19;
	_ =	sdelay $0x1  }
0x111: {  	v17 =	vadd.f32 v17, v19;
	_ =	sdelay $0x1  }
0x112: {  	(xrf2) =	vadd.scan.msk.f32 $0xffff, v17;
	_ =	sdelay $0x3  }
0x113: {  	s7 =	spop (v2sf)  }
0x114: {  	s5 =	spop (v2sf)  }
0x115: {  	s30 =	sand.u32 $0xFFFFF80, s5  }
0x116: {  	s10 =	sand.u32 $0xFFFFF80, s7;
	s30 =	sadd.s32 s1, s30  }
0x117: {  	[tilespmem:s19], [sflag:$0x7] =	stream.strided.gather [hbm4b:s30+s11], $0x2000, s12, s11, $0x38;
	[tilespmem:$0x10700] =	vst v63  }
0x118: {  	s10 =	sadd.s32 s2, s10  }
0x119: {  	v57 =	vbroadcast v6, $0x8;
	[tilespmem:s20], [sflag:$0x8] =	stream.strided.gather [hbm4b:s10+s11], $0x2000, s12, s11, $0x38;
	v17, _, _ =	vpop (xrf2);
	[tilespmem:$0x10700] =	vst v63  }
0x11a: {  	v58 =	vbroadcast v7, $0x8;
	_ =	swait.ge [sflag:s21], $0x2000  }
0x11b: {  	v59 =	vor.u32 v0, v57;
	[sflag:s21] =	ssyncset.done $0x0  }
0x11c: {  	v60 =	vor.u32 v0, v58;
	[sflag:s21] =	ssyncadd.s32 $0xFFFFE000  }
0x11d: {  	v61 =	vor.u32 v1, v57;
	_ =	swait.ge [sflag:s22], $0x2000  }
0x11e: {  	v62 =	vor.u32 v1, v58;
	[sflag:s22] =	ssyncset.done $0x0  }
0x11f: {  	v63 =	vor.u32 v2, v57;
	[sflag:s22] =	ssyncadd.s32 $0xFFFFE000  }
0x120: {  	v25 =	vor.u32 v2, v58;
	v20 =	vld.idx.msk [tilespmem:v59+s13+$0x0], $0xffff  }
0x121: {  	v18 =	vor.u32 v3, v57;
	v21 =	vld.idx.msk [tilespmem:v60+s14+$0x0], $0xffff  }
0x122: {  	v19 =	vor.u32 v3, v58;
	v22 =	vld.idx.msk [tilespmem:v61+s13+$0x0], $0xffff  }
0x123: {  	v23 =	vld.idx.msk [tilespmem:v62+s14+$0x0], $0xffff  }
0x124: {  	v24 =	vld.idx.msk [tilespmem:v63+s13+$0x0], $0xffff  }
0x125: {  	(v2sf) =	vpush v13, $0xC;
	v25 =	vld.idx.msk [tilespmem:v25+s14+$0x0], $0xffff  }
0x126: {  	(v2sf) =	vpush v12, $0xC;
	v18 =	vld.idx.msk [tilespmem:v18+s13+$0x0], $0xffff;
	v20 =	vmul.f32 v21, v20  }
0x127: {  	v19 =	vld.idx.msk [tilespmem:v19+s14+$0x0], $0xffff  }
0x128: {  	v28 =	vmul.f32 v23, v22;
	v20 =	vadd.f32 $0.0e+00, v20;
	_ =	sdelay $0x1  }
0x129: {  	v29 =	vmul.f32 v25, v24;
	v20 =	vadd.f32 v28, v20;
	_ =	sdelay $0x1  }
0x12a: {  	v18 =	vmul.f32 v19, v18;
	v20 =	vadd.f32 v29, v20;
	_ =	sdelay $0x1  }
0x12b: {  	v18 =	vadd.f32 v18, v20;
	_ =	sdelay $0x1  }
0x12c: {  	(xrf2) =	vadd.scan.msk.f32 $0xffff, v18;
	_ =	sdelay $0x3  }
0x12d: {  	s6 =	spop (v2sf)  }
0x12e: {  	s7 =	spop (v2sf)  }
0x12f: {  	s30 =	sand.u32 $0xFFFFF80, s7  }
0x130: {  	s10 =	sand.u32 $0xFFFFF80, s6;
	s30 =	sadd.s32 s1, s30  }
0x131: {  	[tilespmem:s13], [sflag:$0x1] =	stream.strided.gather [hbm4b:s30+s11], $0x2000, s12, s11, $0x38;
	[tilespmem:$0x10700] =	vst v63  }
0x132: {  	s10 =	sadd.s32 s2, s10  }
0x133: {  	v30 =	vbroadcast v6, $0x9;
	[tilespmem:s14], [sflag:$0x2] =	stream.strided.gather [hbm4b:s10+s11], $0x2000, s12, s11, $0x38;
	v18, _, _ =	vpop (xrf2);
	[tilespmem:$0x10700] =	vst v63  }
0x134: {  	v31 =	vbroadcast v7, $0x9;
	_ =	swait.ge [sflag:s23], $0x2000  }
0x135: {  	v32 =	vor.u32 v0, v30;
	[sflag:s23] =	ssyncset.done $0x0  }
0x136: {  	v33 =	vor.u32 v0, v31;
	[sflag:s23] =	ssyncadd.s32 $0xFFFFE000  }
0x137: {  	v34 =	vor.u32 v1, v30;
	_ =	swait.ge [sflag:s24], $0x2000  }
0x138: {  	v35 =	vor.u32 v1, v31;
	[sflag:s24] =	ssyncset.done $0x0  }
0x139: {  	v36 =	vor.u32 v2, v30;
	[sflag:s24] =	ssyncadd.s32 $0xFFFFE000  }
0x13a: {  	v26 =	vor.u32 v2, v31;
	v21 =	vld.idx.msk [tilespmem:v32+s15+$0x0], $0xffff  }
0x13b: {  	v19 =	vor.u32 v3, v30;
	v22 =	vld.idx.msk [tilespmem:v33+s16+$0x0], $0xffff  }
0x13c: {  	v20 =	vor.u32 v3, v31;
	v23 =	vld.idx.msk [tilespmem:v34+s15+$0x0], $0xffff  }
0x13d: {  	v24 =	vld.idx.msk [tilespmem:v35+s16+$0x0], $0xffff  }
0x13e: {  	v25 =	vld.idx.msk [tilespmem:v36+s15+$0x0], $0xffff  }
0x13f: {  	(v2sf) =	vpush v13, $0xD;
	v26 =	vld.idx.msk [tilespmem:v26+s16+$0x0], $0xffff  }
0x140: {  	(v2sf) =	vpush v12, $0xD;
	v19 =	vld.idx.msk [tilespmem:v19+s15+$0x0], $0xffff;
	v21 =	vmul.f32 v22, v21  }
0x141: {  	v20 =	vld.idx.msk [tilespmem:v20+s16+$0x0], $0xffff  }
0x142: {  	v37 =	vmul.f32 v24, v23;
	v21 =	vadd.f32 $0.0e+00, v21;
	_ =	sdelay $0x1  }
0x143: {  	v38 =	vmul.f32 v26, v25;
	v21 =	vadd.f32 v37, v21;
	_ =	sdelay $0x1  }
0x144: {  	v19 =	vmul.f32 v20, v19;
	v21 =	vadd.f32 v38, v21;
	_ =	sdelay $0x1  }
0x145: {  	v19 =	vadd.f32 v19, v21;
	_ =	sdelay $0x1  }
0x146: {  	(xrf2) =	vadd.scan.msk.f32 $0xffff, v19;
	_ =	sdelay $0x3  }
0x147: {  	s5 =	spop (v2sf)  }
0x148: {  	s6 =	spop (v2sf)  }
0x149: {  	s30 =	sand.u32 $0xFFFFF80, s6  }
0x14a: {  	s10 =	sand.u32 $0xFFFFF80, s5;
	s30 =	sadd.s32 s1, s30  }
0x14b: {  	[tilespmem:s15], [sflag:$0x3] =	stream.strided.gather [hbm4b:s30+s11], $0x2000, s12, s11, $0x38;
	[tilespmem:$0x10700] =	vst v63  }
0x14c: {  	s10 =	sadd.s32 s2, s10  }
0x14d: {  	v39 =	vbroadcast v6, $0xA;
	[tilespmem:s16], [sflag:$0x4] =	stream.strided.gather [hbm4b:s10+s11], $0x2000, s12, s11, $0x38;
	v19, _, _ =	vpop (xrf2);
	[tilespmem:$0x10700] =	vst v63  }
0x14e: {  	v40 =	vbroadcast v7, $0xA;
	_ =	swait.ge [sflag:s25], $0x2000  }
0x14f: {  	v41 =	vor.u32 v0, v39;
	[sflag:s25] =	ssyncset.done $0x0  }
0x150: {  	v42 =	vor.u32 v0, v40;
	[sflag:s25] =	ssyncadd.s32 $0xFFFFE000  }
0x151: {  	v43 =	vor.u32 v1, v39;
	_ =	swait.ge [sflag:s26], $0x2000  }
0x152: {  	v44 =	vor.u32 v1, v40;
	[sflag:s26] =	ssyncset.done $0x0  }
0x153: {  	v45 =	vor.u32 v2, v39;
	[sflag:s26] =	ssyncadd.s32 $0xFFFFE000  }
0x154: {  	v27 =	vor.u32 v2, v40;
	v22 =	vld.idx.msk [tilespmem:v41+s17+$0x0], $0xffff  }
0x155: {  	v20 =	vor.u32 v3, v39;
	v23 =	vld.idx.msk [tilespmem:v42+s18+$0x0], $0xffff  }
0x156: {  	v21 =	vor.u32 v3, v40;
	v24 =	vld.idx.msk [tilespmem:v43+s17+$0x0], $0xffff  }
0x157: {  	v25 =	vld.idx.msk [tilespmem:v44+s18+$0x0], $0xffff  }
0x158: {  	v26 =	vld.idx.msk [tilespmem:v45+s17+$0x0], $0xffff  }
0x159: {  	(v2sf) =	vpush v13, $0xE;
	v27 =	vld.idx.msk [tilespmem:v27+s18+$0x0], $0xffff  }
0x15a: {  	(v2sf) =	vpush v12, $0xE;
	v20 =	vld.idx.msk [tilespmem:v20+s17+$0x0], $0xffff;
	v22 =	vmul.f32 v23, v22  }
0x15b: {  	v21 =	vld.idx.msk [tilespmem:v21+s18+$0x0], $0xffff  }
0x15c: {  	v46 =	vmul.f32 v25, v24;
	v22 =	vadd.f32 $0.0e+00, v22;
	_ =	sdelay $0x1  }
0x15d: {  	v47 =	vmul.f32 v27, v26;
	v22 =	vadd.f32 v46, v22;
	_ =	sdelay $0x1  }
0x15e: {  	v20 =	vmul.f32 v21, v20;
	v22 =	vadd.f32 v47, v22;
	_ =	sdelay $0x1  }
0x15f: {  	v20 =	vadd.f32 v20, v22;
	_ =	sdelay $0x1  }
0x160: {  	(xrf2) =	vadd.scan.msk.f32 $0xffff, v20;
	_ =	sdelay $0x3  }
0x161: {  	s7 =	spop (v2sf)  }
0x162: {  	s5 =	spop (v2sf)  }
0x163: {  	s30 =	sand.u32 $0xFFFFF80, s5  }
0x164: {  	s10 =	sand.u32 $0xFFFFF80, s7;
	s30 =	sadd.s32 s1, s30  }
0x165: {  	[tilespmem:s17], [sflag:$0x5] =	stream.strided.gather [hbm4b:s30+s11], $0x2000, s12, s11, $0x38;
	[tilespmem:$0x10700] =	vst v63  }
0x166: {  	s10 =	sadd.s32 s2, s10  }
0x167: {  	v48 =	vbroadcast v6, $0xB;
	[tilespmem:s18], [sflag:$0x6] =	stream.strided.gather [hbm4b:s10+s11], $0x2000, s12, s11, $0x38;
	v20, _, _ =	vpop (xrf2);
	[tilespmem:$0x10700] =	vst v63  }
0x168: {  	v49 =	vbroadcast v7, $0xB;
	_ =	swait.ge [sflag:s28], $0x2000  }
0x169: {  	v50 =	vor.u32 v0, v48;
	[sflag:s28] =	ssyncset.done $0x0  }
0x16a: {  	v51 =	vor.u32 v0, v49;
	[sflag:s28] =	ssyncadd.s32 $0xFFFFE000  }
0x16b: {  	v52 =	vor.u32 v1, v48;
	_ =	swait.ge [sflag:s29], $0x2000  }
0x16c: {  	v53 =	vor.u32 v1, v49;
	[sflag:s29] =	ssyncset.done $0x0  }
0x16d: {  	v54 =	vor.u32 v2, v48;
	[sflag:s29] =	ssyncadd.s32 $0xFFFFE000  }
0x16e: {  	v28 =	vor.u32 v2, v49;
	v23 =	vld.idx.msk [tilespmem:v50+s19+$0x0], $0xffff  }
0x16f: {  	v21 =	vor.u32 v3, v48;
	v24 =	vld.idx.msk [tilespmem:v51+s20+$0x0], $0xffff  }
0x170: {  	v22 =	vor.u32 v3, v49;
	v25 =	vld.idx.msk [tilespmem:v52+s19+$0x0], $0xffff  }
0x171: {  	v26 =	vld.idx.msk [tilespmem:v53+s20+$0x0], $0xffff  }
0x172: {  	v27 =	vld.idx.msk [tilespmem:v54+s19+$0x0], $0xffff  }
0x173: {  	(v2sf) =	vpush v13, $0xF;
	v55 =	vld.idx.msk [tilespmem:v28+s20+$0x0], $0xffff  }
0x174: {  	(v2sf) =	vpush v12, $0xF;
	v21 =	vld.idx.msk [tilespmem:v21+s19+$0x0], $0xffff;
	v56 =	vmul.f32 v24, v23  }
0x175: {  	v22 =	vld.idx.msk [tilespmem:v22+s20+$0x0], $0xffff  }
0x176: {  	v57 =	vmul.f32 v26, v25;
	v12 =	vadd.f32 $0.0e+00, v56;
	_ =	sdelay $0x1  }
0x177: {  	v13 =	vmul.f32 v55, v27;
	v12 =	vadd.f32 v57, v12;
	_ =	sdelay $0x1  }
0x178: {  	v58 =	vmul.f32 v22, v21;
	v12 =	vadd.f32 v13, v12;
	_ =	sdelay $0x1  }
0x179: {  	v12 =	vadd.f32 v58, v12;
	_ =	sdelay $0x1  }
0x17a: {  	(xrf2) =	vadd.scan.msk.f32 $0xffff, v12;
	_ =	sdelay $0x3  }
0x17b: {  	s6 =	spop (v2sf)  }
0x17c: {  	s7 =	spop (v2sf)  }
0x17d: {  	s30 =	sand.u32 $0xFFFFF80, s7  }
0x17e: {  	s10 =	sand.u32 $0xFFFFF80, s6;
	s30 =	sadd.s32 s1, s30  }
0x17f: {  	[tilespmem:s19], [sflag:$0x7] =	stream.strided.gather [hbm4b:s30+s11], $0x2000, s12, s11, $0x38;
	[tilespmem:$0x10700] =	vst v63  }
0x180: {  	s10 =	sadd.s32 s2, s10  }
0x181: {  	v59 =	vbroadcast v6, $0xC;
	[tilespmem:s20], [sflag:$0x8] =	stream.strided.gather [hbm4b:s10+s11], $0x2000, s12, s11, $0x38;
	v12, _, _ =	vpop (xrf2);
	[tilespmem:$0x10700] =	vst v63  }
0x182: {  	v60 =	vbroadcast v7, $0xC;
	_ =	swait.ge [sflag:s21], $0x2000  }
0x183: {  	v61 =	vor.u32 v0, v59;
	[sflag:s21] =	ssyncset.done $0x0  }
0x184: {  	v62 =	vor.u32 v0, v60;
	[sflag:s21] =	ssyncadd.s32 $0xFFFFE000  }
0x185: {  	v63 =	vor.u32 v1, v59;
	_ =	swait.ge [sflag:s22], $0x2000  }
0x186: {  	v30 =	vor.u32 v1, v60;
	[sflag:s22] =	ssyncset.done $0x0  }
0x187: {  	v31 =	vor.u32 v2, v59;
	[sflag:s22] =	ssyncadd.s32 $0xFFFFE000  }
0x188: {  	v32 =	vor.u32 v2, v60;
	v22 =	vld.idx.msk [tilespmem:v61+s13+$0x0], $0xffff  }
0x189: {  	v13 =	vor.u32 v3, v59;
	v23 =	vld.idx.msk [tilespmem:v62+s14+$0x0], $0xffff  }
0x18a: {  	v21 =	vor.u32 v3, v60;
	v24 =	vld.idx.msk [tilespmem:v63+s13+$0x0], $0xffff  }
0x18b: {  	v25 =	vld.idx.msk [tilespmem:v30+s14+$0x0], $0xffff  }
0x18c: {  	p0 =	seq.s32 s0, $0x7C0;
	v26 =	vld.idx.msk [tilespmem:v31+s13+$0x0], $0xffff  }
0x18d: {  	(v2sf) =	vpush @!p0 v5, $0x0;
	v27 =	vld.idx.msk [tilespmem:v32+s14+$0x0], $0xffff  }
0x18e: {  	(v2sf) =	vpush @!p0 v4, $0x0;
	v13 =	vld.idx.msk [tilespmem:v13+s13+$0x0], $0xffff;
	v22 =	vmul.f32 v23, v22  }
0x18f: {  	v21 =	vld.idx.msk [tilespmem:v21+s14+$0x0], $0xffff  }
0x190: {  	v33 =	vmul.f32 v25, v24;
	v22 =	vadd.f32 $0.0e+00, v22;
	_ =	sdelay $0x1  }
0x191: {  	v34 =	vmul.f32 v27, v26;
	v22 =	vadd.f32 v33, v22;
	_ =	sdelay $0x1  }
0x192: {  	v13 =	vmul.f32 v21, v13;
	v22 =	vadd.f32 v34, v22;
	_ =	sdelay $0x1  }
0x193: {  	v13 =	vadd.f32 v13, v22;
	_ =	sdelay $0x1  }
0x194: {  	(xrf2) =	vadd.scan.msk.f32 $0xffff, v13;
	_ =	sdelay $0x3  }
0x195: {  	s5 =	spop @!p0 (v2sf)  }
0x196: {  	s7 =	simm.s32 @!p0 $0x500;
	s10 =	spop @!p0 (v2sf)  }
0x197: {  	s30 =	simm.s32 @!p0 $0x7A1400;
	s10 =	sand.u32 @!p0 $0xFFFFF80, s10  }
0x198: {  	s5 =	sand.u32 @!p0 $0xFFFFF80, s5;
	s6 =	sadd.s32 @!p0 s1, s10;
	s10 =	simm.s32 @!p0 $0x400  }
0x199: {  	[tilespmem:s7], [sflag:$0x1] =	stream.strided.gather @!p0 [hbm4b:s6+s10], $0x2000, s30, s10, $0x38;
	[tilespmem:$0x10700] =	vst v63  }
0x19a: {  	s5 =	sadd.s32 @!p0 s2, s5;
	s6 =	simm.s32 @!p0 $0x8500  }
0x19b: {  	v35 =	vbroadcast v6, $0xD;
	[tilespmem:s6], [sflag:$0x2] =	stream.strided.gather @!p0 [hbm4b:s5+s10], $0x2000, s30, s10, $0x38;
	v13, _, _ =	vpop (xrf2);
	[tilespmem:$0x10700] =	vst v63  }
0x19c: {  	v36 =	vbroadcast v7, $0xD;
	_ =	swait.ge [sflag:s23], $0x2000  }
0x19d: {  	v37 =	vor.u32 v0, v35;
	[sflag:s23] =	ssyncset.done $0x0  }
0x19e: {  	v38 =	vor.u32 v0, v36;
	[sflag:s23] =	ssyncadd.s32 $0xFFFFE000  }
0x19f: {  	v39 =	vor.u32 v1, v35;
	_ =	swait.ge [sflag:s24], $0x2000  }
0x1a0: {  	v40 =	vor.u32 v1, v36;
	[sflag:s24] =	ssyncset.done $0x0  }
0x1a1: {  	v41 =	vor.u32 v2, v35;
	[sflag:s24] =	ssyncadd.s32 $0xFFFFE000  }
0x1a2: {  	v42 =	vor.u32 v2, v36;
	v23 =	vld.idx.msk [tilespmem:v37+s15+$0x0], $0xffff  }
0x1a3: {  	v21 =	vor.u32 v3, v35;
	v24 =	vld.idx.msk [tilespmem:v38+s16+$0x0], $0xffff  }
0x1a4: {  	v22 =	vor.u32 v3, v36;
	v25 =	vld.idx.msk [tilespmem:v39+s15+$0x0], $0xffff  }
0x1a5: {  	v26 =	vld.idx.msk [tilespmem:v40+s16+$0x0], $0xffff  }
0x1a6: {  	v27 =	vld.idx.msk [tilespmem:v41+s15+$0x0], $0xffff  }
0x1a7: {  	(v2sf) =	vpush @!p0 v5, $0x1;
	v28 =	vld.idx.msk [tilespmem:v42+s16+$0x0], $0xffff  }
0x1a8: {  	(v2sf) =	vpush @!p0 v4, $0x1;
	v21 =	vld.idx.msk [tilespmem:v21+s15+$0x0], $0xffff;
	v23 =	vmul.f32 v24, v23  }
0x1a9: {  	v22 =	vld.idx.msk [tilespmem:v22+s16+$0x0], $0xffff  }
0x1aa: {  	v43 =	vmul.f32 v26, v25;
	v23 =	vadd.f32 $0.0e+00, v23;
	_ =	sdelay $0x1  }
0x1ab: {  	v44 =	vmul.f32 v28, v27;
	v23 =	vadd.f32 v43, v23;
	_ =	sdelay $0x1  }
0x1ac: {  	v21 =	vmul.f32 v22, v21;
	v23 =	vadd.f32 v44, v23;
	_ =	sdelay $0x1  }
0x1ad: {  	v21 =	vadd.f32 v21, v23;
	_ =	sdelay $0x1  }
0x1ae: {  	(xrf2) =	vadd.scan.msk.f32 $0xffff, v21;
	_ =	sdelay $0x3  }
0x1af: {  	s5 =	spop @!p0 (v2sf)  }
0x1b0: {  	s6 =	spop @!p0 (v2sf)  }
0x1b1: {  	s6 =	sand.u32 @!p0 $0xFFFFF80, s6  }
0x1b2: {  	s7 =	simm.s32 @!p0 $0x2500;
	s5 =	sand.u32 @!p0 $0xFFFFF80, s5;
	s6 =	sadd.s32 @!p0 s1, s6  }
0x1b3: {  	[tilespmem:s7], [sflag:$0x3] =	stream.strided.gather @!p0 [hbm4b:s6+s10], $0x2000, s30, s10, $0x38;
	[tilespmem:$0x10700] =	vst v63  }
0x1b4: {  	s5 =	sadd.s32 @!p0 s2, s5;
	s6 =	simm.s32 @!p0 $0xA500  }
0x1b5: {  	v45 =	vbroadcast v6, $0xE;
	[tilespmem:s6], [sflag:$0x4] =	stream.strided.gather @!p0 [hbm4b:s5+s10], $0x2000, s30, s10, $0x38;
	v21, _, _ =	vpop (xrf2);
	[tilespmem:$0x10700] =	vst v63  }
0x1b6: {  	v46 =	vbroadcast v7, $0xE;
	_ =	swait.ge [sflag:s25], $0x2000  }
0x1b7: {  	v47 =	vor.u32 v0, v45;
	[sflag:s25] =	ssyncset.done $0x0  }
0x1b8: {  	v48 =	vor.u32 v0, v46;
	[sflag:s25] =	ssyncadd.s32 $0xFFFFE000  }
0x1b9: {  	v49 =	vor.u32 v1, v45;
	_ =	swait.ge [sflag:s26], $0x2000  }
0x1ba: {  	v50 =	vor.u32 v1, v46;
	[sflag:s26] =	ssyncset.done $0x0  }
0x1bb: {  	v51 =	vor.u32 v2, v45;
	[sflag:s26] =	ssyncadd.s32 $0xFFFFE000  }
0x1bc: {  	v29 =	vor.u32 v2, v46;
	v24 =	vld.idx.msk [tilespmem:v47+s17+$0x0], $0xffff  }
0x1bd: {  	v22 =	vor.u32 v3, v45;
	v25 =	vld.idx.msk [tilespmem:v48+s18+$0x0], $0xffff  }
0x1be: {  	v23 =	vor.u32 v3, v46;
	v26 =	vld.idx.msk [tilespmem:v49+s17+$0x0], $0xffff  }
0x1bf: {  	v27 =	vld.idx.msk [tilespmem:v50+s18+$0x0], $0xffff  }
0x1c0: {  	v28 =	vld.idx.msk [tilespmem:v51+s17+$0x0], $0xffff  }
0x1c1: {  	(v2sf) =	vpush @!p0 v5, $0x2;
	v29 =	vld.idx.msk [tilespmem:v29+s18+$0x0], $0xffff  }
0x1c2: {  	(v2sf) =	vpush @!p0 v4, $0x2;
	v22 =	vld.idx.msk [tilespmem:v22+s17+$0x0], $0xffff;
	v24 =	vmul.f32 v25, v24  }
0x1c3: {  	v23 =	vld.idx.msk [tilespmem:v23+s18+$0x0], $0xffff  }
0x1c4: {  	v52 =	vmul.f32 v27, v26;
	v24 =	vadd.f32 $0.0e+00, v24;
	_ =	sdelay $0x1  }
0x1c5: {  	v53 =	vmul.f32 v29, v28;
	v24 =	vadd.f32 v52, v24;
	_ =	sdelay $0x1  }
0x1c6: {  	v22 =	vmul.f32 v23, v22;
	v24 =	vadd.f32 v53, v24;
	_ =	sdelay $0x1  }
0x1c7: {  	v22 =	vadd.f32 v22, v24;
	_ =	sdelay $0x1  }
0x1c8: {  	(xrf2) =	vadd.scan.msk.f32 $0xffff, v22;
	_ =	sdelay $0x3  }
0x1c9: {  	s5 =	spop @!p0 (v2sf)  }
0x1ca: {  	s6 =	spop @!p0 (v2sf)  }
0x1cb: {  	s6 =	sand.u32 @!p0 $0xFFFFF80, s6  }
0x1cc: {  	s7 =	simm.s32 @!p0 $0x4500;
	s5 =	sand.u32 @!p0 $0xFFFFF80, s5;
	s6 =	sadd.s32 @!p0 s1, s6  }
0x1cd: {  	[tilespmem:s7], [sflag:$0x5] =	stream.strided.gather @!p0 [hbm4b:s6+s10], $0x2000, s30, s10, $0x38;
	[tilespmem:$0x10700] =	vst v63  }
0x1ce: {  	s5 =	sadd.s32 @!p0 s2, s5;
	s6 =	simm.s32 @!p0 $0xC500  }
0x1cf: {  	v6 =	vbroadcast v6, $0xF;
	[tilespmem:s6], [sflag:$0x6] =	stream.strided.gather @!p0 [hbm4b:s5+s10], $0x2000, s30, s10, $0x38;
	v22, _, _ =	vpop (xrf2);
	[tilespmem:$0x10700] =	vst v63  }
0x1d0: {  	v7 =	vbroadcast v7, $0xF;
	_ =	swait.ge [sflag:s28], $0x2000  }
0x1d1: {  	v54 =	vor.u32 v0, v6;
	[sflag:s28] =	ssyncset.done $0x0  }
0x1d2: {  	v55 =	vor.u32 v0, v7;
	[sflag:s28] =	ssyncadd.s32 $0xFFFFE000  }
0x1d3: {  	v56 =	vor.u32 v1, v6;
	_ =	swait.ge [sflag:s29], $0x2000  }
0x1d4: {  	v57 =	vor.u32 v1, v7;
	[sflag:s29] =	ssyncset.done $0x0  }
0x1d5: {  	v58 =	vor.u32 v2, v6;
	[sflag:s29] =	ssyncadd.s32 $0xFFFFE000  }
0x1d6: {  	v59 =	vor.u32 v2, v7;
	v23 =	vld.idx.msk [tilespmem:v54+s19+$0x0], $0xffff  }
0x1d7: {  	v6 =	vor.u32 v3, v6;
	v24 =	vld.idx.msk [tilespmem:v55+s20+$0x0], $0xffff  }
0x1d8: {  	v7 =	vor.u32 v3, v7;
	v25 =	vld.idx.msk [tilespmem:v56+s19+$0x0], $0xffff  }
0x1d9: {  	v26 =	vld.idx.msk [tilespmem:v57+s20+$0x0], $0xffff  }
0x1da: {  	v27 =	vld.idx.msk [tilespmem:v58+s19+$0x0], $0xffff  }
0x1db: {  	v28 =	vld.idx.msk [tilespmem:v59+s20+$0x0], $0xffff  }
0x1dc: {  	v6 =	vld.idx.msk [tilespmem:v6+s19+$0x0], $0xffff;
	v23 =	vmul.f32 v24, v23  }
0x1dd: {  	v7 =	vld.idx.msk [tilespmem:v7+s20+$0x0], $0xffff  }
0x1de: {  	v60 =	vmul.f32 v26, v25;
	v23 =	vadd.f32 $0.0e+00, v23;
	_ =	sdelay $0x1  }
0x1df: {  	v61 =	vmul.f32 v28, v27;
	v23 =	vadd.f32 v60, v23  }
0x1e0: {  	v8 =	vbroadcast v8, $0xF;
	v9 =	vbroadcast v9, $0xF  }
0x1e1: {  	v6 =	vmul.f32 v7, v6;
	v7 =	vbroadcast v10, $0xF;
	v23 =	vadd.f32 v61, v23  }
0x1e2: {  	v8 =	vsel vm0, v8, v9;
	v62 =	vbroadcast v11, $0xF  }
0x1e3: {  	v7 =	vsel vm1, v8, v7;
	v8 =	vbroadcast v14, $0xF;
	v6 =	vadd.f32 v6, v23  }
0x1e4: {  	v63 =	vbroadcast v15, $0xF;
	v7 =	vsel vm2, v7, v62  }
0x1e5: {  	v7 =	vsel vm3, v7, v8;
	(xrf2) =	vadd.scan.msk.f32 $0xffff, v6;
	v6 =	vbroadcast v16, $0xF  }
0x1e6: {  	v8 =	vbroadcast v17, $0xF;
	v7 =	vsel vm4, v7, v63  }
0x1e7: {  	v6 =	vsel vm5, v7, v6;
	v7 =	vbroadcast v18, $0xF  }
0x1e8: {  	v6 =	vsel vm6, v6, v8;
	v8 =	vbroadcast v19, $0xF  }
0x1e9: {  	v6 =	vsel vm7, v6, v7;
	v7 =	vbroadcast v20, $0xF  }
0x1ea: {  	v6 =	vsel vm8, v6, v8;
	v8 =	vbroadcast v12, $0xF  }
0x1eb: {  	v6 =	vsel vm9, v6, v7;
	v7 =	vbroadcast v13, $0xF  }
0x1ec: {  	v6 =	vsel vm10, v6, v8  }
0x1ed: {  	v6 =	vsel vm11, v6, v7;
	v7 =	vbroadcast v22, $0xF  }
.Ltmp2:
0x1ee: {  	v8 =	vbroadcast v21, $0xF;
	(pc) =	sbr.rel @p0 .LBB2_4-.Ltmp2, $4  }
0x1ef: {  	_ = 	snop  }
0x1f0: {  	v6 =	vsel vm12, v8, v6  }
0x1f1: {  	v6 =	vsel vm13, v7, v6;
	v7, _, _ =	vpop (xrf2)  }
0x1f2: {  	v6 =	vsel vm14, v6, v7  }
0x1f3: {  	(v2sf) =	vpush v5, $0x3  }
0x1f4: {  	(v2sf) =	vpush v4, $0x3;
	_ =	sdelay $0xd  }
0x1f5: {  	s5 =	spop (v2sf)  }
0x1f6: {  	s6 =	spop (v2sf)  }
0x1f7: {  	s6 =	sand.u32 $0xFFFFF80, s6  }
.Ltmp3:
0x1f8: {  	s5 =	sand.u32 $0xFFFFF80, s5;
	s6 =	sadd.s32 s1, s6;
	(pc) =	sbr.rel .LBB2_2-.Ltmp3, $4  }
0x1f9: {  	[tilespmem:s19], [sflag:$0x7] =	stream.strided.gather [hbm4b:s6+s11], $0x2000, s12, s11, $0x38;
	[tilespmem:$0x10700] =	vst v63  }
0x1fa: {  	s5 =	sadd.s32 s2, s5  }
0x1fb: {  	[tilespmem:s20], [sflag:$0x8] =	stream.strided.gather [hbm4b:s5+s11], $0x2000, s12, s11, $0x38;
	[tilespmem:$0x10700] =	vst v63  }
0x1fc: {  	s0 =	sadd.s32 $0x40, s0;
	[tilespmem:s3+$0x10500] =	vst v6  }
.LBB2_5:
0x1fd: {  	_ =	sfence.sel $0x180000  }
0x1fe: {  	[bflag:$0x0] =	sbarrier.arrive $0xFFFF  }
0x1ff: {  	_ =	strace $0x90000047  }
0x200: {  	s0 =	stileid.u32;
	[bflag:$0x2] =	sbarrier.arrive $0xFFFF  }
0x201: {  	p0 =	sne.s32 s0, $0x0;
	s0 =	rddreg [dreg:$0x5]  }
0x202: {  	s0 =	sadd.s32 @!p0 $0x100000, s0  }
0x203: {  	[sflag:s0] =	ssyncadd.tile.s32 @!p0 $0x1;
	_ =	shalt  }
.Lfunc_end2:
_tile_overlayer_lowered:
.L_overlay_start_2:
0x204: {  	(tag) =	ssettag $0x2  }
0x205: {  	s0 =	rddreg [dreg:$0x0];
	s2 =	stileid.u32  }
0x206: {  	s1 =	rddreg [dreg:$0x1];
	p0 =	sne.s32 s2, $0x0  }
0x207: {  	s3 =	rddreg [dreg:$0x2];
	[bflag:$0x3] =	sbarrier.arrive $0xFFFF;
	s2 =	simm.s32 @!p0 $0x1C09  }
0x208: {  	[timem:s3], [sflag:s2] =	dma.local @!p0 [hbm:s0], s1  }
0x209: {  	s0 =	simm.s32 @!p0 $0x9  }
0x20a: {  	_ =	swait.ge @!p0 [sflag:s0], s1  }
0x20b: {  	s1 =	ssub.s32 @!p0 $0x0, s1;
	[sflag:s0] =	ssyncset.done @!p0 $0x0  }
0x20c: {  	[sflag:s0] =	ssyncadd.s32 @!p0 s1  }
0x20d: {  	[bflag:$0x3] =	sbarrier.arrive $0xFFFF  }
0x20e: {  	_ =	shalt  }

</sc_bundles>
